<compile_context>
chip_gen: v7x
topology: tpu7x:2x2x1
jax: 0.10.2.dev20260603
libtpu: 0.0.44.dev20260713+nightly
codegen_flags: <defaults>
</compile_context>

<pallas_src>
import functools

import jax
import jax.numpy as jnp
from jax import lax
from jax.experimental import pallas as pl
from jax.experimental.pallas import tpu as pltpu
from jax.experimental.pallas import tpu_sc as plsc

N = 2048
H = 1024
I = 2048
E = 8
EP = 128
BT = 256
G = 24
P = G * BT
NW = 32
TPW = N // NW
CPW = 16

NEG = -3e38


def _route_body(x_ref, wr_ref, nb_ref, br_ref, pos_ref, w1_ref, w2_ref, meta_ref):
    x = x_ref[...]
    wr = wr_ref[...]
    y = lax.dot_general(x, wr, (((1,), (1,)), ((), ())),
                        preferred_element_type=jnp.float32)
    y = y + nb_ref[...] + br_ref[...]
    lane = lax.broadcasted_iota(jnp.int32, (N, E), 1)
    m1 = jnp.max(y, axis=1, keepdims=True)
    i1 = jnp.min(jnp.where(y == m1, lane, E + 1), axis=1, keepdims=True)
    y2 = jnp.where(lane == i1, NEG, y)
    m2 = jnp.max(y2, axis=1, keepdims=True)
    i2 = jnp.min(jnp.where(y2 == m2, lane, E + 1), axis=1, keepdims=True)
    e2 = jnp.exp(m2 - m1)
    w1 = 1.0 / (1.0 + e2)
    w2 = e2 / (1.0 + e2)

    oh1 = (lane == i1).astype(jnp.float32)
    oh2 = (lane == i2).astype(jnp.float32)
    assign = oh1 + oh2
    r = lax.broadcasted_iota(jnp.int32, (N, N), 0)
    c = lax.broadcasted_iota(jnp.int32, (N, N), 1)
    lt = (r >= c).astype(jnp.float32)
    cinc = lax.dot_general(lt, assign, (((1,), (0,)), ((), ())),
                           preferred_element_type=jnp.float32)
    cexc = cinc - assign
    cnt = cinc[N - 1:N, :]
    cnt_i = cnt.astype(jnp.int32)
    pc = ((cnt_i + (BT - 1)) // BT) * BT
    a = lax.broadcasted_iota(jnp.int32, (E, E), 0)
    b = lax.broadcasted_iota(jnp.int32, (E, E), 1)
    sl = (a < b).astype(jnp.float32)
    off = lax.dot_general(pc.astype(jnp.float32), sl, (((1,), (0,)), ((), ())),
                          preferred_element_type=jnp.float32)
    off_i = off.astype(jnp.int32)

    posf = off + cexc
    pos1 = jnp.sum(oh1 * posf, axis=1, keepdims=True).astype(jnp.int32)
    pos2 = jnp.sum(oh2 * posf, axis=1, keepdims=True).astype(jnp.int32)
    pos_ref[...] = ((lane == 0) * pos1 + (lane == 1) * pos2).astype(jnp.int32)
    w1_ref[...] = jnp.broadcast_to(w1, (N, EP))
    w2_ref[...] = jnp.broadcast_to(w2, (N, EP))

    gi = lax.broadcasted_iota(jnp.int32, (1, EP), 1)
    gstart = gi * BT
    ends = off_i + pc
    gid = jnp.zeros((1, EP), jnp.int32)
    for e in range(E):
        gid = gid + (gstart >= ends[:, e:e + 1]).astype(jnp.int32)
    gid = jnp.minimum(gid, E - 1)
    active = (gstart < ends[:, E - 1:E]).astype(jnp.int32)
    row = lax.broadcasted_iota(jnp.int32, (8, EP), 0)
    meta = jnp.where(row == 0, jnp.broadcast_to(gid, (8, EP)),
                     jnp.where(row == 1, jnp.broadcast_to(active, (8, EP)), 0))
    meta_ref[...] = meta.astype(jnp.int32)


def _route_call(x, Wr, nb, br):
    return pl.pallas_call(
        _route_body,
        out_shape=(
            jax.ShapeDtypeStruct((N, E), jnp.int32),
            jax.ShapeDtypeStruct((N, EP), jnp.float32),
            jax.ShapeDtypeStruct((N, EP), jnp.float32),
            jax.ShapeDtypeStruct((8, EP), jnp.int32),
        ),
    )(x, Wr, nb, br)


def _sc_mesh():
    return plsc.VectorSubcoreMesh(core_axis_name="c", subcore_axis_name="s",
                                  num_cores=2, num_subcores=16)


def _scatter_body(x_hbm, w1_hbm, w2_hbm, idx0_hbm, idx1_hbm,
                  xs_hbm, ws_hbm, xrows, w1rows, w2rows, i0v, i1v,
                  sa, sb, sc, sd, se):
    wid = lax.axis_index("s") * 2 + lax.axis_index("c")
    base = wid * TPW
    c_i0 = pltpu.async_copy(idx0_hbm.at[wid], i0v, sa)
    c_i1 = pltpu.async_copy(idx1_hbm.at[wid], i1v, sb)
    c_x = pltpu.async_copy(x_hbm.at[pl.ds(base, TPW)], xrows, sc)
    c_w1 = pltpu.async_copy(w1_hbm.at[pl.ds(base, TPW)], w1rows, sd)
    c_w2 = pltpu.async_copy(w2_hbm.at[pl.ds(base, TPW)], w2rows, se)
    c_i0.wait()
    c_i1.wait()
    c_x.wait()
    s0 = pltpu.async_copy(xrows, xs_hbm.at[i0v], sa)
    s1 = pltpu.async_copy(xrows, xs_hbm.at[i1v], sb)
    c_w1.wait()
    s2 = pltpu.async_copy(w1rows, ws_hbm.at[i0v], sc)
    c_w2.wait()
    s3 = pltpu.async_copy(w2rows, ws_hbm.at[i1v], sd)
    s0.wait()
    s1.wait()
    s2.wait()
    s3.wait()


@functools.lru_cache(maxsize=None)
def _scatter_kernel():
    return pl.kernel(
        _scatter_body,
        out_type=(
            jax.ShapeDtypeStruct((P, H), jnp.float32),
            jax.ShapeDtypeStruct((P, EP), jnp.float32),
        ),
        mesh=_sc_mesh(),
        scratch_types=[
            pltpu.VMEM((TPW, H), jnp.float32),
            pltpu.VMEM((TPW, EP), jnp.float32),
            pltpu.VMEM((TPW, EP), jnp.float32),
            pltpu.VMEM((TPW,), jnp.int32),
            pltpu.VMEM((TPW,), jnp.int32),
            pltpu.SemaphoreType.DMA,
            pltpu.SemaphoreType.DMA,
            pltpu.SemaphoreType.DMA,
            pltpu.SemaphoreType.DMA,
            pltpu.SemaphoreType.DMA,
        ],
    )


HH = H // 2


def _ffn_body(gid_ref, act_ref, xs_ref, ws_ref, win1_ref, win2_ref, bin_ref,
              wouta_ref, woutb_ref, bout_ref, y_ref):
    g = pl.program_id(0)

    @pl.when(act_ref[g] == 1)
    def _():
        xb = xs_ref[...]
        h1 = lax.dot_general(xb, win1_ref[0], (((1,), (1,)), ((), ())),
                             preferred_element_type=jnp.float32)
        h2 = lax.dot_general(xb, win2_ref[0], (((1,), (1,)), ((), ())),
                             preferred_element_type=jnp.float32)
        h1 = h1 + bin_ref[0][:, :I]
        h2 = h2 + bin_ref[0][:, I:]
        a = h1 * (1.0 / (1.0 + jnp.exp(-h2)))
        w = ws_ref[:, 0:1]
        eoa = lax.dot_general(a, wouta_ref[0], (((1,), (1,)), ((), ())),
                              preferred_element_type=jnp.float32)
        y_ref[:, :HH] = (eoa + bout_ref[0][:, :HH]) * w
        eob = lax.dot_general(a, woutb_ref[0], (((1,), (1,)), ((), ())),
                              preferred_element_type=jnp.float32)
        y_ref[:, HH:] = (eob + bout_ref[0][:, HH:]) * w


def _ffn_call(gids, act, xs, ws, W_in, b_in, W_out, b_out):
    grid_spec = pltpu.PrefetchScalarGridSpec(
        num_scalar_prefetch=2,
        grid=(G,),
        in_specs=[
            pl.BlockSpec((BT, H), lambda g, gid, a: (g, 0)),
            pl.BlockSpec((BT, EP), lambda g, gid, a: (g, 0)),
            pl.BlockSpec((1, I, H), lambda g, gid, a: (gid[g], 0, 0)),
            pl.BlockSpec((1, I, H), lambda g, gid, a: (gid[g], 1, 0)),
            pl.BlockSpec((1, 1, 2 * I), lambda g, gid, a: (gid[g], 0, 0)),
            pl.BlockSpec((1, HH, I), lambda g, gid, a: (gid[g], 0, 0)),
            pl.BlockSpec((1, HH, I), lambda g, gid, a: (gid[g], 1, 0)),
            pl.BlockSpec((1, 1, H), lambda g, gid, a: (gid[g], 0, 0)),
        ],
        out_specs=pl.BlockSpec((BT, H), lambda g, gid, a: (g, 0)),
    )
    return pl.pallas_call(
        _ffn_body,
        grid_spec=grid_spec,
        out_shape=jax.ShapeDtypeStruct((P, H), jnp.float32),
        compiler_params=pltpu.CompilerParams(
            dimension_semantics=("arbitrary",),
            vmem_limit_bytes=120 * 1024 * 1024),
    )(gids, act, xs, ws, W_in, W_in, b_in.reshape(E, 1, 2 * I),
      W_out, W_out, b_out.reshape(E, 1, H))


def _combine_body(y_hbm, g0_hbm, g1_hbm, out_hbm,
                  i0v, i1v, r0a, r1a, r0b, r1b, sa, sb, so0, so1):
    wid = lax.axis_index("s") * 2 + lax.axis_index("c")
    ci0 = pltpu.async_copy(g0_hbm.at[wid], i0v, sa)
    ci1 = pltpu.async_copy(g1_hbm.at[wid], i1v, sb)
    ci0.wait()
    ci1.wait()
    r0 = (r0a, r0b)
    r1 = (r1a, r1b)
    so = (so0, so1)
    pending = [None, None]
    for sub in range(TPW // CPW):
        s = sub % 2
        if pending[s] is not None:
            pending[s].wait()
        g0 = pltpu.async_copy(y_hbm.at[i0v.at[pl.ds(sub * CPW, CPW)]], r0[s], sa)
        g1 = pltpu.async_copy(y_hbm.at[i1v.at[pl.ds(sub * CPW, CPW)]], r1[s], sb)
        g0.wait()
        g1.wait()
        def body(i, _, rr0=r0[s], rr1=r1[s]):
            t = i // (H // 16)
            o = (i % (H // 16)) * 16
            rr0[t, pl.ds(o, 16)] = (rr0[t, pl.ds(o, 16)] +
                                    rr1[t, pl.ds(o, 16)])
            return 0
        lax.fori_loop(0, CPW * (H // 16), body, 0, unroll=8)
        pending[s] = pltpu.async_copy(
            r0[s], out_hbm.at[pl.ds(wid * TPW + sub * CPW, CPW)], so[s])
    for p in pending:
        if p is not None:
            p.wait()


@functools.lru_cache(maxsize=None)
def _combine_kernel():
    return pl.kernel(
        _combine_body,
        out_type=jax.ShapeDtypeStruct((N, H), jnp.float32),
        mesh=_sc_mesh(),
        scratch_types=[
            pltpu.VMEM((TPW,), jnp.int32),
            pltpu.VMEM((TPW,), jnp.int32),
            pltpu.VMEM((CPW, H), jnp.float32),
            pltpu.VMEM((CPW, H), jnp.float32),
            pltpu.VMEM((CPW, H), jnp.float32),
            pltpu.VMEM((CPW, H), jnp.float32),
            pltpu.SemaphoreType.DMA,
            pltpu.SemaphoreType.DMA,
            pltpu.SemaphoreType.DMA,
            pltpu.SemaphoreType.DMA,
        ],
    )


def kernel(x, Wr, br, W_in, b_in, W_out, b_out):
    u = jax.random.uniform(jax.random.key(42), (N, E), dtype=jnp.float32)
    noise = -jnp.log(-jnp.log(u + 1e-20) + 1e-20)

    pos, w1f, w2f, meta = _route_call(x, Wr, noise, br.reshape(1, E))
    pos0 = pos[:, 0].reshape(NW, TPW)
    pos1 = pos[:, 1].reshape(NW, TPW)

    xs, ws = _scatter_kernel()(x, w1f, w2f, pos0, pos1)
    gids = meta[0, :G]
    act = meta[1, :G]
    y = _ffn_call(gids, act, xs, ws, W_in, b_in, W_out, b_out)
    out = _combine_kernel()(y, pos0, pos1)
    return out

# --- scband reference (transcript-rebuilt; emitter-appended) ---
"""Pipeline reference for scband-mo-efeed-forward-31894427140183 (READ-ONLY COPY).

The authoritative reference and input builder live on the scoring server;
editing this copy changes nothing except your own understanding.
"""

import jax, jax.numpy as jnp
import numpy as np

NUM_EXPERTS = 8
TOP_K = 2


def setup_inputs(seed: int = 0) -> dict:
    key = jax.random.key(seed)
    ks = jax.random.split(key, 8)
    N, H, I = 2048, 1024, 2048
    x = jax.random.normal(ks[0], (N, H), dtype=jnp.float32)
    Wr = jax.random.normal(ks[1], (NUM_EXPERTS, H), dtype=jnp.float32) * 0.02
    br = jnp.zeros((NUM_EXPERTS,), dtype=jnp.float32)
    W_in = jax.random.normal(ks[2], (NUM_EXPERTS, 2 * I, H), dtype=jnp.float32) * 0.02
    b_in = jnp.zeros((NUM_EXPERTS, 2 * I), dtype=jnp.float32)
    W_out = jax.random.normal(ks[3], (NUM_EXPERTS, H, I), dtype=jnp.float32) * 0.02
    b_out = jnp.zeros((NUM_EXPERTS, H), dtype=jnp.float32)
    return {"x": x, "Wr": Wr, "br": br, "W_in": W_in, "b_in": b_in, "W_out": W_out, "b_out": b_out}


def reference(x, Wr, br, W_in, b_in, W_out, b_out):
    # Router + Gumbel top-2 (noise drawn from a fixed key; faithful to rand_like + gumbel transform)
    N = x.shape[0]
    logits = x @ Wr.T + br
    u = jax.random.uniform(jax.random.key(42), logits.shape, dtype=jnp.float32)
    noise = -jnp.log(-jnp.log(u + 1e-20) + 1e-20)
    y = (logits + noise) / 1.0
    vals, idxs = jax.lax.top_k(y, TOP_K)
    weights = jax.nn.softmax(vals, axis=-1)  # softmax over the TOP_K selected values, per token
    # Scatter the top-k weights into a dense [N, E] gate matrix
    gates = jnp.zeros((N, NUM_EXPERTS), dtype=x.dtype).at[jnp.arange(N)[:, None], idxs].add(weights)
    # Expert FFNs: Linear(H -> 2I) -> SwiGLU -> Linear(I -> H), computed densely then gated
    h = jnp.einsum('nd,efd->nef', x, W_in) + b_in  # [N, E, 2I]
    x1, x2 = jnp.split(h, 2, axis=-1)
    a = x1 * jax.nn.sigmoid(x2)  # SwiGLU: [N, E, I]
    eo = jnp.einsum('nei,ehi->neh', a, W_out) + b_out  # [N, E, H]
    out = jnp.sum(gates[:, :, None] * eo, axis=1)  # [N, H]
    # dropout is identity in eval mode
    return out

if __name__ == "__main__":
    import jax
    _d = setup_inputs()
    print(jax.jit(kernel)(*tuple(_d.values())))

</pallas_src>

<mosaic_0001>
#map = affine_map<(d0, d1) -> (0, 0)>
module attributes {stable_mosaic.version = 14 : i64} {
  func.func @_combine_body(%arg0: i32, %arg1: i32, %arg2: memref<6144x1024xf32, #tpu.memory_space<hbm>>, %arg3: memref<32x64xi32, #tpu.memory_space<hbm>>, %arg4: memref<32x64xi32, #tpu.memory_space<hbm>>, %arg5: memref<2048x1024xf32, #tpu.memory_space<hbm>>, %arg6: memref<64xi32, #tpu.memory_space<vmem>>, %arg7: memref<64xi32, #tpu.memory_space<vmem>>, %arg8: memref<16x1024xf32, #tpu.memory_space<vmem>>, %arg9: memref<16x1024xf32, #tpu.memory_space<vmem>>, %arg10: memref<16x1024xf32, #tpu.memory_space<vmem>>, %arg11: memref<16x1024xf32, #tpu.memory_space<vmem>>, %arg12: memref<!tpu.dma_semaphore, #tpu.memory_space<semaphore_mem>>, %arg13: memref<!tpu.dma_semaphore, #tpu.memory_space<semaphore_mem>>, %arg14: memref<!tpu.dma_semaphore, #tpu.memory_space<semaphore_mem>>, %arg15: memref<!tpu.dma_semaphore, #tpu.memory_space<semaphore_mem>>) attributes {dimension_semantics = [#tpu.dimension_semantics<core_parallel>, #tpu.dimension_semantics<subcore_parallel>], iteration_bounds = array<i64: 2, 16>, scalar_prefetch = 0 : i64, scratch_operands = 10 : i64, tpu.core_type = #tpu.core_type<sc_vector_subcore>, window_params = [{transform_indices = #map}, {transform_indices = #map}, {transform_indices = #map}, {transform_indices = #map}]} {
    %mul3A = arith.constant 2 : i32
    %mul3A_0 = arith.muli %arg1, %mul3A : i32
    %add3A = arith.addi %mul3A_0, %arg0 : i32
    %dma_start3A = arith.constant 0 : i32
    %dma_start3A_1 = tpu.memref_slice %arg3[%add3A, %dma_start3A] : memref<32x64xi32, #tpu.memory_space<hbm>> -> memref<1x64xi32, #tpu.memory_space<hbm>>
    %dma_start3A_2 = tpu.memref_squeeze %dma_start3A_1 : memref<1x64xi32, #tpu.memory_space<hbm>> -> memref<64xi32, #tpu.memory_space<hbm>>
    %dma_start3A_3 = arith.constant 0 : i32
    %dma_start3A_4 = tpu.memref_slice %arg3[%add3A, %dma_start3A_3] : memref<32x64xi32, #tpu.memory_space<hbm>> -> memref<1x64xi32, #tpu.memory_space<hbm>>
    %dma_start3A_5 = tpu.memref_squeeze %dma_start3A_4 : memref<1x64xi32, #tpu.memory_space<hbm>> -> memref<64xi32, #tpu.memory_space<hbm>>
    tpu.enqueue_dma source(%dma_start3A_5 : memref<64xi32, #tpu.memory_space<hbm>>) target(%arg6 : memref<64xi32, #tpu.memory_space<vmem>>) target_semaphore(%arg12 : memref<!tpu.dma_semaphore, #tpu.memory_space<semaphore_mem>>)
    %dma_start3A_6 = arith.constant 0 : i32
    %dma_start3A_7 = tpu.memref_slice %arg4[%add3A, %dma_start3A_6] : memref<32x64xi32, #tpu.memory_space<hbm>> -> memref<1x64xi32, #tpu.memory_space<hbm>>
    %dma_start3A_8 = tpu.memref_squeeze %dma_start3A_7 : memref<1x64xi32, #tpu.memory_space<hbm>> -> memref<64xi32, #tpu.memory_space<hbm>>
    %dma_start3A_9 = arith.constant 0 : i32
    %dma_start3A_10 = tpu.memref_slice %arg4[%add3A, %dma_start3A_9] : memref<32x64xi32, #tpu.memory_space<hbm>> -> memref<1x64xi32, #tpu.memory_space<hbm>>
    %dma_start3A_11 = tpu.memref_squeeze %dma_start3A_10 : memref<1x64xi32, #tpu.memory_space<hbm>> -> memref<64xi32, #tpu.memory_space<hbm>>
    tpu.enqueue_dma source(%dma_start3A_11 : memref<64xi32, #tpu.memory_space<hbm>>) target(%arg7 : memref<64xi32, #tpu.memory_space<vmem>>) target_semaphore(%arg13 : memref<!tpu.dma_semaphore, #tpu.memory_space<semaphore_mem>>)
    %dma_wait3A = arith.constant 0 : i32
    %dma_wait3A_12 = tpu.memref_slice %arg3[%add3A, %dma_wait3A] : memref<32x64xi32, #tpu.memory_space<hbm>> -> memref<1x64xi32, #tpu.memory_space<hbm>>
    %dma_wait3A_13 = tpu.memref_squeeze %dma_wait3A_12 : memref<1x64xi32, #tpu.memory_space<hbm>> -> memref<64xi32, #tpu.memory_space<hbm>>
    %dma_wait3A_14 = arith.constant 0 : i32
    %dma_wait3A_15 = tpu.memref_slice %arg3[%add3A, %dma_wait3A_14] : memref<32x64xi32, #tpu.memory_space<hbm>> -> memref<1x64xi32, #tpu.memory_space<hbm>>
    %dma_wait3A_16 = tpu.memref_squeeze %dma_wait3A_15 : memref<1x64xi32, #tpu.memory_space<hbm>> -> memref<64xi32, #tpu.memory_space<hbm>>
    tpu.wait_dma2 semaphore(%arg12 : memref<!tpu.dma_semaphore, #tpu.memory_space<semaphore_mem>>) src(%dma_wait3A_16 : memref<64xi32, #tpu.memory_space<hbm>>) dst(%arg6 : memref<64xi32, #tpu.memory_space<vmem>>)
    %dma_wait3A_17 = arith.constant 0 : i32
    %dma_wait3A_18 = tpu.memref_slice %arg4[%add3A, %dma_wait3A_17] : memref<32x64xi32, #tpu.memory_space<hbm>> -> memref<1x64xi32, #tpu.memory_space<hbm>>
    %dma_wait3A_19 = tpu.memref_squeeze %dma_wait3A_18 : memref<1x64xi32, #tpu.memory_space<hbm>> -> memref<64xi32, #tpu.memory_space<hbm>>
    %dma_wait3A_20 = arith.constant 0 : i32
    %dma_wait3A_21 = tpu.memref_slice %arg4[%add3A, %dma_wait3A_20] : memref<32x64xi32, #tpu.memory_space<hbm>> -> memref<1x64xi32, #tpu.memory_space<hbm>>
    %dma_wait3A_22 = tpu.memref_squeeze %dma_wait3A_21 : memref<1x64xi32, #tpu.memory_space<hbm>> -> memref<64xi32, #tpu.memory_space<hbm>>
    tpu.wait_dma2 semaphore(%arg13 : memref<!tpu.dma_semaphore, #tpu.memory_space<semaphore_mem>>) src(%dma_wait3A_22 : memref<64xi32, #tpu.memory_space<hbm>>) dst(%arg7 : memref<64xi32, #tpu.memory_space<vmem>>)
    %dma_start3A_23 = arith.constant 0 : i32
    %dma_start3A_24 = tpu.memref_slice %arg6[%dma_start3A_23] : memref<64xi32, #tpu.memory_space<vmem>> -> memref<16xi32, #tpu.memory_space<vmem>>
    %dma_start3A_25 = arith.constant 0 : i32
    %dma_start3A_26 = arith.constant 0 : i32
    %dma_start3A_27 = tpu.memref_slice %arg2[%dma_start3A_25, %dma_start3A_26] : memref<6144x1024xf32, #tpu.memory_space<hbm>> -> memref<6144x1024xf32, #tpu.memory_space<hbm>>
    tpu.enqueue_indirect_dma source(%dma_start3A_27 : memref<6144x1024xf32, #tpu.memory_space<hbm>>) target(%arg8 : memref<16x1024xf32, #tpu.memory_space<vmem>>) offsets(%dma_start3A_24 : memref<16xi32, #tpu.memory_space<vmem>>) semaphore(%arg12 : memref<!tpu.dma_semaphore, #tpu.memory_space<semaphore_mem>>)
    %dma_start3A_28 = arith.constant 0 : i32
    %dma_start3A_29 = tpu.memref_slice %arg7[%dma_start3A_28] : memref<64xi32, #tpu.memory_space<vmem>> -> memref<16xi32, #tpu.memory_space<vmem>>
    %dma_start3A_30 = arith.constant 0 : i32
    %dma_start3A_31 = arith.constant 0 : i32
    %dma_start3A_32 = tpu.memref_slice %arg2[%dma_start3A_30, %dma_start3A_31] : memref<6144x1024xf32, #tpu.memory_space<hbm>> -> memref<6144x1024xf32, #tpu.memory_space<hbm>>
    tpu.enqueue_indirect_dma source(%dma_start3A_32 : memref<6144x1024xf32, #tpu.memory_space<hbm>>) target(%arg9 : memref<16x1024xf32, #tpu.memory_space<vmem>>) offsets(%dma_start3A_29 : memref<16xi32, #tpu.memory_space<vmem>>) semaphore(%arg13 : memref<!tpu.dma_semaphore, #tpu.memory_space<semaphore_mem>>)
    %dma_wait3A_33 = arith.constant 0 : i32
    %dma_wait3A_34 = tpu.memref_slice %arg6[%dma_wait3A_33] : memref<64xi32, #tpu.memory_space<vmem>> -> memref<16xi32, #tpu.memory_space<vmem>>
    %dma_wait3A_35 = arith.constant 0 : i32
    %dma_wait3A_36 = arith.constant 0 : i32
    %dma_wait3A_37 = tpu.memref_slice %arg2[%dma_wait3A_35, %dma_wait3A_36] : memref<6144x1024xf32, #tpu.memory_space<hbm>> -> memref<6144x1024xf32, #tpu.memory_space<hbm>>
    tpu.wait_indirect_dma semaphore(%arg12 : memref<!tpu.dma_semaphore, #tpu.memory_space<semaphore_mem>>) src(%dma_wait3A_37 : memref<6144x1024xf32, #tpu.memory_space<hbm>>) dst(%arg8 : memref<16x1024xf32, #tpu.memory_space<vmem>>)
    %dma_wait3A_38 = arith.constant 0 : i32
    %dma_wait3A_39 = tpu.memref_slice %arg7[%dma_wait3A_38] : memref<64xi32, #tpu.memory_space<vmem>> -> memref<16xi32, #tpu.memory_space<vmem>>
    %dma_wait3A_40 = arith.constant 0 : i32
    %dma_wait3A_41 = arith.constant 0 : i32
    %dma_wait3A_42 = tpu.memref_slice %arg2[%dma_wait3A_40, %dma_wait3A_41] : memref<6144x1024xf32, #tpu.memory_space<hbm>> -> memref<6144x1024xf32, #tpu.memory_space<hbm>>
    tpu.wait_indirect_dma semaphore(%arg13 : memref<!tpu.dma_semaphore, #tpu.memory_space<semaphore_mem>>) src(%dma_wait3A_42 : memref<6144x1024xf32, #tpu.memory_space<hbm>>) dst(%arg9 : memref<16x1024xf32, #tpu.memory_space<vmem>>)
    %scan3A = arith.constant 0 : i32
    %scan3A_43 = arith.constant 0 : i32
    %scan3A_44 = arith.constant 1024 : i32
    %scan3A_45 = arith.addi %scan3A_43, %scan3A_44 : i32
    %scan3A_46 = arith.constant 8 : i32
    %scan3A_47 = scf.for %scan3A_178 = %scan3A_43 to %scan3A_45 step %scan3A_46 iter_args(%scan3A_179 = %scan3A) -> (i32)  : i32 {
      %jit3A = arith.constant 64 : i32
      %div3A = arith.divsi %scan3A_178, %jit3A : i32
      %sign3A = arith.constant 0 : i32
      %sign3A_180 = arith.cmpi sgt, %scan3A_178, %sign3A : i32
      %sign3A_181 = arith.extui %sign3A_180 : i1 to i32
      %sign3A_182 = arith.constant 0 : i32
      %sign3A_183 = arith.cmpi slt, %scan3A_178, %sign3A_182 : i32
      %sign3A_184 = arith.extui %sign3A_183 : i1 to i32
      %sign3A_185 = arith.subi %sign3A_181, %sign3A_184 : i32
      %sign3A_186 = arith.constant 0 : i32
      %sign3A_187 = arith.cmpi sgt, %jit3A, %sign3A_186 : i32
      %sign3A_188 = arith.extui %sign3A_187 : i1 to i32
      %sign3A_189 = arith.constant 0 : i32
      %sign3A_190 = arith.cmpi slt, %jit3A, %sign3A_189 : i32
      %sign3A_191 = arith.extui %sign3A_190 : i1 to i32
      %sign3A_192 = arith.subi %sign3A_188, %sign3A_191 : i32
      %ne3A = arith.cmpi ne, %sign3A_185, %sign3A_192 : i32
      %rem3A = arith.remsi %scan3A_178, %jit3A : i32
      %ne3A_193 = arith.constant 0 : i32
      %ne3A_194 = arith.cmpi ne, %rem3A, %ne3A_193 : i32
      %and3A = arith.andi %ne3A, %ne3A_194 : i1
      %sub3A = arith.constant 1 : i32
      %sub3A_195 = arith.subi %div3A, %sub3A : i32
      %select_n3A = arith.select %and3A, %sub3A_195, %div3A : i32
      %jit3A_196 = arith.constant 64 : i32
      %eq3A = arith.constant 0 : i32
      %eq3A_197 = arith.cmpi eq, %jit3A_196, %eq3A : i32
      %jit3A_198 = arith.constant 1 : i32
      %select_n3A_199 = arith.select %eq3A_197, %jit3A_198, %jit3A_196 : i32
      %rem3A_200 = arith.remsi %scan3A_178, %select_n3A_199 : i32
      %ne3A_201 = arith.constant 0 : i32
      %ne3A_202 = arith.cmpi ne, %rem3A_200, %ne3A_201 : i32
      %lt3A = arith.constant 0 : i32
      %lt3A_203 = arith.cmpi slt, %rem3A_200, %lt3A : i32
      %lt3A_204 = arith.constant 0 : i32
      %lt3A_205 = arith.cmpi slt, %select_n3A_199, %lt3A_204 : i32
      %ne3A_206 = arith.xori %lt3A_203, %lt3A_205 : i1
      %and3A_207 = arith.andi %ne3A_206, %ne3A_202 : i1
      %add3A_208 = arith.addi %rem3A_200, %select_n3A_199 : i32
      %select_n3A_209 = arith.select %and3A_207, %add3A_208, %rem3A_200 : i32
      %mul3A_210 = arith.constant 16 : i32
      %mul3A_211 = arith.muli %select_n3A_209, %mul3A_210 : i32
      %get3A = arith.index_cast %select_n3A : i32 to index
      %get3A_212 = arith.index_cast %mul3A_211 : i32 to index
      %get3A_213 = tpu.vector_load %arg8[%get3A, %get3A_212] {strides = array<i32>} : memref<16x1024xf32, #tpu.memory_space<vmem>>, vector<1x16xf32>,
      %get3A_214 = vector.shape_cast %get3A_213 : vector<1x16xf32> to vector<16xf32>
      %get3A_215 = arith.index_cast %select_n3A : i32 to index
      %get3A_216 = arith.index_cast %mul3A_211 : i32 to index
      %get3A_217 = tpu.vector_load %arg9[%get3A_215, %get3A_216] {strides = array<i32>} : memref<16x1024xf32, #tpu.memory_space<vmem>>, vector<1x16xf32>,
      %get3A_218 = vector.shape_cast %get3A_217 : vector<1x16xf32> to vector<16xf32>
      %add3A_219 = arith.addf %get3A_214, %get3A_218 : vector<16xf32>
      %swap3A = arith.index_cast %select_n3A : i32 to index
      %swap3A_220 = arith.index_cast %mul3A_211 : i32 to index
      %swap3A_221 = tpu.vector_load %arg8[%swap3A, %swap3A_220] {strides = array<i32>} : memref<16x1024xf32, #tpu.memory_space<vmem>>, vector<1x16xf32>,
      %swap3A_222 = vector.shape_cast %swap3A_221 : vector<1x16xf32> to vector<16xf32>
      %swap3A_223 = vector.shape_cast %add3A_219 : vector<16xf32> to vector<1x16xf32>
      tpu.vector_store %arg8[%swap3A, %swap3A_220], %swap3A_223 {strides = array<i32>} : memref<16x1024xf32, #tpu.memory_space<vmem>>, vector<1x16xf32>,
      %scan3A_224 = arith.constant 0 : i32
      %scan3A_225 = arith.constant 1 : i32
      %scan3A_226 = arith.addi %scan3A_178, %scan3A_225 : i32
      %jit3A_227 = arith.constant 64 : i32
      %div3A_228 = arith.divsi %scan3A_226, %jit3A_227 : i32
      %sign3A_229 = arith.constant 0 : i32
      %sign3A_230 = arith.cmpi sgt, %scan3A_226, %sign3A_229 : i32
      %sign3A_231 = arith.extui %sign3A_230 : i1 to i32
      %sign3A_232 = arith.constant 0 : i32
      %sign3A_233 = arith.cmpi slt, %scan3A_226, %sign3A_232 : i32
      %sign3A_234 = arith.extui %sign3A_233 : i1 to i32
      %sign3A_235 = arith.subi %sign3A_231, %sign3A_234 : i32
      %sign3A_236 = arith.constant 0 : i32
      %sign3A_237 = arith.cmpi sgt, %jit3A_227, %sign3A_236 : i32
      %sign3A_238 = arith.extui %sign3A_237 : i1 to i32
      %sign3A_239 = arith.constant 0 : i32
      %sign3A_240 = arith.cmpi slt, %jit3A_227, %sign3A_239 : i32
      %sign3A_241 = arith.extui %sign3A_240 : i1 to i32
      %sign3A_242 = arith.subi %sign3A_238, %sign3A_241 : i32
      %ne3A_243 = arith.cmpi ne, %sign3A_235, %sign3A_242 : i32
      %rem3A_244 = arith.remsi %scan3A_226, %jit3A_227 : i32
      %ne3A_245 = arith.constant 0 : i32
      %ne3A_246 = arith.cmpi ne, %rem3A_244, %ne3A_245 : i32
      %and3A_247 = arith.andi %ne3A_243, %ne3A_246 : i1
      %sub3A_248 = arith.constant 1 : i32
      %sub3A_249 = arith.subi %div3A_228, %sub3A_248 : i32
      %select_n3A_250 = arith.select %and3A_247, %sub3A_249, %div3A_228 : i32
      %jit3A_251 = arith.constant 64 : i32
      %eq3A_252 = arith.constant 0 : i32
      %eq3A_253 = arith.cmpi eq, %jit3A_251, %eq3A_252 : i32
      %jit3A_254 = arith.constant 1 : i32
      %select_n3A_255 = arith.select %eq3A_253, %jit3A_254, %jit3A_251 : i32
      %rem3A_256 = arith.remsi %scan3A_226, %select_n3A_255 : i32
      %ne3A_257 = arith.constant 0 : i32
      %ne3A_258 = arith.cmpi ne, %rem3A_256, %ne3A_257 : i32
      %lt3A_259 = arith.constant 0 : i32
      %lt3A_260 = arith.cmpi slt, %rem3A_256, %lt3A_259 : i32
      %lt3A_261 = arith.constant 0 : i32
      %lt3A_262 = arith.cmpi slt, %select_n3A_255, %lt3A_261 : i32
      %ne3A_263 = arith.xori %lt3A_260, %lt3A_262 : i1
      %and3A_264 = arith.andi %ne3A_263, %ne3A_258 : i1
      %add3A_265 = arith.addi %rem3A_256, %select_n3A_255 : i32
      %select_n3A_266 = arith.select %and3A_264, %add3A_265, %rem3A_256 : i32
      %mul3A_267 = arith.constant 16 : i32
      %mul3A_268 = arith.muli %select_n3A_266, %mul3A_267 : i32
      %get3A_269 = arith.index_cast %select_n3A_250 : i32 to index
      %get3A_270 = arith.index_cast %mul3A_268 : i32 to index
      %get3A_271 = tpu.vector_load %arg8[%get3A_269, %get3A_270] {strides = array<i32>} : memref<16x1024xf32, #tpu.memory_space<vmem>>, vector<1x16xf32>,
      %get3A_272 = vector.shape_cast %get3A_271 : vector<1x16xf32> to vector<16xf32>
      %get3A_273 = arith.index_cast %select_n3A_250 : i32 to index
      %get3A_274 = arith.index_cast %mul3A_268 : i32 to index
      %get3A_275 = tpu.vector_load %arg9[%get3A_273, %get3A_274] {strides = array<i32>} : memref<16x1024xf32, #tpu.memory_space<vmem>>, vector<1x16xf32>,
      %get3A_276 = vector.shape_cast %get3A_275 : vector<1x16xf32> to vector<16xf32>
      %add3A_277 = arith.addf %get3A_272, %get3A_276 : vector<16xf32>
      %swap3A_278 = arith.index_cast %select_n3A_250 : i32 to index
      %swap3A_279 = arith.index_cast %mul3A_268 : i32 to index
      %swap3A_280 = tpu.vector_load %arg8[%swap3A_278, %swap3A_279] {strides = array<i32>} : memref<16x1024xf32, #tpu.memory_space<vmem>>, vector<1x16xf32>,
      %swap3A_281 = vector.shape_cast %swap3A_280 : vector<1x16xf32> to vector<16xf32>
      %swap3A_282 = vector.shape_cast %add3A_277 : vector<16xf32> to vector<1x16xf32>
      tpu.vector_store %arg8[%swap3A_278, %swap3A_279], %swap3A_282 {strides = array<i32>} : memref<16x1024xf32, #tpu.memory_space<vmem>>, vector<1x16xf32>,
      %scan3A_283 = arith.constant 0 : i32
      %scan3A_284 = arith.constant 2 : i32
      %scan3A_285 = arith.addi %scan3A_178, %scan3A_284 : i32
      %jit3A_286 = arith.constant 64 : i32
      %div3A_287 = arith.divsi %scan3A_285, %jit3A_286 : i32
      %sign3A_288 = arith.constant 0 : i32
      %sign3A_289 = arith.cmpi sgt, %scan3A_285, %sign3A_288 : i32
      %sign3A_290 = arith.extui %sign3A_289 : i1 to i32
      %sign3A_291 = arith.constant 0 : i32
      %sign3A_292 = arith.cmpi slt, %scan3A_285, %sign3A_291 : i32
      %sign3A_293 = arith.extui %sign3A_292 : i1 to i32
      %sign3A_294 = arith.subi %sign3A_290, %sign3A_293 : i32
      %sign3A_295 = arith.constant 0 : i32
      %sign3A_296 = arith.cmpi sgt, %jit3A_286, %sign3A_295 : i32
      %sign3A_297 = arith.extui %sign3A_296 : i1 to i32
      %sign3A_298 = arith.constant 0 : i32
      %sign3A_299 = arith.cmpi slt, %jit3A_286, %sign3A_298 : i32
      %sign3A_300 = arith.extui %sign3A_299 : i1 to i32
      %sign3A_301 = arith.subi %sign3A_297, %sign3A_300 : i32
      %ne3A_302 = arith.cmpi ne, %sign3A_294, %sign3A_301 : i32
      %rem3A_303 = arith.remsi %scan3A_285, %jit3A_286 : i32
      %ne3A_304 = arith.constant 0 : i32
      %ne3A_305 = arith.cmpi ne, %rem3A_303, %ne3A_304 : i32
      %and3A_306 = arith.andi %ne3A_302, %ne3A_305 : i1
      %sub3A_307 = arith.constant 1 : i32
      %sub3A_308 = arith.subi %div3A_287, %sub3A_307 : i32
      %select_n3A_309 = arith.select %and3A_306, %sub3A_308, %div3A_287 : i32
      %jit3A_310 = arith.constant 64 : i32
      %eq3A_311 = arith.constant 0 : i32
      %eq3A_312 = arith.cmpi eq, %jit3A_310, %eq3A_311 : i32
      %jit3A_313 = arith.constant 1 : i32
      %select_n3A_314 = arith.select %eq3A_312, %jit3A_313, %jit3A_310 : i32
      %rem3A_315 = arith.remsi %scan3A_285, %select_n3A_314 : i32
      %ne3A_316 = arith.constant 0 : i32
      %ne3A_317 = arith.cmpi ne, %rem3A_315, %ne3A_316 : i32
      %lt3A_318 = arith.constant 0 : i32
      %lt3A_319 = arith.cmpi slt, %rem3A_315, %lt3A_318 : i32
      %lt3A_320 = arith.constant 0 : i32
      %lt3A_321 = arith.cmpi slt, %select_n3A_314, %lt3A_320 : i32
      %ne3A_322 = arith.xori %lt3A_319, %lt3A_321 : i1
      %and3A_323 = arith.andi %ne3A_322, %ne3A_317 : i1
      %add3A_324 = arith.addi %rem3A_315, %select_n3A_314 : i32
      %select_n3A_325 = arith.select %and3A_323, %add3A_324, %rem3A_315 : i32
      %mul3A_326 = arith.constant 16 : i32
      %mul3A_327 = arith.muli %select_n3A_325, %mul3A_326 : i32
      %get3A_328 = arith.index_cast %select_n3A_309 : i32 to index
      %get3A_329 = arith.index_cast %mul3A_327 : i32 to index
      %get3A_330 = tpu.vector_load %arg8[%get3A_328, %get3A_329] {strides = array<i32>} : memref<16x1024xf32, #tpu.memory_space<vmem>>, vector<1x16xf32>,
      %get3A_331 = vector.shape_cast %get3A_330 : vector<1x16xf32> to vector<16xf32>
      %get3A_332 = arith.index_cast %select_n3A_309 : i32 to index
      %get3A_333 = arith.index_cast %mul3A_327 : i32 to index
      %get3A_334 = tpu.vector_load %arg9[%get3A_332, %get3A_333] {strides = array<i32>} : memref<16x1024xf32, #tpu.memory_space<vmem>>, vector<1x16xf32>,
      %get3A_335 = vector.shape_cast %get3A_334 : vector<1x16xf32> to vector<16xf32>
      %add3A_336 = arith.addf %get3A_331, %get3A_335 : vector<16xf32>
      %swap3A_337 = arith.index_cast %select_n3A_309 : i32 to index
      %swap3A_338 = arith.index_cast %mul3A_327 : i32 to index
      %swap3A_339 = tpu.vector_load %arg8[%swap3A_337, %swap3A_338] {strides = array<i32>} : memref<16x1024xf32, #tpu.memory_space<vmem>>, vector<1x16xf32>,
      %swap3A_340 = vector.shape_cast %swap3A_339 : vector<1x16xf32> to vector<16xf32>
      %swap3A_341 = vector.shape_cast %add3A_336 : vector<16xf32> to vector<1x16xf32>
      tpu.vector_store %arg8[%swap3A_337, %swap3A_338], %swap3A_341 {strides = array<i32>} : memref<16x1024xf32, #tpu.memory_space<vmem>>, vector<1x16xf32>,
      %scan3A_342 = arith.constant 0 : i32
      %scan3A_343 = arith.constant 3 : i32
      %scan3A_344 = arith.addi %scan3A_178, %scan3A_343 : i32
      %jit3A_345 = arith.constant 64 : i32
      %div3A_346 = arith.divsi %scan3A_344, %jit3A_345 : i32
      %sign3A_347 = arith.constant 0 : i32
      %sign3A_348 = arith.cmpi sgt, %scan3A_344, %sign3A_347 : i32
      %sign3A_349 = arith.extui %sign3A_348 : i1 to i32
      %sign3A_350 = arith.constant 0 : i32
      %sign3A_351 = arith.cmpi slt, %scan3A_344, %sign3A_350 : i32
      %sign3A_352 = arith.extui %sign3A_351 : i1 to i32
      %sign3A_353 = arith.subi %sign3A_349, %sign3A_352 : i32
      %sign3A_354 = arith.constant 0 : i32
      %sign3A_355 = arith.cmpi sgt, %jit3A_345, %sign3A_354 : i32
      %sign3A_356 = arith.extui %sign3A_355 : i1 to i32
      %sign3A_357 = arith.constant 0 : i32
      %sign3A_358 = arith.cmpi slt, %jit3A_345, %sign3A_357 : i32
      %sign3A_359 = arith.extui %sign3A_358 : i1 to i32
      %sign3A_360 = arith.subi %sign3A_356, %sign3A_359 : i32
      %ne3A_361 = arith.cmpi ne, %sign3A_353, %sign3A_360 : i32
      %rem3A_362 = arith.remsi %scan3A_344, %jit3A_345 : i32
      %ne3A_363 = arith.constant 0 : i32
      %ne3A_364 = arith.cmpi ne, %rem3A_362, %ne3A_363 : i32
      %and3A_365 = arith.andi %ne3A_361, %ne3A_364 : i1
      %sub3A_366 = arith.constant 1 : i32
      %sub3A_367 = arith.subi %div3A_346, %sub3A_366 : i32
      %select_n3A_368 = arith.select %and3A_365, %sub3A_367, %div3A_346 : i32
      %jit3A_369 = arith.constant 64 : i32
      %eq3A_370 = arith.constant 0 : i32
      %eq3A_371 = arith.cmpi eq, %jit3A_369, %eq3A_370 : i32
      %jit3A_372 = arith.constant 1 : i32
      %select_n3A_373 = arith.select %eq3A_371, %jit3A_372, %jit3A_369 : i32
      %rem3A_374 = arith.remsi %scan3A_344, %select_n3A_373 : i32
      %ne3A_375 = arith.constant 0 : i32
      %ne3A_376 = arith.cmpi ne, %rem3A_374, %ne3A_375 : i32
      %lt3A_377 = arith.constant 0 : i32
      %lt3A_378 = arith.cmpi slt, %rem3A_374, %lt3A_377 : i32
      %lt3A_379 = arith.constant 0 : i32
      %lt3A_380 = arith.cmpi slt, %select_n3A_373, %lt3A_379 : i32
      %ne3A_381 = arith.xori %lt3A_378, %lt3A_380 : i1
      %and3A_382 = arith.andi %ne3A_381, %ne3A_376 : i1
      %add3A_383 = arith.addi %rem3A_374, %select_n3A_373 : i32
      %select_n3A_384 = arith.select %and3A_382, %add3A_383, %rem3A_374 : i32
      %mul3A_385 = arith.constant 16 : i32
      %mul3A_386 = arith.muli %select_n3A_384, %mul3A_385 : i32
      %get3A_387 = arith.index_cast %select_n3A_368 : i32 to index
      %get3A_388 = arith.index_cast %mul3A_386 : i32 to index
      %get3A_389 = tpu.vector_load %arg8[%get3A_387, %get3A_388] {strides = array<i32>} : memref<16x1024xf32, #tpu.memory_space<vmem>>, vector<1x16xf32>,
      %get3A_390 = vector.shape_cast %get3A_389 : vector<1x16xf32> to vector<16xf32>
      %get3A_391 = arith.index_cast %select_n3A_368 : i32 to index
      %get3A_392 = arith.index_cast %mul3A_386 : i32 to index
      %get3A_393 = tpu.vector_load %arg9[%get3A_391, %get3A_392] {strides = array<i32>} : memref<16x1024xf32, #tpu.memory_space<vmem>>, vector<1x16xf32>,
      %get3A_394 = vector.shape_cast %get3A_393 : vector<1x16xf32> to vector<16xf32>
      %add3A_395 = arith.addf %get3A_390, %get3A_394 : vector<16xf32>
      %swap3A_396 = arith.index_cast %select_n3A_368 : i32 to index
      %swap3A_397 = arith.index_cast %mul3A_386 : i32 to index
      %swap3A_398 = tpu.vector_load %arg8[%swap3A_396, %swap3A_397] {strides = array<i32>} : memref<16x1024xf32, #tpu.memory_space<vmem>>, vector<1x16xf32>,
      %swap3A_399 = vector.shape_cast %swap3A_398 : vector<1x16xf32> to vector<16xf32>
      %swap3A_400 = vector.shape_cast %add3A_395 : vector<16xf32> to vector<1x16xf32>
      tpu.vector_store %arg8[%swap3A_396, %swap3A_397], %swap3A_400 {strides = array<i32>} : memref<16x1024xf32, #tpu.memory_space<vmem>>, vector<1x16xf32>,
      %scan3A_401 = arith.constant 0 : i32
      %scan3A_402 = arith.constant 4 : i32
      %scan3A_403 = arith.addi %scan3A_178, %scan3A_402 : i32
      %jit3A_404 = arith.constant 64 : i32
      %div3A_405 = arith.divsi %scan3A_403, %jit3A_404 : i32
      %sign3A_406 = arith.constant 0 : i32
      %sign3A_407 = arith.cmpi sgt, %scan3A_403, %sign3A_406 : i32
      %sign3A_408 = arith.extui %sign3A_407 : i1 to i32
      %sign3A_409 = arith.constant 0 : i32
      %sign3A_410 = arith.cmpi slt, %scan3A_403, %sign3A_409 : i32
      %sign3A_411 = arith.extui %sign3A_410 : i1 to i32
      %sign3A_412 = arith.subi %sign3A_408, %sign3A_411 : i32
      %sign3A_413 = arith.constant 0 : i32
      %sign3A_414 = arith.cmpi sgt, %jit3A_404, %sign3A_413 : i32
      %sign3A_415 = arith.extui %sign3A_414 : i1 to i32
      %sign3A_416 = arith.constant 0 : i32
      %sign3A_417 = arith.cmpi slt, %jit3A_404, %sign3A_416 : i32
      %sign3A_418 = arith.extui %sign3A_417 : i1 to i32
      %sign3A_419 = arith.subi %sign3A_415, %sign3A_418 : i32
      %ne3A_420 = arith.cmpi ne, %sign3A_412, %sign3A_419 : i32
      %rem3A_421 = arith.remsi %scan3A_403, %jit3A_404 : i32
      %ne3A_422 = arith.constant 0 : i32
      %ne3A_423 = arith.cmpi ne, %rem3A_421, %ne3A_422 : i32
      %and3A_424 = arith.andi %ne3A_420, %ne3A_423 : i1
      %sub3A_425 = arith.constant 1 : i32
      %sub3A_426 = arith.subi %div3A_405, %sub3A_425 : i32
      %select_n3A_427 = arith.select %and3A_424, %sub3A_426, %div3A_405 : i32
      %jit3A_428 = arith.constant 64 : i32
      %eq3A_429 = arith.constant 0 : i32
      %eq3A_430 = arith.cmpi eq, %jit3A_428, %eq3A_429 : i32
      %jit3A_431 = arith.constant 1 : i32
      %select_n3A_432 = arith.select %eq3A_430, %jit3A_431, %jit3A_428 : i32
      %rem3A_433 = arith.remsi %scan3A_403, %select_n3A_432 : i32
      %ne3A_434 = arith.constant 0 : i32
      %ne3A_435 = arith.cmpi ne, %rem3A_433, %ne3A_434 : i32
      %lt3A_436 = arith.constant 0 : i32
      %lt3A_437 = arith.cmpi slt, %rem3A_433, %lt3A_436 : i32
      %lt3A_438 = arith.constant 0 : i32
      %lt3A_439 = arith.cmpi slt, %select_n3A_432, %lt3A_438 : i32
      %ne3A_440 = arith.xori %lt3A_437, %lt3A_439 : i1
      %and3A_441 = arith.andi %ne3A_440, %ne3A_435 : i1
      %add3A_442 = arith.addi %rem3A_433, %select_n3A_432 : i32
      %select_n3A_443 = arith.select %and3A_441, %add3A_442, %rem3A_433 : i32
      %mul3A_444 = arith.constant 16 : i32
      %mul3A_445 = arith.muli %select_n3A_443, %mul3A_444 : i32
      %get3A_446 = arith.index_cast %select_n3A_427 : i32 to index
      %get3A_447 = arith.index_cast %mul3A_445 : i32 to index
      %get3A_448 = tpu.vector_load %arg8[%get3A_446, %get3A_447] {strides = array<i32>} : memref<16x1024xf32, #tpu.memory_space<vmem>>, vector<1x16xf32>,
      %get3A_449 = vector.shape_cast %get3A_448 : vector<1x16xf32> to vector<16xf32>
      %get3A_450 = arith.index_cast %select_n3A_427 : i32 to index
      %get3A_451 = arith.index_cast %mul3A_445 : i32 to index
      %get3A_452 = tpu.vector_load %arg9[%get3A_450, %get3A_451] {strides = array<i32>} : memref<16x1024xf32, #tpu.memory_space<vmem>>, vector<1x16xf32>,
      %get3A_453 = vector.shape_cast %get3A_452 : vector<1x16xf32> to vector<16xf32>
      %add3A_454 = arith.addf %get3A_449, %get3A_453 : vector<16xf32>
      %swap3A_455 = arith.index_cast %select_n3A_427 : i32 to index
      %swap3A_456 = arith.index_cast %mul3A_445 : i32 to index
      %swap3A_457 = tpu.vector_load %arg8[%swap3A_455, %swap3A_456] {strides = array<i32>} : memref<16x1024xf32, #tpu.memory_space<vmem>>, vector<1x16xf32>,
      %swap3A_458 = vector.shape_cast %swap3A_457 : vector<1x16xf32> to vector<16xf32>
      %swap3A_459 = vector.shape_cast %add3A_454 : vector<16xf32> to vector<1x16xf32>
      tpu.vector_store %arg8[%swap3A_455, %swap3A_456], %swap3A_459 {strides = array<i32>} : memref<16x1024xf32, #tpu.memory_space<vmem>>, vector<1x16xf32>,
      %scan3A_460 = arith.constant 0 : i32
      %scan3A_461 = arith.constant 5 : i32
      %scan3A_462 = arith.addi %scan3A_178, %scan3A_461 : i32
      %jit3A_463 = arith.constant 64 : i32
      %div3A_464 = arith.divsi %scan3A_462, %jit3A_463 : i32
      %sign3A_465 = arith.constant 0 : i32
      %sign3A_466 = arith.cmpi sgt, %scan3A_462, %sign3A_465 : i32
      %sign3A_467 = arith.extui %sign3A_466 : i1 to i32
      %sign3A_468 = arith.constant 0 : i32
      %sign3A_469 = arith.cmpi slt, %scan3A_462, %sign3A_468 : i32
      %sign3A_470 = arith.extui %sign3A_469 : i1 to i32
      %sign3A_471 = arith.subi %sign3A_467, %sign3A_470 : i32
      %sign3A_472 = arith.constant 0 : i32
      %sign3A_473 = arith.cmpi sgt, %jit3A_463, %sign3A_472 : i32
      %sign3A_474 = arith.extui %sign3A_473 : i1 to i32
      %sign3A_475 = arith.constant 0 : i32
      %sign3A_476 = arith.cmpi slt, %jit3A_463, %sign3A_475 : i32
      %sign3A_477 = arith.extui %sign3A_476 : i1 to i32
      %sign3A_478 = arith.subi %sign3A_474, %sign3A_477 : i32
      %ne3A_479 = arith.cmpi ne, %sign3A_471, %sign3A_478 : i32
      %rem3A_480 = arith.remsi %scan3A_462, %jit3A_463 : i32
      %ne3A_481 = arith.constant 0 : i32
      %ne3A_482 = arith.cmpi ne, %rem3A_480, %ne3A_481 : i32
      %and3A_483 = arith.andi %ne3A_479, %ne3A_482 : i1
      %sub3A_484 = arith.constant 1 : i32
      %sub3A_485 = arith.subi %div3A_464, %sub3A_484 : i32
      %select_n3A_486 = arith.select %and3A_483, %sub3A_485, %div3A_464 : i32
      %jit3A_487 = arith.constant 64 : i32
      %eq3A_488 = arith.constant 0 : i32
      %eq3A_489 = arith.cmpi eq, %jit3A_487, %eq3A_488 : i32
      %jit3A_490 = arith.constant 1 : i32
      %select_n3A_491 = arith.select %eq3A_489, %jit3A_490, %jit3A_487 : i32
      %rem3A_492 = arith.remsi %scan3A_462, %select_n3A_491 : i32
      %ne3A_493 = arith.constant 0 : i32
      %ne3A_494 = arith.cmpi ne, %rem3A_492, %ne3A_493 : i32
      %lt3A_495 = arith.constant 0 : i32
      %lt3A_496 = arith.cmpi slt, %rem3A_492, %lt3A_495 : i32
      %lt3A_497 = arith.constant 0 : i32
      %lt3A_498 = arith.cmpi slt, %select_n3A_491, %lt3A_497 : i32
      %ne3A_499 = arith.xori %lt3A_496, %lt3A_498 : i1
      %and3A_500 = arith.andi %ne3A_499, %ne3A_494 : i1
      %add3A_501 = arith.addi %rem3A_492, %select_n3A_491 : i32
      %select_n3A_502 = arith.select %and3A_500, %add3A_501, %rem3A_492 : i32
      %mul3A_503 = arith.constant 16 : i32
      %mul3A_504 = arith.muli %select_n3A_502, %mul3A_503 : i32
      %get3A_505 = arith.index_cast %select_n3A_486 : i32 to index
      %get3A_506 = arith.index_cast %mul3A_504 : i32 to index
      %get3A_507 = tpu.vector_load %arg8[%get3A_505, %get3A_506] {strides = array<i32>} : memref<16x1024xf32, #tpu.memory_space<vmem>>, vector<1x16xf32>,
      %get3A_508 = vector.shape_cast %get3A_507 : vector<1x16xf32> to vector<16xf32>
      %get3A_509 = arith.index_cast %select_n3A_486 : i32 to index
      %get3A_510 = arith.index_cast %mul3A_504 : i32 to index
      %get3A_511 = tpu.vector_load %arg9[%get3A_509, %get3A_510] {strides = array<i32>} : memref<16x1024xf32, #tpu.memory_space<vmem>>, vector<1x16xf32>,
      %get3A_512 = vector.shape_cast %get3A_511 : vector<1x16xf32> to vector<16xf32>
      %add3A_513 = arith.addf %get3A_508, %get3A_512 : vector<16xf32>
      %swap3A_514 = arith.index_cast %select_n3A_486 : i32 to index
      %swap3A_515 = arith.index_cast %mul3A_504 : i32 to index
      %swap3A_516 = tpu.vector_load %arg8[%swap3A_514, %swap3A_515] {strides = array<i32>} : memref<16x1024xf32, #tpu.memory_space<vmem>>, vector<1x16xf32>,
      %swap3A_517 = vector.shape_cast %swap3A_516 : vector<1x16xf32> to vector<16xf32>
      %swap3A_518 = vector.shape_cast %add3A_513 : vector<16xf32> to vector<1x16xf32>
      tpu.vector_store %arg8[%swap3A_514, %swap3A_515], %swap3A_518 {strides = array<i32>} : memref<16x1024xf32, #tpu.memory_space<vmem>>, vector<1x16xf32>,
      %scan3A_519 = arith.constant 0 : i32
      %scan3A_520 = arith.constant 6 : i32
      %scan3A_521 = arith.addi %scan3A_178, %scan3A_520 : i32
      %jit3A_522 = arith.constant 64 : i32
      %div3A_523 = arith.divsi %scan3A_521, %jit3A_522 : i32
      %sign3A_524 = arith.constant 0 : i32
      %sign3A_525 = arith.cmpi sgt, %scan3A_521, %sign3A_524 : i32
      %sign3A_526 = arith.extui %sign3A_525 : i1 to i32
      %sign3A_527 = arith.constant 0 : i32
      %sign3A_528 = arith.cmpi slt, %scan3A_521, %sign3A_527 : i32
      %sign3A_529 = arith.extui %sign3A_528 : i1 to i32
      %sign3A_530 = arith.subi %sign3A_526, %sign3A_529 : i32
      %sign3A_531 = arith.constant 0 : i32
      %sign3A_532 = arith.cmpi sgt, %jit3A_522, %sign3A_531 : i32
      %sign3A_533 = arith.extui %sign3A_532 : i1 to i32
      %sign3A_534 = arith.constant 0 : i32
      %sign3A_535 = arith.cmpi slt, %jit3A_522, %sign3A_534 : i32
      %sign3A_536 = arith.extui %sign3A_535 : i1 to i32
      %sign3A_537 = arith.subi %sign3A_533, %sign3A_536 : i32
      %ne3A_538 = arith.cmpi ne, %sign3A_530, %sign3A_537 : i32
      %rem3A_539 = arith.remsi %scan3A_521, %jit3A_522 : i32
      %ne3A_540 = arith.constant 0 : i32
      %ne3A_541 = arith.cmpi ne, %rem3A_539, %ne3A_540 : i32
      %and3A_542 = arith.andi %ne3A_538, %ne3A_541 : i1
      %sub3A_543 = arith.constant 1 : i32
      %sub3A_544 = arith.subi %div3A_523, %sub3A_543 : i32
      %select_n3A_545 = arith.select %and3A_542, %sub3A_544, %div3A_523 : i32
      %jit3A_546 = arith.constant 64 : i32
      %eq3A_547 = arith.constant 0 : i32
      %eq3A_548 = arith.cmpi eq, %jit3A_546, %eq3A_547 : i32
      %jit3A_549 = arith.constant 1 : i32
      %select_n3A_550 = arith.select %eq3A_548, %jit3A_549, %jit3A_546 : i32
      %rem3A_551 = arith.remsi %scan3A_521, %select_n3A_550 : i32
      %ne3A_552 = arith.constant 0 : i32
      %ne3A_553 = arith.cmpi ne, %rem3A_551, %ne3A_552 : i32
      %lt3A_554 = arith.constant 0 : i32
      %lt3A_555 = arith.cmpi slt, %rem3A_551, %lt3A_554 : i32
      %lt3A_556 = arith.constant 0 : i32
      %lt3A_557 = arith.cmpi slt, %select_n3A_550, %lt3A_556 : i32
      %ne3A_558 = arith.xori %lt3A_555, %lt3A_557 : i1
      %and3A_559 = arith.andi %ne3A_558, %ne3A_553 : i1
      %add3A_560 = arith.addi %rem3A_551, %select_n3A_550 : i32
      %select_n3A_561 = arith.select %and3A_559, %add3A_560, %rem3A_551 : i32
      %mul3A_562 = arith.constant 16 : i32
      %mul3A_563 = arith.muli %select_n3A_561, %mul3A_562 : i32
      %get3A_564 = arith.index_cast %select_n3A_545 : i32 to index
      %get3A_565 = arith.index_cast %mul3A_563 : i32 to index
      %get3A_566 = tpu.vector_load %arg8[%get3A_564, %get3A_565] {strides = array<i32>} : memref<16x1024xf32, #tpu.memory_space<vmem>>, vector<1x16xf32>,
      %get3A_567 = vector.shape_cast %get3A_566 : vector<1x16xf32> to vector<16xf32>
      %get3A_568 = arith.index_cast %select_n3A_545 : i32 to index
      %get3A_569 = arith.index_cast %mul3A_563 : i32 to index
      %get3A_570 = tpu.vector_load %arg9[%get3A_568, %get3A_569] {strides = array<i32>} : memref<16x1024xf32, #tpu.memory_space<vmem>>, vector<1x16xf32>,
      %get3A_571 = vector.shape_cast %get3A_570 : vector<1x16xf32> to vector<16xf32>
      %add3A_572 = arith.addf %get3A_567, %get3A_571 : vector<16xf32>
      %swap3A_573 = arith.index_cast %select_n3A_545 : i32 to index
      %swap3A_574 = arith.index_cast %mul3A_563 : i32 to index
      %swap3A_575 = tpu.vector_load %arg8[%swap3A_573, %swap3A_574] {strides = array<i32>} : memref<16x1024xf32, #tpu.memory_space<vmem>>, vector<1x16xf32>,
      %swap3A_576 = vector.shape_cast %swap3A_575 : vector<1x16xf32> to vector<16xf32>
      %swap3A_577 = vector.shape_cast %add3A_572 : vector<16xf32> to vector<1x16xf32>
      tpu.vector_store %arg8[%swap3A_573, %swap3A_574], %swap3A_577 {strides = array<i32>} : memref<16x1024xf32, #tpu.memory_space<vmem>>, vector<1x16xf32>,
      %scan3A_578 = arith.constant 0 : i32
      %scan3A_579 = arith.constant 7 : i32
      %scan3A_580 = arith.addi %scan3A_178, %scan3A_579 : i32
      %jit3A_581 = arith.constant 64 : i32
      %div3A_582 = arith.divsi %scan3A_580, %jit3A_581 : i32
      %sign3A_583 = arith.constant 0 : i32
      %sign3A_584 = arith.cmpi sgt, %scan3A_580, %sign3A_583 : i32
      %sign3A_585 = arith.extui %sign3A_584 : i1 to i32
      %sign3A_586 = arith.constant 0 : i32
      %sign3A_587 = arith.cmpi slt, %scan3A_580, %sign3A_586 : i32
      %sign3A_588 = arith.extui %sign3A_587 : i1 to i32
      %sign3A_589 = arith.subi %sign3A_585, %sign3A_588 : i32
      %sign3A_590 = arith.constant 0 : i32
      %sign3A_591 = arith.cmpi sgt, %jit3A_581, %sign3A_590 : i32
      %sign3A_592 = arith.extui %sign3A_591 : i1 to i32
      %sign3A_593 = arith.constant 0 : i32
      %sign3A_594 = arith.cmpi slt, %jit3A_581, %sign3A_593 : i32
      %sign3A_595 = arith.extui %sign3A_594 : i1 to i32
      %sign3A_596 = arith.subi %sign3A_592, %sign3A_595 : i32
      %ne3A_597 = arith.cmpi ne, %sign3A_589, %sign3A_596 : i32
      %rem3A_598 = arith.remsi %scan3A_580, %jit3A_581 : i32
      %ne3A_599 = arith.constant 0 : i32
      %ne3A_600 = arith.cmpi ne, %rem3A_598, %ne3A_599 : i32
      %and3A_601 = arith.andi %ne3A_597, %ne3A_600 : i1
      %sub3A_602 = arith.constant 1 : i32
      %sub3A_603 = arith.subi %div3A_582, %sub3A_602 : i32
      %select_n3A_604 = arith.select %and3A_601, %sub3A_603, %div3A_582 : i32
      %jit3A_605 = arith.constant 64 : i32
      %eq3A_606 = arith.constant 0 : i32
      %eq3A_607 = arith.cmpi eq, %jit3A_605, %eq3A_606 : i32
      %jit3A_608 = arith.constant 1 : i32
      %select_n3A_609 = arith.select %eq3A_607, %jit3A_608, %jit3A_605 : i32
      %rem3A_610 = arith.remsi %scan3A_580, %select_n3A_609 : i32
      %ne3A_611 = arith.constant 0 : i32
      %ne3A_612 = arith.cmpi ne, %rem3A_610, %ne3A_611 : i32
      %lt3A_613 = arith.constant 0 : i32
      %lt3A_614 = arith.cmpi slt, %rem3A_610, %lt3A_613 : i32
      %lt3A_615 = arith.constant 0 : i32
      %lt3A_616 = arith.cmpi slt, %select_n3A_609, %lt3A_615 : i32
      %ne3A_617 = arith.xori %lt3A_614, %lt3A_616 : i1
      %and3A_618 = arith.andi %ne3A_617, %ne3A_612 : i1
      %add3A_619 = arith.addi %rem3A_610, %select_n3A_609 : i32
      %select_n3A_620 = arith.select %and3A_618, %add3A_619, %rem3A_610 : i32
      %mul3A_621 = arith.constant 16 : i32
      %mul3A_622 = arith.muli %select_n3A_620, %mul3A_621 : i32
      %get3A_623 = arith.index_cast %select_n3A_604 : i32 to index
      %get3A_624 = arith.index_cast %mul3A_622 : i32 to index
      %get3A_625 = tpu.vector_load %arg8[%get3A_623, %get3A_624] {strides = array<i32>} : memref<16x1024xf32, #tpu.memory_space<vmem>>, vector<1x16xf32>,
      %get3A_626 = vector.shape_cast %get3A_625 : vector<1x16xf32> to vector<16xf32>
      %get3A_627 = arith.index_cast %select_n3A_604 : i32 to index
      %get3A_628 = arith.index_cast %mul3A_622 : i32 to index
      %get3A_629 = tpu.vector_load %arg9[%get3A_627, %get3A_628] {strides = array<i32>} : memref<16x1024xf32, #tpu.memory_space<vmem>>, vector<1x16xf32>,
      %get3A_630 = vector.shape_cast %get3A_629 : vector<1x16xf32> to vector<16xf32>
      %add3A_631 = arith.addf %get3A_626, %get3A_630 : vector<16xf32>
      %swap3A_632 = arith.index_cast %select_n3A_604 : i32 to index
      %swap3A_633 = arith.index_cast %mul3A_622 : i32 to index
      %swap3A_634 = tpu.vector_load %arg8[%swap3A_632, %swap3A_633] {strides = array<i32>} : memref<16x1024xf32, #tpu.memory_space<vmem>>, vector<1x16xf32>,
      %swap3A_635 = vector.shape_cast %swap3A_634 : vector<1x16xf32> to vector<16xf32>
      %swap3A_636 = vector.shape_cast %add3A_631 : vector<16xf32> to vector<1x16xf32>
      tpu.vector_store %arg8[%swap3A_632, %swap3A_633], %swap3A_636 {strides = array<i32>} : memref<16x1024xf32, #tpu.memory_space<vmem>>, vector<1x16xf32>,
      %scan3A_637 = arith.constant 0 : i32
      scf.yield %scan3A_637 : i32
    }
    %scan3A_48 = arith.constant 1024 : i32
    %mul3A_49 = arith.constant 64 : i32
    %mul3A_50 = arith.muli %add3A, %mul3A_49 : i32
    %add3A_51 = arith.constant 0 : i32
    %add3A_52 = arith.addi %mul3A_50, %add3A_51 : i32
    %dma_start3A_53 = arith.constant 0 : i32
    %dma_start3A_54 = tpu.memref_slice %arg5[%add3A_52, %dma_start3A_53] : memref<2048x1024xf32, #tpu.memory_space<hbm>> -> memref<16x1024xf32, #tpu.memory_space<hbm>>
    %dma_start3A_55 = arith.constant 0 : i32
    %dma_start3A_56 = tpu.memref_slice %arg5[%add3A_52, %dma_start3A_55] : memref<2048x1024xf32, #tpu.memory_space<hbm>> -> memref<16x1024xf32, #tpu.memory_space<hbm>>
    tpu.enqueue_dma source(%arg8 : memref<16x1024xf32, #tpu.memory_space<vmem>>) target(%dma_start3A_56 : memref<16x1024xf32, #tpu.memory_space<hbm>>) target_semaphore(%arg14 : memref<!tpu.dma_semaphore, #tpu.memory_space<semaphore_mem>>)
    %dma_start3A_57 = arith.constant 16 : i32
    %dma_start3A_58 = tpu.memref_slice %arg6[%dma_start3A_57] : memref<64xi32, #tpu.memory_space<vmem>> -> memref<16xi32, #tpu.memory_space<vmem>>
    %dma_start3A_59 = arith.constant 0 : i32
    %dma_start3A_60 = arith.constant 0 : i32
    %dma_start3A_61 = tpu.memref_slice %arg2[%dma_start3A_59, %dma_start3A_60] : memref<6144x1024xf32, #tpu.memory_space<hbm>> -> memref<6144x1024xf32, #tpu.memory_space<hbm>>
    tpu.enqueue_indirect_dma source(%dma_start3A_61 : memref<6144x1024xf32, #tpu.memory_space<hbm>>) target(%arg10 : memref<16x1024xf32, #tpu.memory_space<vmem>>) offsets(%dma_start3A_58 : memref<16xi32, #tpu.memory_space<vmem>>) semaphore(%arg12 : memref<!tpu.dma_semaphore, #tpu.memory_space<semaphore_mem>>)
    %dma_start3A_62 = arith.constant 16 : i32
    %dma_start3A_63 = tpu.memref_slice %arg7[%dma_start3A_62] : memref<64xi32, #tpu.memory_space<vmem>> -> memref<16xi32, #tpu.memory_space<vmem>>
    %dma_start3A_64 = arith.constant 0 : i32
    %dma_start3A_65 = arith.constant 0 : i32
    %dma_start3A_66 = tpu.memref_slice %arg2[%dma_start3A_64, %dma_start3A_65] : memref<6144x1024xf32, #tpu.memory_space<hbm>> -> memref<6144x1024xf32, #tpu.memory_space<hbm>>
    tpu.enqueue_indirect_dma source(%dma_start3A_66 : memref<6144x1024xf32, #tpu.memory_space<hbm>>) target(%arg11 : memref<16x1024xf32, #tpu.memory_space<vmem>>) offsets(%dma_start3A_63 : memref<16xi32, #tpu.memory_space<vmem>>) semaphore(%arg13 : memref<!tpu.dma_semaphore, #tpu.memory_space<semaphore_mem>>)
    %dma_wait3A_67 = arith.constant 16 : i32
    %dma_wait3A_68 = tpu.memref_slice %arg6[%dma_wait3A_67] : memref<64xi32, #tpu.memory_space<vmem>> -> memref<16xi32, #tpu.memory_space<vmem>>
    %dma_wait3A_69 = arith.constant 0 : i32
    %dma_wait3A_70 = arith.constant 0 : i32
    %dma_wait3A_71 = tpu.memref_slice %arg2[%dma_wait3A_69, %dma_wait3A_70] : memref<6144x1024xf32, #tpu.memory_space<hbm>> -> memref<6144x1024xf32, #tpu.memory_space<hbm>>
    tpu.wait_indirect_dma semaphore(%arg12 : memref<!tpu.dma_semaphore, #tpu.memory_space<semaphore_mem>>) src(%dma_wait3A_71 : memref<6144x1024xf32, #tpu.memory_space<hbm>>) dst(%arg10 : memref<16x1024xf32, #tpu.memory_space<vmem>>)
    %dma_wait3A_72 = arith.constant 16 : i32
    %dma_wait3A_73 = tpu.memref_slice %arg7[%dma_wait3A_72] : memref<64xi32, #tpu.memory_space<vmem>> -> memref<16xi32, #tpu.memory_space<vmem>>
    %dma_wait3A_74 = arith.constant 0 : i32
    %dma_wait3A_75 = arith.constant 0 : i32
    %dma_wait3A_76 = tpu.memref_slice %arg2[%dma_wait3A_74, %dma_wait3A_75] : memref<6144x1024xf32, #tpu.memory_space<hbm>> -> memref<6144x1024xf32, #tpu.memory_space<hbm>>
    tpu.wait_indirect_dma semaphore(%arg13 : memref<!tpu.dma_semaphore, #tpu.memory_space<semaphore_mem>>) src(%dma_wait3A_76 : memref<6144x1024xf32, #tpu.memory_space<hbm>>) dst(%arg11 : memref<16x1024xf32, #tpu.memory_space<vmem>>)
    %scan3A_77 = arith.constant 0 : i32
    %scan3A_78 = arith.constant 0 : i32
    %scan3A_79 = arith.constant 1024 : i32
    %scan3A_80 = arith.addi %scan3A_78, %scan3A_79 : i32
    %scan3A_81 = arith.constant 8 : i32
    %scan3A_82 = scf.for %scan3A_178 = %scan3A_78 to %scan3A_80 step %scan3A_81 iter_args(%scan3A_179 = %scan3A_77) -> (i32)  : i32 {
      %jit3A = arith.constant 64 : i32
      %div3A = arith.divsi %scan3A_178, %jit3A : i32
      %sign3A = arith.constant 0 : i32
      %sign3A_180 = arith.cmpi sgt, %scan3A_178, %sign3A : i32
      %sign3A_181 = arith.extui %sign3A_180 : i1 to i32
      %sign3A_182 = arith.constant 0 : i32
      %sign3A_183 = arith.cmpi slt, %scan3A_178, %sign3A_182 : i32
      %sign3A_184 = arith.extui %sign3A_183 : i1 to i32
      %sign3A_185 = arith.subi %sign3A_181, %sign3A_184 : i32
      %sign3A_186 = arith.constant 0 : i32
      %sign3A_187 = arith.cmpi sgt, %jit3A, %sign3A_186 : i32
      %sign3A_188 = arith.extui %sign3A_187 : i1 to i32
      %sign3A_189 = arith.constant 0 : i32
      %sign3A_190 = arith.cmpi slt, %jit3A, %sign3A_189 : i32
      %sign3A_191 = arith.extui %sign3A_190 : i1 to i32
      %sign3A_192 = arith.subi %sign3A_188, %sign3A_191 : i32
      %ne3A = arith.cmpi ne, %sign3A_185, %sign3A_192 : i32
      %rem3A = arith.remsi %scan3A_178, %jit3A : i32
      %ne3A_193 = arith.constant 0 : i32
      %ne3A_194 = arith.cmpi ne, %rem3A, %ne3A_193 : i32
      %and3A = arith.andi %ne3A, %ne3A_194 : i1
      %sub3A = arith.constant 1 : i32
      %sub3A_195 = arith.subi %div3A, %sub3A : i32
      %select_n3A = arith.select %and3A, %sub3A_195, %div3A : i32
      %jit3A_196 = arith.constant 64 : i32
      %eq3A = arith.constant 0 : i32
      %eq3A_197 = arith.cmpi eq, %jit3A_196, %eq3A : i32
      %jit3A_198 = arith.constant 1 : i32
      %select_n3A_199 = arith.select %eq3A_197, %jit3A_198, %jit3A_196 : i32
      %rem3A_200 = arith.remsi %scan3A_178, %select_n3A_199 : i32
      %ne3A_201 = arith.constant 0 : i32
      %ne3A_202 = arith.cmpi ne, %rem3A_200, %ne3A_201 : i32
      %lt3A = arith.constant 0 : i32
      %lt3A_203 = arith.cmpi slt, %rem3A_200, %lt3A : i32
      %lt3A_204 = arith.constant 0 : i32
      %lt3A_205 = arith.cmpi slt, %select_n3A_199, %lt3A_204 : i32
      %ne3A_206 = arith.xori %lt3A_203, %lt3A_205 : i1
      %and3A_207 = arith.andi %ne3A_206, %ne3A_202 : i1
      %add3A_208 = arith.addi %rem3A_200, %select_n3A_199 : i32
      %select_n3A_209 = arith.select %and3A_207, %add3A_208, %rem3A_200 : i32
      %mul3A_210 = arith.constant 16 : i32
      %mul3A_211 = arith.muli %select_n3A_209, %mul3A_210 : i32
      %get3A = arith.index_cast %select_n3A : i32 to index
      %get3A_212 = arith.index_cast %mul3A_211 : i32 to index
      %get3A_213 = tpu.vector_load %arg10[%get3A, %get3A_212] {strides = array<i32>} : memref<16x1024xf32, #tpu.memory_space<vmem>>, vector<1x16xf32>,
      %get3A_214 = vector.shape_cast %get3A_213 : vector<1x16xf32> to vector<16xf32>
      %get3A_215 = arith.index_cast %select_n3A : i32 to index
      %get3A_216 = arith.index_cast %mul3A_211 : i32 to index
      %get3A_217 = tpu.vector_load %arg11[%get3A_215, %get3A_216] {strides = array<i32>} : memref<16x1024xf32, #tpu.memory_space<vmem>>, vector<1x16xf32>,
      %get3A_218 = vector.shape_cast %get3A_217 : vector<1x16xf32> to vector<16xf32>
      %add3A_219 = arith.addf %get3A_214, %get3A_218 : vector<16xf32>
      %swap3A = arith.index_cast %select_n3A : i32 to index
      %swap3A_220 = arith.index_cast %mul3A_211 : i32 to index
      %swap3A_221 = tpu.vector_load %arg10[%swap3A, %swap3A_220] {strides = array<i32>} : memref<16x1024xf32, #tpu.memory_space<vmem>>, vector<1x16xf32>,
      %swap3A_222 = vector.shape_cast %swap3A_221 : vector<1x16xf32> to vector<16xf32>
      %swap3A_223 = vector.shape_cast %add3A_219 : vector<16xf32> to vector<1x16xf32>
      tpu.vector_store %arg10[%swap3A, %swap3A_220], %swap3A_223 {strides = array<i32>} : memref<16x1024xf32, #tpu.memory_space<vmem>>, vector<1x16xf32>,
      %scan3A_224 = arith.constant 0 : i32
      %scan3A_225 = arith.constant 1 : i32
      %scan3A_226 = arith.addi %scan3A_178, %scan3A_225 : i32
      %jit3A_227 = arith.constant 64 : i32
      %div3A_228 = arith.divsi %scan3A_226, %jit3A_227 : i32
      %sign3A_229 = arith.constant 0 : i32
      %sign3A_230 = arith.cmpi sgt, %scan3A_226, %sign3A_229 : i32
      %sign3A_231 = arith.extui %sign3A_230 : i1 to i32
      %sign3A_232 = arith.constant 0 : i32
      %sign3A_233 = arith.cmpi slt, %scan3A_226, %sign3A_232 : i32
      %sign3A_234 = arith.extui %sign3A_233 : i1 to i32
      %sign3A_235 = arith.subi %sign3A_231, %sign3A_234 : i32
      %sign3A_236 = arith.constant 0 : i32
      %sign3A_237 = arith.cmpi sgt, %jit3A_227, %sign3A_236 : i32
      %sign3A_238 = arith.extui %sign3A_237 : i1 to i32
      %sign3A_239 = arith.constant 0 : i32
      %sign3A_240 = arith.cmpi slt, %jit3A_227, %sign3A_239 : i32
      %sign3A_241 = arith.extui %sign3A_240 : i1 to i32
      %sign3A_242 = arith.subi %sign3A_238, %sign3A_241 : i32
      %ne3A_243 = arith.cmpi ne, %sign3A_235, %sign3A_242 : i32
      %rem3A_244 = arith.remsi %scan3A_226, %jit3A_227 : i32
      %ne3A_245 = arith.constant 0 : i32
      %ne3A_246 = arith.cmpi ne, %rem3A_244, %ne3A_245 : i32
      %and3A_247 = arith.andi %ne3A_243, %ne3A_246 : i1
      %sub3A_248 = arith.constant 1 : i32
      %sub3A_249 = arith.subi %div3A_228, %sub3A_248 : i32
      %select_n3A_250 = arith.select %and3A_247, %sub3A_249, %div3A_228 : i32
      %jit3A_251 = arith.constant 64 : i32
      %eq3A_252 = arith.constant 0 : i32
      %eq3A_253 = arith.cmpi eq, %jit3A_251, %eq3A_252 : i32
      %jit3A_254 = arith.constant 1 : i32
      %select_n3A_255 = arith.select %eq3A_253, %jit3A_254, %jit3A_251 : i32
      %rem3A_256 = arith.remsi %scan3A_226, %select_n3A_255 : i32
      %ne3A_257 = arith.constant 0 : i32
      %ne3A_258 = arith.cmpi ne, %rem3A_256, %ne3A_257 : i32
      %lt3A_259 = arith.constant 0 : i32
      %lt3A_260 = arith.cmpi slt, %rem3A_256, %lt3A_259 : i32
      %lt3A_261 = arith.constant 0 : i32
      %lt3A_262 = arith.cmpi slt, %select_n3A_255, %lt3A_261 : i32
      %ne3A_263 = arith.xori %lt3A_260, %lt3A_262 : i1
      %and3A_264 = arith.andi %ne3A_263, %ne3A_258 : i1
      %add3A_265 = arith.addi %rem3A_256, %select_n3A_255 : i32
      %select_n3A_266 = arith.select %and3A_264, %add3A_265, %rem3A_256 : i32
      %mul3A_267 = arith.constant 16 : i32
      %mul3A_268 = arith.muli %select_n3A_266, %mul3A_267 : i32
      %get3A_269 = arith.index_cast %select_n3A_250 : i32 to index
      %get3A_270 = arith.index_cast %mul3A_268 : i32 to index
      %get3A_271 = tpu.vector_load %arg10[%get3A_269, %get3A_270] {strides = array<i32>} : memref<16x1024xf32, #tpu.memory_space<vmem>>, vector<1x16xf32>,
      %get3A_272 = vector.shape_cast %get3A_271 : vector<1x16xf32> to vector<16xf32>
      %get3A_273 = arith.index_cast %select_n3A_250 : i32 to index
      %get3A_274 = arith.index_cast %mul3A_268 : i32 to index
      %get3A_275 = tpu.vector_load %arg11[%get3A_273, %get3A_274] {strides = array<i32>} : memref<16x1024xf32, #tpu.memory_space<vmem>>, vector<1x16xf32>,
      %get3A_276 = vector.shape_cast %get3A_275 : vector<1x16xf32> to vector<16xf32>
      %add3A_277 = arith.addf %get3A_272, %get3A_276 : vector<16xf32>
      %swap3A_278 = arith.index_cast %select_n3A_250 : i32 to index
      %swap3A_279 = arith.index_cast %mul3A_268 : i32 to index
      %swap3A_280 = tpu.vector_load %arg10[%swap3A_278, %swap3A_279] {strides = array<i32>} : memref<16x1024xf32, #tpu.memory_space<vmem>>, vector<1x16xf32>,
      %swap3A_281 = vector.shape_cast %swap3A_280 : vector<1x16xf32> to vector<16xf32>
      %swap3A_282 = vector.shape_cast %add3A_277 : vector<16xf32> to vector<1x16xf32>
      tpu.vector_store %arg10[%swap3A_278, %swap3A_279], %swap3A_282 {strides = array<i32>} : memref<16x1024xf32, #tpu.memory_space<vmem>>, vector<1x16xf32>,
      %scan3A_283 = arith.constant 0 : i32
      %scan3A_284 = arith.constant 2 : i32
      %scan3A_285 = arith.addi %scan3A_178, %scan3A_284 : i32
      %jit3A_286 = arith.constant 64 : i32
      %div3A_287 = arith.divsi %scan3A_285, %jit3A_286 : i32
      %sign3A_288 = arith.constant 0 : i32
      %sign3A_289 = arith.cmpi sgt, %scan3A_285, %sign3A_288 : i32
      %sign3A_290 = arith.extui %sign3A_289 : i1 to i32
      %sign3A_291 = arith.constant 0 : i32
      %sign3A_292 = arith.cmpi slt, %scan3A_285, %sign3A_291 : i32
      %sign3A_293 = arith.extui %sign3A_292 : i1 to i32
      %sign3A_294 = arith.subi %sign3A_290, %sign3A_293 : i32
      %sign3A_295 = arith.constant 0 : i32
      %sign3A_296 = arith.cmpi sgt, %jit3A_286, %sign3A_295 : i32
      %sign3A_297 = arith.extui %sign3A_296 : i1 to i32
      %sign3A_298 = arith.constant 0 : i32
      %sign3A_299 = arith.cmpi slt, %jit3A_286, %sign3A_298 : i32
      %sign3A_300 = arith.extui %sign3A_299 : i1 to i32
      %sign3A_301 = arith.subi %sign3A_297, %sign3A_300 : i32
      %ne3A_302 = arith.cmpi ne, %sign3A_294, %sign3A_301 : i32
      %rem3A_303 = arith.remsi %scan3A_285, %jit3A_286 : i32
      %ne3A_304 = arith.constant 0 : i32
      %ne3A_305 = arith.cmpi ne, %rem3A_303, %ne3A_304 : i32
      %and3A_306 = arith.andi %ne3A_302, %ne3A_305 : i1
      %sub3A_307 = arith.constant 1 : i32
      %sub3A_308 = arith.subi %div3A_287, %sub3A_307 : i32
      %select_n3A_309 = arith.select %and3A_306, %sub3A_308, %div3A_287 : i32
      %jit3A_310 = arith.constant 64 : i32
      %eq3A_311 = arith.constant 0 : i32
      %eq3A_312 = arith.cmpi eq, %jit3A_310, %eq3A_311 : i32
      %jit3A_313 = arith.constant 1 : i32
      %select_n3A_314 = arith.select %eq3A_312, %jit3A_313, %jit3A_310 : i32
      %rem3A_315 = arith.remsi %scan3A_285, %select_n3A_314 : i32
      %ne3A_316 = arith.constant 0 : i32
      %ne3A_317 = arith.cmpi ne, %rem3A_315, %ne3A_316 : i32
      %lt3A_318 = arith.constant 0 : i32
      %lt3A_319 = arith.cmpi slt, %rem3A_315, %lt3A_318 : i32
      %lt3A_320 = arith.constant 0 : i32
      %lt3A_321 = arith.cmpi slt, %select_n3A_314, %lt3A_320 : i32
      %ne3A_322 = arith.xori %lt3A_319, %lt3A_321 : i1
      %and3A_323 = arith.andi %ne3A_322, %ne3A_317 : i1
      %add3A_324 = arith.addi %rem3A_315, %select_n3A_314 : i32
      %select_n3A_325 = arith.select %and3A_323, %add3A_324, %rem3A_315 : i32
      %mul3A_326 = arith.constant 16 : i32
      %mul3A_327 = arith.muli %select_n3A_325, %mul3A_326 : i32
      %get3A_328 = arith.index_cast %select_n3A_309 : i32 to index
      %get3A_329 = arith.index_cast %mul3A_327 : i32 to index
      %get3A_330 = tpu.vector_load %arg10[%get3A_328, %get3A_329] {strides = array<i32>} : memref<16x1024xf32, #tpu.memory_space<vmem>>, vector<1x16xf32>,
      %get3A_331 = vector.shape_cast %get3A_330 : vector<1x16xf32> to vector<16xf32>
      %get3A_332 = arith.index_cast %select_n3A_309 : i32 to index
      %get3A_333 = arith.index_cast %mul3A_327 : i32 to index
      %get3A_334 = tpu.vector_load %arg11[%get3A_332, %get3A_333] {strides = array<i32>} : memref<16x1024xf32, #tpu.memory_space<vmem>>, vector<1x16xf32>,
      %get3A_335 = vector.shape_cast %get3A_334 : vector<1x16xf32> to vector<16xf32>
      %add3A_336 = arith.addf %get3A_331, %get3A_335 : vector<16xf32>
      %swap3A_337 = arith.index_cast %select_n3A_309 : i32 to index
      %swap3A_338 = arith.index_cast %mul3A_327 : i32 to index
      %swap3A_339 = tpu.vector_load %arg10[%swap3A_337, %swap3A_338] {strides = array<i32>} : memref<16x1024xf32, #tpu.memory_space<vmem>>, vector<1x16xf32>,
      %swap3A_340 = vector.shape_cast %swap3A_339 : vector<1x16xf32> to vector<16xf32>
      %swap3A_341 = vector.shape_cast %add3A_336 : vector<16xf32> to vector<1x16xf32>
      tpu.vector_store %arg10[%swap3A_337, %swap3A_338], %swap3A_341 {strides = array<i32>} : memref<16x1024xf32, #tpu.memory_space<vmem>>, vector<1x16xf32>,
      %scan3A_342 = arith.constant 0 : i32
      %scan3A_343 = arith.constant 3 : i32
      %scan3A_344 = arith.addi %scan3A_178, %scan3A_343 : i32
      %jit3A_345 = arith.constant 64 : i32
      %div3A_346 = arith.divsi %scan3A_344, %jit3A_345 : i32
      %sign3A_347 = arith.constant 0 : i32
      %sign3A_348 = arith.cmpi sgt, %scan3A_344, %sign3A_347 : i32
      %sign3A_349 = arith.extui %sign3A_348 : i1 to i32
      %sign3A_350 = arith.constant 0 : i32
      %sign3A_351 = arith.cmpi slt, %scan3A_344, %sign3A_350 : i32
      %sign3A_352 = arith.extui %sign3A_351 : i1 to i32
      %sign3A_353 = arith.subi %sign3A_349, %sign3A_352 : i32
      %sign3A_354 = arith.constant 0 : i32
      %sign3A_355 = arith.cmpi sgt, %jit3A_345, %sign3A_354 : i32
      %sign3A_356 = arith.extui %sign3A_355 : i1 to i32
      %sign3A_357 = arith.constant 0 : i32
      %sign3A_358 = arith.cmpi slt, %jit3A_345, %sign3A_357 : i32
      %sign3A_359 = arith.extui %sign3A_358 : i1 to i32
      %sign3A_360 = arith.subi %sign3A_356, %sign3A_359 : i32
      %ne3A_361 = arith.cmpi ne, %sign3A_353, %sign3A_360 : i32
      %rem3A_362 = arith.remsi %scan3A_344, %jit3A_345 : i32
      %ne3A_363 = arith.constant 0 : i32
      %ne3A_364 = arith.cmpi ne, %rem3A_362, %ne3A_363 : i32
      %and3A_365 = arith.andi %ne3A_361, %ne3A_364 : i1
      %sub3A_366 = arith.constant 1 : i32
      %sub3A_367 = arith.subi %div3A_346, %sub3A_366 : i32
      %select_n3A_368 = arith.select %and3A_365, %sub3A_367, %div3A_346 : i32
      %jit3A_369 = arith.constant 64 : i32
      %eq3A_370 = arith.constant 0 : i32
      %eq3A_371 = arith.cmpi eq, %jit3A_369, %eq3A_370 : i32
      %jit3A_372 = arith.constant 1 : i32
      %select_n3A_373 = arith.select %eq3A_371, %jit3A_372, %jit3A_369 : i32
      %rem3A_374 = arith.remsi %scan3A_344, %select_n3A_373 : i32
      %ne3A_375 = arith.constant 0 : i32
      %ne3A_376 = arith.cmpi ne, %rem3A_374, %ne3A_375 : i32
      %lt3A_377 = arith.constant 0 : i32
      %lt3A_378 = arith.cmpi slt, %rem3A_374, %lt3A_377 : i32
      %lt3A_379 = arith.constant 0 : i32
      %lt3A_380 = arith.cmpi slt, %select_n3A_373, %lt3A_379 : i32
      %ne3A_381 = arith.xori %lt3A_378, %lt3A_380 : i1
      %and3A_382 = arith.andi %ne3A_381, %ne3A_376 : i1
      %add3A_383 = arith.addi %rem3A_374, %select_n3A_373 : i32
      %select_n3A_384 = arith.select %and3A_382, %add3A_383, %rem3A_374 : i32
      %mul3A_385 = arith.constant 16 : i32
      %mul3A_386 = arith.muli %select_n3A_384, %mul3A_385 : i32
      %get3A_387 = arith.index_cast %select_n3A_368 : i32 to index
      %get3A_388 = arith.index_cast %mul3A_386 : i32 to index
      %get3A_389 = tpu.vector_load %arg10[%get3A_387, %get3A_388] {strides = array<i32>} : memref<16x1024xf32, #tpu.memory_space<vmem>>, vector<1x16xf32>,
      %get3A_390 = vector.shape_cast %get3A_389 : vector<1x16xf32> to vector<16xf32>
      %get3A_391 = arith.index_cast %select_n3A_368 : i32 to index
      %get3A_392 = arith.index_cast %mul3A_386 : i32 to index
      %get3A_393 = tpu.vector_load %arg11[%get3A_391, %get3A_392] {strides = array<i32>} : memref<16x1024xf32, #tpu.memory_space<vmem>>, vector<1x16xf32>,
      %get3A_394 = vector.shape_cast %get3A_393 : vector<1x16xf32> to vector<16xf32>
      %add3A_395 = arith.addf %get3A_390, %get3A_394 : vector<16xf32>
      %swap3A_396 = arith.index_cast %select_n3A_368 : i32 to index
      %swap3A_397 = arith.index_cast %mul3A_386 : i32 to index
      %swap3A_398 = tpu.vector_load %arg10[%swap3A_396, %swap3A_397] {strides = array<i32>} : memref<16x1024xf32, #tpu.memory_space<vmem>>, vector<1x16xf32>,
      %swap3A_399 = vector.shape_cast %swap3A_398 : vector<1x16xf32> to vector<16xf32>
      %swap3A_400 = vector.shape_cast %add3A_395 : vector<16xf32> to vector<1x16xf32>
      tpu.vector_store %arg10[%swap3A_396, %swap3A_397], %swap3A_400 {strides = array<i32>} : memref<16x1024xf32, #tpu.memory_space<vmem>>, vector<1x16xf32>,
      %scan3A_401 = arith.constant 0 : i32
      %scan3A_402 = arith.constant 4 : i32
      %scan3A_403 = arith.addi %scan3A_178, %scan3A_402 : i32
      %jit3A_404 = arith.constant 64 : i32
      %div3A_405 = arith.divsi %scan3A_403, %jit3A_404 : i32
      %sign3A_406 = arith.constant 0 : i32
      %sign3A_407 = arith.cmpi sgt, %scan3A_403, %sign3A_406 : i32
      %sign3A_408 = arith.extui %sign3A_407 : i1 to i32
      %sign3A_409 = arith.constant 0 : i32
      %sign3A_410 = arith.cmpi slt, %scan3A_403, %sign3A_409 : i32
      %sign3A_411 = arith.extui %sign3A_410 : i1 to i32
      %sign3A_412 = arith.subi %sign3A_408, %sign3A_411 : i32
      %sign3A_413 = arith.constant 0 : i32
      %sign3A_414 = arith.cmpi sgt, %jit3A_404, %sign3A_413 : i32
      %sign3A_415 = arith.extui %sign3A_414 : i1 to i32
      %sign3A_416 = arith.constant 0 : i32
      %sign3A_417 = arith.cmpi slt, %jit3A_404, %sign3A_416 : i32
      %sign3A_418 = arith.extui %sign3A_417 : i1 to i32
      %sign3A_419 = arith.subi %sign3A_415, %sign3A_418 : i32
      %ne3A_420 = arith.cmpi ne, %sign3A_412, %sign3A_419 : i32
      %rem3A_421 = arith.remsi %scan3A_403, %jit3A_404 : i32
      %ne3A_422 = arith.constant 0 : i32
      %ne3A_423 = arith.cmpi ne, %rem3A_421, %ne3A_422 : i32
      %and3A_424 = arith.andi %ne3A_420, %ne3A_423 : i1
      %sub3A_425 = arith.constant 1 : i32
      %sub3A_426 = arith.subi %div3A_405, %sub3A_425 : i32
      %select_n3A_427 = arith.select %and3A_424, %sub3A_426, %div3A_405 : i32
      %jit3A_428 = arith.constant 64 : i32
      %eq3A_429 = arith.constant 0 : i32
      %eq3A_430 = arith.cmpi eq, %jit3A_428, %eq3A_429 : i32
      %jit3A_431 = arith.constant 1 : i32
      %select_n3A_432 = arith.select %eq3A_430, %jit3A_431, %jit3A_428 : i32
      %rem3A_433 = arith.remsi %scan3A_403, %select_n3A_432 : i32
      %ne3A_434 = arith.constant 0 : i32
      %ne3A_435 = arith.cmpi ne, %rem3A_433, %ne3A_434 : i32
      %lt3A_436 = arith.constant 0 : i32
      %lt3A_437 = arith.cmpi slt, %rem3A_433, %lt3A_436 : i32
      %lt3A_438 = arith.constant 0 : i32
      %lt3A_439 = arith.cmpi slt, %select_n3A_432, %lt3A_438 : i32
      %ne3A_440 = arith.xori %lt3A_437, %lt3A_439 : i1
      %and3A_441 = arith.andi %ne3A_440, %ne3A_435 : i1
      %add3A_442 = arith.addi %rem3A_433, %select_n3A_432 : i32
      %select_n3A_443 = arith.select %and3A_441, %add3A_442, %rem3A_433 : i32
      %mul3A_444 = arith.constant 16 : i32
      %mul3A_445 = arith.muli %select_n3A_443, %mul3A_444 : i32
      %get3A_446 = arith.index_cast %select_n3A_427 : i32 to index
      %get3A_447 = arith.index_cast %mul3A_445 : i32 to index
      %get3A_448 = tpu.vector_load %arg10[%get3A_446, %get3A_447] {strides = array<i32>} : memref<16x1024xf32, #tpu.memory_space<vmem>>, vector<1x16xf32>,
      %get3A_449 = vector.shape_cast %get3A_448 : vector<1x16xf32> to vector<16xf32>
      %get3A_450 = arith.index_cast %select_n3A_427 : i32 to index
      %get3A_451 = arith.index_cast %mul3A_445 : i32 to index
      %get3A_452 = tpu.vector_load %arg11[%get3A_450, %get3A_451] {strides = array<i32>} : memref<16x1024xf32, #tpu.memory_space<vmem>>, vector<1x16xf32>,
      %get3A_453 = vector.shape_cast %get3A_452 : vector<1x16xf32> to vector<16xf32>
      %add3A_454 = arith.addf %get3A_449, %get3A_453 : vector<16xf32>
      %swap3A_455 = arith.index_cast %select_n3A_427 : i32 to index
      %swap3A_456 = arith.index_cast %mul3A_445 : i32 to index
      %swap3A_457 = tpu.vector_load %arg10[%swap3A_455, %swap3A_456] {strides = array<i32>} : memref<16x1024xf32, #tpu.memory_space<vmem>>, vector<1x16xf32>,
      %swap3A_458 = vector.shape_cast %swap3A_457 : vector<1x16xf32> to vector<16xf32>
      %swap3A_459 = vector.shape_cast %add3A_454 : vector<16xf32> to vector<1x16xf32>
      tpu.vector_store %arg10[%swap3A_455, %swap3A_456], %swap3A_459 {strides = array<i32>} : memref<16x1024xf32, #tpu.memory_space<vmem>>, vector<1x16xf32>,
      %scan3A_460 = arith.constant 0 : i32
      %scan3A_461 = arith.constant 5 : i32
      %scan3A_462 = arith.addi %scan3A_178, %scan3A_461 : i32
      %jit3A_463 = arith.constant 64 : i32
      %div3A_464 = arith.divsi %scan3A_462, %jit3A_463 : i32
      %sign3A_465 = arith.constant 0 : i32
      %sign3A_466 = arith.cmpi sgt, %scan3A_462, %sign3A_465 : i32
      %sign3A_467 = arith.extui %sign3A_466 : i1 to i32
      %sign3A_468 = arith.constant 0 : i32
      %sign3A_469 = arith.cmpi slt, %scan3A_462, %sign3A_468 : i32
      %sign3A_470 = arith.extui %sign3A_469 : i1 to i32
      %sign3A_471 = arith.subi %sign3A_467, %sign3A_470 : i32
      %sign3A_472 = arith.constant 0 : i32
      %sign3A_473 = arith.cmpi sgt, %jit3A_463, %sign3A_472 : i32
      %sign3A_474 = arith.extui %sign3A_473 : i1 to i32
      %sign3A_475 = arith.constant 0 : i32
      %sign3A_476 = arith.cmpi slt, %jit3A_463, %sign3A_475 : i32
      %sign3A_477 = arith.extui %sign3A_476 : i1 to i32
      %sign3A_478 = arith.subi %sign3A_474, %sign3A_477 : i32
      %ne3A_479 = arith.cmpi ne, %sign3A_471, %sign3A_478 : i32
      %rem3A_480 = arith.remsi %scan3A_462, %jit3A_463 : i32
      %ne3A_481 = arith.constant 0 : i32
      %ne3A_482 = arith.cmpi ne, %rem3A_480, %ne3A_481 : i32
      %and3A_483 = arith.andi %ne3A_479, %ne3A_482 : i1
      %sub3A_484 = arith.constant 1 : i32
      %sub3A_485 = arith.subi %div3A_464, %sub3A_484 : i32
      %select_n3A_486 = arith.select %and3A_483, %sub3A_485, %div3A_464 : i32
      %jit3A_487 = arith.constant 64 : i32
      %eq3A_488 = arith.constant 0 : i32
      %eq3A_489 = arith.cmpi eq, %jit3A_487, %eq3A_488 : i32
      %jit3A_490 = arith.constant 1 : i32
      %select_n3A_491 = arith.select %eq3A_489, %jit3A_490, %jit3A_487 : i32
      %rem3A_492 = arith.remsi %scan3A_462, %select_n3A_491 : i32
      %ne3A_493 = arith.constant 0 : i32
      %ne3A_494 = arith.cmpi ne, %rem3A_492, %ne3A_493 : i32
      %lt3A_495 = arith.constant 0 : i32
      %lt3A_496 = arith.cmpi slt, %rem3A_492, %lt3A_495 : i32
      %lt3A_497 = arith.constant 0 : i32
      %lt3A_498 = arith.cmpi slt, %select_n3A_491, %lt3A_497 : i32
      %ne3A_499 = arith.xori %lt3A_496, %lt3A_498 : i1
      %and3A_500 = arith.andi %ne3A_499, %ne3A_494 : i1
      %add3A_501 = arith.addi %rem3A_492, %select_n3A_491 : i32
      %select_n3A_502 = arith.select %and3A_500, %add3A_501, %rem3A_492 : i32
      %mul3A_503 = arith.constant 16 : i32
      %mul3A_504 = arith.muli %select_n3A_502, %mul3A_503 : i32
      %get3A_505 = arith.index_cast %select_n3A_486 : i32 to index
      %get3A_506 = arith.index_cast %mul3A_504 : i32 to index
      %get3A_507 = tpu.vector_load %arg10[%get3A_505, %get3A_506] {strides = array<i32>} : memref<16x1024xf32, #tpu.memory_space<vmem>>, vector<1x16xf32>,
      %get3A_508 = vector.shape_cast %get3A_507 : vector<1x16xf32> to vector<16xf32>
      %get3A_509 = arith.index_cast %select_n3A_486 : i32 to index
      %get3A_510 = arith.index_cast %mul3A_504 : i32 to index
      %get3A_511 = tpu.vector_load %arg11[%get3A_509, %get3A_510] {strides = array<i32>} : memref<16x1024xf32, #tpu.memory_space<vmem>>, vector<1x16xf32>,
      %get3A_512 = vector.shape_cast %get3A_511 : vector<1x16xf32> to vector<16xf32>
      %add3A_513 = arith.addf %get3A_508, %get3A_512 : vector<16xf32>
      %swap3A_514 = arith.index_cast %select_n3A_486 : i32 to index
      %swap3A_515 = arith.index_cast %mul3A_504 : i32 to index
      %swap3A_516 = tpu.vector_load %arg10[%swap3A_514, %swap3A_515] {strides = array<i32>} : memref<16x1024xf32, #tpu.memory_space<vmem>>, vector<1x16xf32>,
      %swap3A_517 = vector.shape_cast %swap3A_516 : vector<1x16xf32> to vector<16xf32>
      %swap3A_518 = vector.shape_cast %add3A_513 : vector<16xf32> to vector<1x16xf32>
      tpu.vector_store %arg10[%swap3A_514, %swap3A_515], %swap3A_518 {strides = array<i32>} : memref<16x1024xf32, #tpu.memory_space<vmem>>, vector<1x16xf32>,
      %scan3A_519 = arith.constant 0 : i32
      %scan3A_520 = arith.constant 6 : i32
      %scan3A_521 = arith.addi %scan3A_178, %scan3A_520 : i32
      %jit3A_522 = arith.constant 64 : i32
      %div3A_523 = arith.divsi %scan3A_521, %jit3A_522 : i32
      %sign3A_524 = arith.constant 0 : i32
      %sign3A_525 = arith.cmpi sgt, %scan3A_521, %sign3A_524 : i32
      %sign3A_526 = arith.extui %sign3A_525 : i1 to i32
      %sign3A_527 = arith.constant 0 : i32
      %sign3A_528 = arith.cmpi slt, %scan3A_521, %sign3A_527 : i32
      %sign3A_529 = arith.extui %sign3A_528 : i1 to i32
      %sign3A_530 = arith.subi %sign3A_526, %sign3A_529 : i32
      %sign3A_531 = arith.constant 0 : i32
      %sign3A_532 = arith.cmpi sgt, %jit3A_522, %sign3A_531 : i32
      %sign3A_533 = arith.extui %sign3A_532 : i1 to i32
      %sign3A_534 = arith.constant 0 : i32
      %sign3A_535 = arith.cmpi slt, %jit3A_522, %sign3A_534 : i32
      %sign3A_536 = arith.extui %sign3A_535 : i1 to i32
      %sign3A_537 = arith.subi %sign3A_533, %sign3A_536 : i32
      %ne3A_538 = arith.cmpi ne, %sign3A_530, %sign3A_537 : i32
      %rem3A_539 = arith.remsi %scan3A_521, %jit3A_522 : i32
      %ne3A_540 = arith.constant 0 : i32
      %ne3A_541 = arith.cmpi ne, %rem3A_539, %ne3A_540 : i32
      %and3A_542 = arith.andi %ne3A_538, %ne3A_541 : i1
      %sub3A_543 = arith.constant 1 : i32
      %sub3A_544 = arith.subi %div3A_523, %sub3A_543 : i32
      %select_n3A_545 = arith.select %and3A_542, %sub3A_544, %div3A_523 : i32
      %jit3A_546 = arith.constant 64 : i32
      %eq3A_547 = arith.constant 0 : i32
      %eq3A_548 = arith.cmpi eq, %jit3A_546, %eq3A_547 : i32
      %jit3A_549 = arith.constant 1 : i32
      %select_n3A_550 = arith.select %eq3A_548, %jit3A_549, %jit3A_546 : i32
      %rem3A_551 = arith.remsi %scan3A_521, %select_n3A_550 : i32
      %ne3A_552 = arith.constant 0 : i32
      %ne3A_553 = arith.cmpi ne, %rem3A_551, %ne3A_552 : i32
      %lt3A_554 = arith.constant 0 : i32
      %lt3A_555 = arith.cmpi slt, %rem3A_551, %lt3A_554 : i32
      %lt3A_556 = arith.constant 0 : i32
      %lt3A_557 = arith.cmpi slt, %select_n3A_550, %lt3A_556 : i32
      %ne3A_558 = arith.xori %lt3A_555, %lt3A_557 : i1
      %and3A_559 = arith.andi %ne3A_558, %ne3A_553 : i1
      %add3A_560 = arith.addi %rem3A_551, %select_n3A_550 : i32
      %select_n3A_561 = arith.select %and3A_559, %add3A_560, %rem3A_551 : i32
      %mul3A_562 = arith.constant 16 : i32
      %mul3A_563 = arith.muli %select_n3A_561, %mul3A_562 : i32
      %get3A_564 = arith.index_cast %select_n3A_545 : i32 to index
      %get3A_565 = arith.index_cast %mul3A_563 : i32 to index
      %get3A_566 = tpu.vector_load %arg10[%get3A_564, %get3A_565] {strides = array<i32>} : memref<16x1024xf32, #tpu.memory_space<vmem>>, vector<1x16xf32>,
      %get3A_567 = vector.shape_cast %get3A_566 : vector<1x16xf32> to vector<16xf32>
      %get3A_568 = arith.index_cast %select_n3A_545 : i32 to index
      %get3A_569 = arith.index_cast %mul3A_563 : i32 to index
      %get3A_570 = tpu.vector_load %arg11[%get3A_568, %get3A_569] {strides = array<i32>} : memref<16x1024xf32, #tpu.memory_space<vmem>>, vector<1x16xf32>,
      %get3A_571 = vector.shape_cast %get3A_570 : vector<1x16xf32> to vector<16xf32>
      %add3A_572 = arith.addf %get3A_567, %get3A_571 : vector<16xf32>
      %swap3A_573 = arith.index_cast %select_n3A_545 : i32 to index
      %swap3A_574 = arith.index_cast %mul3A_563 : i32 to index
      %swap3A_575 = tpu.vector_load %arg10[%swap3A_573, %swap3A_574] {strides = array<i32>} : memref<16x1024xf32, #tpu.memory_space<vmem>>, vector<1x16xf32>,
      %swap3A_576 = vector.shape_cast %swap3A_575 : vector<1x16xf32> to vector<16xf32>
      %swap3A_577 = vector.shape_cast %add3A_572 : vector<16xf32> to vector<1x16xf32>
      tpu.vector_store %arg10[%swap3A_573, %swap3A_574], %swap3A_577 {strides = array<i32>} : memref<16x1024xf32, #tpu.memory_space<vmem>>, vector<1x16xf32>,
      %scan3A_578 = arith.constant 0 : i32
      %scan3A_579 = arith.constant 7 : i32
      %scan3A_580 = arith.addi %scan3A_178, %scan3A_579 : i32
      %jit3A_581 = arith.constant 64 : i32
      %div3A_582 = arith.divsi %scan3A_580, %jit3A_581 : i32
      %sign3A_583 = arith.constant 0 : i32
      %sign3A_584 = arith.cmpi sgt, %scan3A_580, %sign3A_583 : i32
      %sign3A_585 = arith.extui %sign3A_584 : i1 to i32
      %sign3A_586 = arith.constant 0 : i32
      %sign3A_587 = arith.cmpi slt, %scan3A_580, %sign3A_586 : i32
      %sign3A_588 = arith.extui %sign3A_587 : i1 to i32
      %sign3A_589 = arith.subi %sign3A_585, %sign3A_588 : i32
      %sign3A_590 = arith.constant 0 : i32
      %sign3A_591 = arith.cmpi sgt, %jit3A_581, %sign3A_590 : i32
      %sign3A_592 = arith.extui %sign3A_591 : i1 to i32
      %sign3A_593 = arith.constant 0 : i32
      %sign3A_594 = arith.cmpi slt, %jit3A_581, %sign3A_593 : i32
      %sign3A_595 = arith.extui %sign3A_594 : i1 to i32
      %sign3A_596 = arith.subi %sign3A_592, %sign3A_595 : i32
      %ne3A_597 = arith.cmpi ne, %sign3A_589, %sign3A_596 : i32
      %rem3A_598 = arith.remsi %scan3A_580, %jit3A_581 : i32
      %ne3A_599 = arith.constant 0 : i32
      %ne3A_600 = arith.cmpi ne, %rem3A_598, %ne3A_599 : i32
      %and3A_601 = arith.andi %ne3A_597, %ne3A_600 : i1
      %sub3A_602 = arith.constant 1 : i32
      %sub3A_603 = arith.subi %div3A_582, %sub3A_602 : i32
      %select_n3A_604 = arith.select %and3A_601, %sub3A_603, %div3A_582 : i32
      %jit3A_605 = arith.constant 64 : i32
      %eq3A_606 = arith.constant 0 : i32
      %eq3A_607 = arith.cmpi eq, %jit3A_605, %eq3A_606 : i32
      %jit3A_608 = arith.constant 1 : i32
      %select_n3A_609 = arith.select %eq3A_607, %jit3A_608, %jit3A_605 : i32
      %rem3A_610 = arith.remsi %scan3A_580, %select_n3A_609 : i32
      %ne3A_611 = arith.constant 0 : i32
      %ne3A_612 = arith.cmpi ne, %rem3A_610, %ne3A_611 : i32
      %lt3A_613 = arith.constant 0 : i32
      %lt3A_614 = arith.cmpi slt, %rem3A_610, %lt3A_613 : i32
      %lt3A_615 = arith.constant 0 : i32
      %lt3A_616 = arith.cmpi slt, %select_n3A_609, %lt3A_615 : i32
      %ne3A_617 = arith.xori %lt3A_614, %lt3A_616 : i1
      %and3A_618 = arith.andi %ne3A_617, %ne3A_612 : i1
      %add3A_619 = arith.addi %rem3A_610, %select_n3A_609 : i32
      %select_n3A_620 = arith.select %and3A_618, %add3A_619, %rem3A_610 : i32
      %mul3A_621 = arith.constant 16 : i32
      %mul3A_622 = arith.muli %select_n3A_620, %mul3A_621 : i32
      %get3A_623 = arith.index_cast %select_n3A_604 : i32 to index
      %get3A_624 = arith.index_cast %mul3A_622 : i32 to index
      %get3A_625 = tpu.vector_load %arg10[%get3A_623, %get3A_624] {strides = array<i32>} : memref<16x1024xf32, #tpu.memory_space<vmem>>, vector<1x16xf32>,
      %get3A_626 = vector.shape_cast %get3A_625 : vector<1x16xf32> to vector<16xf32>
      %get3A_627 = arith.index_cast %select_n3A_604 : i32 to index
      %get3A_628 = arith.index_cast %mul3A_622 : i32 to index
      %get3A_629 = tpu.vector_load %arg11[%get3A_627, %get3A_628] {strides = array<i32>} : memref<16x1024xf32, #tpu.memory_space<vmem>>, vector<1x16xf32>,
      %get3A_630 = vector.shape_cast %get3A_629 : vector<1x16xf32> to vector<16xf32>
      %add3A_631 = arith.addf %get3A_626, %get3A_630 : vector<16xf32>
      %swap3A_632 = arith.index_cast %select_n3A_604 : i32 to index
      %swap3A_633 = arith.index_cast %mul3A_622 : i32 to index
      %swap3A_634 = tpu.vector_load %arg10[%swap3A_632, %swap3A_633] {strides = array<i32>} : memref<16x1024xf32, #tpu.memory_space<vmem>>, vector<1x16xf32>,
      %swap3A_635 = vector.shape_cast %swap3A_634 : vector<1x16xf32> to vector<16xf32>
      %swap3A_636 = vector.shape_cast %add3A_631 : vector<16xf32> to vector<1x16xf32>
      tpu.vector_store %arg10[%swap3A_632, %swap3A_633], %swap3A_636 {strides = array<i32>} : memref<16x1024xf32, #tpu.memory_space<vmem>>, vector<1x16xf32>,
      %scan3A_637 = arith.constant 0 : i32
      scf.yield %scan3A_637 : i32
    }
    %scan3A_83 = arith.constant 1024 : i32
    %mul3A_84 = arith.constant 64 : i32
    %mul3A_85 = arith.muli %add3A, %mul3A_84 : i32
    %add3A_86 = arith.constant 16 : i32
    %add3A_87 = arith.addi %mul3A_85, %add3A_86 : i32
    %dma_start3A_88 = arith.constant 0 : i32
    %dma_start3A_89 = tpu.memref_slice %arg5[%add3A_87, %dma_start3A_88] : memref<2048x1024xf32, #tpu.memory_space<hbm>> -> memref<16x1024xf32, #tpu.memory_space<hbm>>
    %dma_start3A_90 = arith.constant 0 : i32
    %dma_start3A_91 = tpu.memref_slice %arg5[%add3A_87, %dma_start3A_90] : memref<2048x1024xf32, #tpu.memory_space<hbm>> -> memref<16x1024xf32, #tpu.memory_space<hbm>>
    tpu.enqueue_dma source(%arg10 : memref<16x1024xf32, #tpu.memory_space<vmem>>) target(%dma_start3A_91 : memref<16x1024xf32, #tpu.memory_space<hbm>>) target_semaphore(%arg15 : memref<!tpu.dma_semaphore, #tpu.memory_space<semaphore_mem>>)
    %dma_wait3A_92 = arith.constant 0 : i32
    %dma_wait3A_93 = tpu.memref_slice %arg5[%add3A_52, %dma_wait3A_92] : memref<2048x1024xf32, #tpu.memory_space<hbm>> -> memref<16x1024xf32, #tpu.memory_space<hbm>>
    %dma_wait3A_94 = arith.constant 0 : i32
    %dma_wait3A_95 = tpu.memref_slice %arg5[%add3A_52, %dma_wait3A_94] : memref<2048x1024xf32, #tpu.memory_space<hbm>> -> memref<16x1024xf32, #tpu.memory_space<hbm>>
    tpu.wait_dma2 semaphore(%arg14 : memref<!tpu.dma_semaphore, #tpu.memory_space<semaphore_mem>>) src(%arg8 : memref<16x1024xf32, #tpu.memory_space<vmem>>) dst(%dma_wait3A_95 : memref<16x1024xf32, #tpu.memory_space<hbm>>)
    %dma_start3A_96 = arith.constant 32 : i32
    %dma_start3A_97 = tpu.memref_slice %arg6[%dma_start3A_96] : memref<64xi32, #tpu.memory_space<vmem>> -> memref<16xi32, #tpu.memory_space<vmem>>
    %dma_start3A_98 = arith.constant 0 : i32
    %dma_start3A_99 = arith.constant 0 : i32
    %dma_start3A_100 = tpu.memref_slice %arg2[%dma_start3A_98, %dma_start3A_99] : memref<6144x1024xf32, #tpu.memory_space<hbm>> -> memref<6144x1024xf32, #tpu.memory_space<hbm>>
    tpu.enqueue_indirect_dma source(%dma_start3A_100 : memref<6144x1024xf32, #tpu.memory_space<hbm>>) target(%arg8 : memref<16x1024xf32, #tpu.memory_space<vmem>>) offsets(%dma_start3A_97 : memref<16xi32, #tpu.memory_space<vmem>>) semaphore(%arg12 : memref<!tpu.dma_semaphore, #tpu.memory_space<semaphore_mem>>)
    %dma_start3A_101 = arith.constant 32 : i32
    %dma_start3A_102 = tpu.memref_slice %arg7[%dma_start3A_101] : memref<64xi32, #tpu.memory_space<vmem>> -> memref<16xi32, #tpu.memory_space<vmem>>
    %dma_start3A_103 = arith.constant 0 : i32
    %dma_start3A_104 = arith.constant 0 : i32
    %dma_start3A_105 = tpu.memref_slice %arg2[%dma_start3A_103, %dma_start3A_104] : memref<6144x1024xf32, #tpu.memory_space<hbm>> -> memref<6144x1024xf32, #tpu.memory_space<hbm>>
    tpu.enqueue_indirect_dma source(%dma_start3A_105 : memref<6144x1024xf32, #tpu.memory_space<hbm>>) target(%arg9 : memref<16x1024xf32, #tpu.memory_space<vmem>>) offsets(%dma_start3A_102 : memref<16xi32, #tpu.memory_space<vmem>>) semaphore(%arg13 : memref<!tpu.dma_semaphore, #tpu.memory_space<semaphore_mem>>)
    %dma_wait3A_106 = arith.constant 32 : i32
    %dma_wait3A_107 = tpu.memref_slice %arg6[%dma_wait3A_106] : memref<64xi32, #tpu.memory_space<vmem>> -> memref<16xi32, #tpu.memory_space<vmem>>
    %dma_wait3A_108 = arith.constant 0 : i32
    %dma_wait3A_109 = arith.constant 0 : i32
    %dma_wait3A_110 = tpu.memref_slice %arg2[%dma_wait3A_108, %dma_wait3A_109] : memref<6144x1024xf32, #tpu.memory_space<hbm>> -> memref<6144x1024xf32, #tpu.memory_space<hbm>>
    tpu.wait_indirect_dma semaphore(%arg12 : memref<!tpu.dma_semaphore, #tpu.memory_space<semaphore_mem>>) src(%dma_wait3A_110 : memref<6144x1024xf32, #tpu.memory_space<hbm>>) dst(%arg8 : memref<16x1024xf32, #tpu.memory_space<vmem>>)
    %dma_wait3A_111 = arith.constant 32 : i32
    %dma_wait3A_112 = tpu.memref_slice %arg7[%dma_wait3A_111] : memref<64xi32, #tpu.memory_space<vmem>> -> memref<16xi32, #tpu.memory_space<vmem>>
    %dma_wait3A_113 = arith.constant 0 : i32
    %dma_wait3A_114 = arith.constant 0 : i32
    %dma_wait3A_115 = tpu.memref_slice %arg2[%dma_wait3A_113, %dma_wait3A_114] : memref<6144x1024xf32, #tpu.memory_space<hbm>> -> memref<6144x1024xf32, #tpu.memory_space<hbm>>
    tpu.wait_indirect_dma semaphore(%arg13 : memref<!tpu.dma_semaphore, #tpu.memory_space<semaphore_mem>>) src(%dma_wait3A_115 : memref<6144x1024xf32, #tpu.memory_space<hbm>>) dst(%arg9 : memref<16x1024xf32, #tpu.memory_space<vmem>>)
    %scan3A_116 = arith.constant 0 : i32
    %scan3A_117 = arith.constant 0 : i32
    %scan3A_118 = arith.constant 1024 : i32
    %scan3A_119 = arith.addi %scan3A_117, %scan3A_118 : i32
    %scan3A_120 = arith.constant 8 : i32
    %scan3A_121 = scf.for %scan3A_178 = %scan3A_117 to %scan3A_119 step %scan3A_120 iter_args(%scan3A_179 = %scan3A_116) -> (i32)  : i32 {
      %jit3A = arith.constant 64 : i32
      %div3A = arith.divsi %scan3A_178, %jit3A : i32
      %sign3A = arith.constant 0 : i32
      %sign3A_180 = arith.cmpi sgt, %scan3A_178, %sign3A : i32
      %sign3A_181 = arith.extui %sign3A_180 : i1 to i32
      %sign3A_182 = arith.constant 0 : i32
      %sign3A_183 = arith.cmpi slt, %scan3A_178, %sign3A_182 : i32
      %sign3A_184 = arith.extui %sign3A_183 : i1 to i32
      %sign3A_185 = arith.subi %sign3A_181, %sign3A_184 : i32
      %sign3A_186 = arith.constant 0 : i32
      %sign3A_187 = arith.cmpi sgt, %jit3A, %sign3A_186 : i32
      %sign3A_188 = arith.extui %sign3A_187 : i1 to i32
      %sign3A_189 = arith.constant 0 : i32
      %sign3A_190 = arith.cmpi slt, %jit3A, %sign3A_189 : i32
      %sign3A_191 = arith.extui %sign3A_190 : i1 to i32
      %sign3A_192 = arith.subi %sign3A_188, %sign3A_191 : i32
      %ne3A = arith.cmpi ne, %sign3A_185, %sign3A_192 : i32
      %rem3A = arith.remsi %scan3A_178, %jit3A : i32
      %ne3A_193 = arith.constant 0 : i32
      %ne3A_194 = arith.cmpi ne, %rem3A, %ne3A_193 : i32
      %and3A = arith.andi %ne3A, %ne3A_194 : i1
      %sub3A = arith.constant 1 : i32
      %sub3A_195 = arith.subi %div3A, %sub3A : i32
      %select_n3A = arith.select %and3A, %sub3A_195, %div3A : i32
      %jit3A_196 = arith.constant 64 : i32
      %eq3A = arith.constant 0 : i32
      %eq3A_197 = arith.cmpi eq, %jit3A_196, %eq3A : i32
      %jit3A_198 = arith.constant 1 : i32
      %select_n3A_199 = arith.select %eq3A_197, %jit3A_198, %jit3A_196 : i32
      %rem3A_200 = arith.remsi %scan3A_178, %select_n3A_199 : i32
      %ne3A_201 = arith.constant 0 : i32
      %ne3A_202 = arith.cmpi ne, %rem3A_200, %ne3A_201 : i32
      %lt3A = arith.constant 0 : i32
      %lt3A_203 = arith.cmpi slt, %rem3A_200, %lt3A : i32
      %lt3A_204 = arith.constant 0 : i32
      %lt3A_205 = arith.cmpi slt, %select_n3A_199, %lt3A_204 : i32
      %ne3A_206 = arith.xori %lt3A_203, %lt3A_205 : i1
      %and3A_207 = arith.andi %ne3A_206, %ne3A_202 : i1
      %add3A_208 = arith.addi %rem3A_200, %select_n3A_199 : i32
      %select_n3A_209 = arith.select %and3A_207, %add3A_208, %rem3A_200 : i32
      %mul3A_210 = arith.constant 16 : i32
      %mul3A_211 = arith.muli %select_n3A_209, %mul3A_210 : i32
      %get3A = arith.index_cast %select_n3A : i32 to index
      %get3A_212 = arith.index_cast %mul3A_211 : i32 to index
      %get3A_213 = tpu.vector_load %arg8[%get3A, %get3A_212] {strides = array<i32>} : memref<16x1024xf32, #tpu.memory_space<vmem>>, vector<1x16xf32>,
      %get3A_214 = vector.shape_cast %get3A_213 : vector<1x16xf32> to vector<16xf32>
      %get3A_215 = arith.index_cast %select_n3A : i32 to index
      %get3A_216 = arith.index_cast %mul3A_211 : i32 to index
      %get3A_217 = tpu.vector_load %arg9[%get3A_215, %get3A_216] {strides = array<i32>} : memref<16x1024xf32, #tpu.memory_space<vmem>>, vector<1x16xf32>,
      %get3A_218 = vector.shape_cast %get3A_217 : vector<1x16xf32> to vector<16xf32>
      %add3A_219 = arith.addf %get3A_214, %get3A_218 : vector<16xf32>
      %swap3A = arith.index_cast %select_n3A : i32 to index
      %swap3A_220 = arith.index_cast %mul3A_211 : i32 to index
      %swap3A_221 = tpu.vector_load %arg8[%swap3A, %swap3A_220] {strides = array<i32>} : memref<16x1024xf32, #tpu.memory_space<vmem>>, vector<1x16xf32>,
      %swap3A_222 = vector.shape_cast %swap3A_221 : vector<1x16xf32> to vector<16xf32>
      %swap3A_223 = vector.shape_cast %add3A_219 : vector<16xf32> to vector<1x16xf32>
      tpu.vector_store %arg8[%swap3A, %swap3A_220], %swap3A_223 {strides = array<i32>} : memref<16x1024xf32, #tpu.memory_space<vmem>>, vector<1x16xf32>,
      %scan3A_224 = arith.constant 0 : i32
      %scan3A_225 = arith.constant 1 : i32
      %scan3A_226 = arith.addi %scan3A_178, %scan3A_225 : i32
      %jit3A_227 = arith.constant 64 : i32
      %div3A_228 = arith.divsi %scan3A_226, %jit3A_227 : i32
      %sign3A_229 = arith.constant 0 : i32
      %sign3A_230 = arith.cmpi sgt, %scan3A_226, %sign3A_229 : i32
      %sign3A_231 = arith.extui %sign3A_230 : i1 to i32
      %sign3A_232 = arith.constant 0 : i32
      %sign3A_233 = arith.cmpi slt, %scan3A_226, %sign3A_232 : i32
      %sign3A_234 = arith.extui %sign3A_233 : i1 to i32
      %sign3A_235 = arith.subi %sign3A_231, %sign3A_234 : i32
      %sign3A_236 = arith.constant 0 : i32
      %sign3A_237 = arith.cmpi sgt, %jit3A_227, %sign3A_236 : i32
      %sign3A_238 = arith.extui %sign3A_237 : i1 to i32
      %sign3A_239 = arith.constant 0 : i32
      %sign3A_240 = arith.cmpi slt, %jit3A_227, %sign3A_239 : i32
      %sign3A_241 = arith.extui %sign3A_240 : i1 to i32
      %sign3A_242 = arith.subi %sign3A_238, %sign3A_241 : i32
      %ne3A_243 = arith.cmpi ne, %sign3A_235, %sign3A_242 : i32
      %rem3A_244 = arith.remsi %scan3A_226, %jit3A_227 : i32
      %ne3A_245 = arith.constant 0 : i32
      %ne3A_246 = arith.cmpi ne, %rem3A_244, %ne3A_245 : i32
      %and3A_247 = arith.andi %ne3A_243, %ne3A_246 : i1
      %sub3A_248 = arith.constant 1 : i32
      %sub3A_249 = arith.subi %div3A_228, %sub3A_248 : i32
      %select_n3A_250 = arith.select %and3A_247, %sub3A_249, %div3A_228 : i32
      %jit3A_251 = arith.constant 64 : i32
      %eq3A_252 = arith.constant 0 : i32
      %eq3A_253 = arith.cmpi eq, %jit3A_251, %eq3A_252 : i32
      %jit3A_254 = arith.constant 1 : i32
      %select_n3A_255 = arith.select %eq3A_253, %jit3A_254, %jit3A_251 : i32
      %rem3A_256 = arith.remsi %scan3A_226, %select_n3A_255 : i32
      %ne3A_257 = arith.constant 0 : i32
      %ne3A_258 = arith.cmpi ne, %rem3A_256, %ne3A_257 : i32
      %lt3A_259 = arith.constant 0 : i32
      %lt3A_260 = arith.cmpi slt, %rem3A_256, %lt3A_259 : i32
      %lt3A_261 = arith.constant 0 : i32
      %lt3A_262 = arith.cmpi slt, %select_n3A_255, %lt3A_261 : i32
      %ne3A_263 = arith.xori %lt3A_260, %lt3A_262 : i1
      %and3A_264 = arith.andi %ne3A_263, %ne3A_258 : i1
      %add3A_265 = arith.addi %rem3A_256, %select_n3A_255 : i32
      %select_n3A_266 = arith.select %and3A_264, %add3A_265, %rem3A_256 : i32
      %mul3A_267 = arith.constant 16 : i32
      %mul3A_268 = arith.muli %select_n3A_266, %mul3A_267 : i32
      %get3A_269 = arith.index_cast %select_n3A_250 : i32 to index
      %get3A_270 = arith.index_cast %mul3A_268 : i32 to index
      %get3A_271 = tpu.vector_load %arg8[%get3A_269, %get3A_270] {strides = array<i32>} : memref<16x1024xf32, #tpu.memory_space<vmem>>, vector<1x16xf32>,
      %get3A_272 = vector.shape_cast %get3A_271 : vector<1x16xf32> to vector<16xf32>
      %get3A_273 = arith.index_cast %select_n3A_250 : i32 to index
      %get3A_274 = arith.index_cast %mul3A_268 : i32 to index
      %get3A_275 = tpu.vector_load %arg9[%get3A_273, %get3A_274] {strides = array<i32>} : memref<16x1024xf32, #tpu.memory_space<vmem>>, vector<1x16xf32>,
      %get3A_276 = vector.shape_cast %get3A_275 : vector<1x16xf32> to vector<16xf32>
      %add3A_277 = arith.addf %get3A_272, %get3A_276 : vector<16xf32>
      %swap3A_278 = arith.index_cast %select_n3A_250 : i32 to index
      %swap3A_279 = arith.index_cast %mul3A_268 : i32 to index
      %swap3A_280 = tpu.vector_load %arg8[%swap3A_278, %swap3A_279] {strides = array<i32>} : memref<16x1024xf32, #tpu.memory_space<vmem>>, vector<1x16xf32>,
      %swap3A_281 = vector.shape_cast %swap3A_280 : vector<1x16xf32> to vector<16xf32>
      %swap3A_282 = vector.shape_cast %add3A_277 : vector<16xf32> to vector<1x16xf32>
      tpu.vector_store %arg8[%swap3A_278, %swap3A_279], %swap3A_282 {strides = array<i32>} : memref<16x1024xf32, #tpu.memory_space<vmem>>, vector<1x16xf32>,
      %scan3A_283 = arith.constant 0 : i32
      %scan3A_284 = arith.constant 2 : i32
      %scan3A_285 = arith.addi %scan3A_178, %scan3A_284 : i32
      %jit3A_286 = arith.constant 64 : i32
      %div3A_287 = arith.divsi %scan3A_285, %jit3A_286 : i32
      %sign3A_288 = arith.constant 0 : i32
      %sign3A_289 = arith.cmpi sgt, %scan3A_285, %sign3A_288 : i32
      %sign3A_290 = arith.extui %sign3A_289 : i1 to i32
      %sign3A_291 = arith.constant 0 : i32
      %sign3A_292 = arith.cmpi slt, %scan3A_285, %sign3A_291 : i32
      %sign3A_293 = arith.extui %sign3A_292 : i1 to i32
      %sign3A_294 = arith.subi %sign3A_290, %sign3A_293 : i32
      %sign3A_295 = arith.constant 0 : i32
      %sign3A_296 = arith.cmpi sgt, %jit3A_286, %sign3A_295 : i32
      %sign3A_297 = arith.extui %sign3A_296 : i1 to i32
      %sign3A_298 = arith.constant 0 : i32
      %sign3A_299 = arith.cmpi slt, %jit3A_286, %sign3A_298 : i32
      %sign3A_300 = arith.extui %sign3A_299 : i1 to i32
      %sign3A_301 = arith.subi %sign3A_297, %sign3A_300 : i32
      %ne3A_302 = arith.cmpi ne, %sign3A_294, %sign3A_301 : i32
      %rem3A_303 = arith.remsi %scan3A_285, %jit3A_286 : i32
      %ne3A_304 = arith.constant 0 : i32
      %ne3A_305 = arith.cmpi ne, %rem3A_303, %ne3A_304 : i32
      %and3A_306 = arith.andi %ne3A_302, %ne3A_305 : i1
      %sub3A_307 = arith.constant 1 : i32
      %sub3A_308 = arith.subi %div3A_287, %sub3A_307 : i32
      %select_n3A_309 = arith.select %and3A_306, %sub3A_308, %div3A_287 : i32
      %jit3A_310 = arith.constant 64 : i32
      %eq3A_311 = arith.constant 0 : i32
      %eq3A_312 = arith.cmpi eq, %jit3A_310, %eq3A_311 : i32
      %jit3A_313 = arith.constant 1 : i32
      %select_n3A_314 = arith.select %eq3A_312, %jit3A_313, %jit3A_310 : i32
      %rem3A_315 = arith.remsi %scan3A_285, %select_n3A_314 : i32
      %ne3A_316 = arith.constant 0 : i32
      %ne3A_317 = arith.cmpi ne, %rem3A_315, %ne3A_316 : i32
      %lt3A_318 = arith.constant 0 : i32
      %lt3A_319 = arith.cmpi slt, %rem3A_315, %lt3A_318 : i32
      %lt3A_320 = arith.constant 0 : i32
      %lt3A_321 = arith.cmpi slt, %select_n3A_314, %lt3A_320 : i32
      %ne3A_322 = arith.xori %lt3A_319, %lt3A_321 : i1
      %and3A_323 = arith.andi %ne3A_322, %ne3A_317 : i1
      %add3A_324 = arith.addi %rem3A_315, %select_n3A_314 : i32
      %select_n3A_325 = arith.select %and3A_323, %add3A_324, %rem3A_315 : i32
      %mul3A_326 = arith.constant 16 : i32
      %mul3A_327 = arith.muli %select_n3A_325, %mul3A_326 : i32
      %get3A_328 = arith.index_cast %select_n3A_309 : i32 to index
      %get3A_329 = arith.index_cast %mul3A_327 : i32 to index
      %get3A_330 = tpu.vector_load %arg8[%get3A_328, %get3A_329] {strides = array<i32>} : memref<16x1024xf32, #tpu.memory_space<vmem>>, vector<1x16xf32>,
      %get3A_331 = vector.shape_cast %get3A_330 : vector<1x16xf32> to vector<16xf32>
      %get3A_332 = arith.index_cast %select_n3A_309 : i32 to index
      %get3A_333 = arith.index_cast %mul3A_327 : i32 to index
      %get3A_334 = tpu.vector_load %arg9[%get3A_332, %get3A_333] {strides = array<i32>} : memref<16x1024xf32, #tpu.memory_space<vmem>>, vector<1x16xf32>,
      %get3A_335 = vector.shape_cast %get3A_334 : vector<1x16xf32> to vector<16xf32>
      %add3A_336 = arith.addf %get3A_331, %get3A_335 : vector<16xf32>
      %swap3A_337 = arith.index_cast %select_n3A_309 : i32 to index
      %swap3A_338 = arith.index_cast %mul3A_327 : i32 to index
      %swap3A_339 = tpu.vector_load %arg8[%swap3A_337, %swap3A_338] {strides = array<i32>} : memref<16x1024xf32, #tpu.memory_space<vmem>>, vector<1x16xf32>,
      %swap3A_340 = vector.shape_cast %swap3A_339 : vector<1x16xf32> to vector<16xf32>
      %swap3A_341 = vector.shape_cast %add3A_336 : vector<16xf32> to vector<1x16xf32>
      tpu.vector_store %arg8[%swap3A_337, %swap3A_338], %swap3A_341 {strides = array<i32>} : memref<16x1024xf32, #tpu.memory_space<vmem>>, vector<1x16xf32>,
      %scan3A_342 = arith.constant 0 : i32
      %scan3A_343 = arith.constant 3 : i32
      %scan3A_344 = arith.addi %scan3A_178, %scan3A_343 : i32
      %jit3A_345 = arith.constant 64 : i32
      %div3A_346 = arith.divsi %scan3A_344, %jit3A_345 : i32
      %sign3A_347 = arith.constant 0 : i32
      %sign3A_348 = arith.cmpi sgt, %scan3A_344, %sign3A_347 : i32
      %sign3A_349 = arith.extui %sign3A_348 : i1 to i32
      %sign3A_350 = arith.constant 0 : i32
      %sign3A_351 = arith.cmpi slt, %scan3A_344, %sign3A_350 : i32
      %sign3A_352 = arith.extui %sign3A_351 : i1 to i32
      %sign3A_353 = arith.subi %sign3A_349, %sign3A_352 : i32
      %sign3A_354 = arith.constant 0 : i32
      %sign3A_355 = arith.cmpi sgt, %jit3A_345, %sign3A_354 : i32
      %sign3A_356 = arith.extui %sign3A_355 : i1 to i32
      %sign3A_357 = arith.constant 0 : i32
      %sign3A_358 = arith.cmpi slt, %jit3A_345, %sign3A_357 : i32
      %sign3A_359 = arith.extui %sign3A_358 : i1 to i32
      %sign3A_360 = arith.subi %sign3A_356, %sign3A_359 : i32
      %ne3A_361 = arith.cmpi ne, %sign3A_353, %sign3A_360 : i32
      %rem3A_362 = arith.remsi %scan3A_344, %jit3A_345 : i32
      %ne3A_363 = arith.constant 0 : i32
      %ne3A_364 = arith.cmpi ne, %rem3A_362, %ne3A_363 : i32
      %and3A_365 = arith.andi %ne3A_361, %ne3A_364 : i1
      %sub3A_366 = arith.constant 1 : i32
      %sub3A_367 = arith.subi %div3A_346, %sub3A_366 : i32
      %select_n3A_368 = arith.select %and3A_365, %sub3A_367, %div3A_346 : i32
      %jit3A_369 = arith.constant 64 : i32
      %eq3A_370 = arith.constant 0 : i32
      %eq3A_371 = arith.cmpi eq, %jit3A_369, %eq3A_370 : i32
      %jit3A_372 = arith.constant 1 : i32
      %select_n3A_373 = arith.select %eq3A_371, %jit3A_372, %jit3A_369 : i32
      %rem3A_374 = arith.remsi %scan3A_344, %select_n3A_373 : i32
      %ne3A_375 = arith.constant 0 : i32
      %ne3A_376 = arith.cmpi ne, %rem3A_374, %ne3A_375 : i32
      %lt3A_377 = arith.constant 0 : i32
      %lt3A_378 = arith.cmpi slt, %rem3A_374, %lt3A_377 : i32
      %lt3A_379 = arith.constant 0 : i32
      %lt3A_380 = arith.cmpi slt, %select_n3A_373, %lt3A_379 : i32
      %ne3A_381 = arith.xori %lt3A_378, %lt3A_380 : i1
      %and3A_382 = arith.andi %ne3A_381, %ne3A_376 : i1
      %add3A_383 = arith.addi %rem3A_374, %select_n3A_373 : i32
      %select_n3A_384 = arith.select %and3A_382, %add3A_383, %rem3A_374 : i32
      %mul3A_385 = arith.constant 16 : i32
      %mul3A_386 = arith.muli %select_n3A_384, %mul3A_385 : i32
      %get3A_387 = arith.index_cast %select_n3A_368 : i32 to index
      %get3A_388 = arith.index_cast %mul3A_386 : i32 to index
      %get3A_389 = tpu.vector_load %arg8[%get3A_387, %get3A_388] {strides = array<i32>} : memref<16x1024xf32, #tpu.memory_space<vmem>>, vector<1x16xf32>,
      %get3A_390 = vector.shape_cast %get3A_389 : vector<1x16xf32> to vector<16xf32>
      %get3A_391 = arith.index_cast %select_n3A_368 : i32 to index
      %get3A_392 = arith.index_cast %mul3A_386 : i32 to index
      %get3A_393 = tpu.vector_load %arg9[%get3A_391, %get3A_392] {strides = array<i32>} : memref<16x1024xf32, #tpu.memory_space<vmem>>, vector<1x16xf32>,
      %get3A_394 = vector.shape_cast %get3A_393 : vector<1x16xf32> to vector<16xf32>
      %add3A_395 = arith.addf %get3A_390, %get3A_394 : vector<16xf32>
      %swap3A_396 = arith.index_cast %select_n3A_368 : i32 to index
      %swap3A_397 = arith.index_cast %mul3A_386 : i32 to index
      %swap3A_398 = tpu.vector_load %arg8[%swap3A_396, %swap3A_397] {strides = array<i32>} : memref<16x1024xf32, #tpu.memory_space<vmem>>, vector<1x16xf32>,
      %swap3A_399 = vector.shape_cast %swap3A_398 : vector<1x16xf32> to vector<16xf32>
      %swap3A_400 = vector.shape_cast %add3A_395 : vector<16xf32> to vector<1x16xf32>
      tpu.vector_store %arg8[%swap3A_396, %swap3A_397], %swap3A_400 {strides = array<i32>} : memref<16x1024xf32, #tpu.memory_space<vmem>>, vector<1x16xf32>,
      %scan3A_401 = arith.constant 0 : i32
      %scan3A_402 = arith.constant 4 : i32
      %scan3A_403 = arith.addi %scan3A_178, %scan3A_402 : i32
      %jit3A_404 = arith.constant 64 : i32
      %div3A_405 = arith.divsi %scan3A_403, %jit3A_404 : i32
      %sign3A_406 = arith.constant 0 : i32
      %sign3A_407 = arith.cmpi sgt, %scan3A_403, %sign3A_406 : i32
      %sign3A_408 = arith.extui %sign3A_407 : i1 to i32
      %sign3A_409 = arith.constant 0 : i32
      %sign3A_410 = arith.cmpi slt, %scan3A_403, %sign3A_409 : i32
      %sign3A_411 = arith.extui %sign3A_410 : i1 to i32
      %sign3A_412 = arith.subi %sign3A_408, %sign3A_411 : i32
      %sign3A_413 = arith.constant 0 : i32
      %sign3A_414 = arith.cmpi sgt, %jit3A_404, %sign3A_413 : i32
      %sign3A_415 = arith.extui %sign3A_414 : i1 to i32
      %sign3A_416 = arith.constant 0 : i32
      %sign3A_417 = arith.cmpi slt, %jit3A_404, %sign3A_416 : i32
      %sign3A_418 = arith.extui %sign3A_417 : i1 to i32
      %sign3A_419 = arith.subi %sign3A_415, %sign3A_418 : i32
      %ne3A_420 = arith.cmpi ne, %sign3A_412, %sign3A_419 : i32
      %rem3A_421 = arith.remsi %scan3A_403, %jit3A_404 : i32
      %ne3A_422 = arith.constant 0 : i32
      %ne3A_423 = arith.cmpi ne, %rem3A_421, %ne3A_422 : i32
      %and3A_424 = arith.andi %ne3A_420, %ne3A_423 : i1
      %sub3A_425 = arith.constant 1 : i32
      %sub3A_426 = arith.subi %div3A_405, %sub3A_425 : i32
      %select_n3A_427 = arith.select %and3A_424, %sub3A_426, %div3A_405 : i32
      %jit3A_428 = arith.constant 64 : i32
      %eq3A_429 = arith.constant 0 : i32
      %eq3A_430 = arith.cmpi eq, %jit3A_428, %eq3A_429 : i32
      %jit3A_431 = arith.constant 1 : i32
      %select_n3A_432 = arith.select %eq3A_430, %jit3A_431, %jit3A_428 : i32
      %rem3A_433 = arith.remsi %scan3A_403, %select_n3A_432 : i32
      %ne3A_434 = arith.constant 0 : i32
      %ne3A_435 = arith.cmpi ne, %rem3A_433, %ne3A_434 : i32
      %lt3A_436 = arith.constant 0 : i32
      %lt3A_437 = arith.cmpi slt, %rem3A_433, %lt3A_436 : i32
      %lt3A_438 = arith.constant 0 : i32
      %lt3A_439 = arith.cmpi slt, %select_n3A_432, %lt3A_438 : i32
      %ne3A_440 = arith.xori %lt3A_437, %lt3A_439 : i1
      %and3A_441 = arith.andi %ne3A_440, %ne3A_435 : i1
      %add3A_442 = arith.addi %rem3A_433, %select_n3A_432 : i32
      %select_n3A_443 = arith.select %and3A_441, %add3A_442, %rem3A_433 : i32
      %mul3A_444 = arith.constant 16 : i32
      %mul3A_445 = arith.muli %select_n3A_443, %mul3A_444 : i32
      %get3A_446 = arith.index_cast %select_n3A_427 : i32 to index
      %get3A_447 = arith.index_cast %mul3A_445 : i32 to index
      %get3A_448 = tpu.vector_load %arg8[%get3A_446, %get3A_447] {strides = array<i32>} : memref<16x1024xf32, #tpu.memory_space<vmem>>, vector<1x16xf32>,
      %get3A_449 = vector.shape_cast %get3A_448 : vector<1x16xf32> to vector<16xf32>
      %get3A_450 = arith.index_cast %select_n3A_427 : i32 to index
      %get3A_451 = arith.index_cast %mul3A_445 : i32 to index
      %get3A_452 = tpu.vector_load %arg9[%get3A_450, %get3A_451] {strides = array<i32>} : memref<16x1024xf32, #tpu.memory_space<vmem>>, vector<1x16xf32>,
      %get3A_453 = vector.shape_cast %get3A_452 : vector<1x16xf32> to vector<16xf32>
      %add3A_454 = arith.addf %get3A_449, %get3A_453 : vector<16xf32>
      %swap3A_455 = arith.index_cast %select_n3A_427 : i32 to index
      %swap3A_456 = arith.index_cast %mul3A_445 : i32 to index
      %swap3A_457 = tpu.vector_load %arg8[%swap3A_455, %swap3A_456] {strides = array<i32>} : memref<16x1024xf32, #tpu.memory_space<vmem>>, vector<1x16xf32>,
      %swap3A_458 = vector.shape_cast %swap3A_457 : vector<1x16xf32> to vector<16xf32>
      %swap3A_459 = vector.shape_cast %add3A_454 : vector<16xf32> to vector<1x16xf32>
      tpu.vector_store %arg8[%swap3A_455, %swap3A_456], %swap3A_459 {strides = array<i32>} : memref<16x1024xf32, #tpu.memory_space<vmem>>, vector<1x16xf32>,
      %scan3A_460 = arith.constant 0 : i32
      %scan3A_461 = arith.constant 5 : i32
      %scan3A_462 = arith.addi %scan3A_178, %scan3A_461 : i32
      %jit3A_463 = arith.constant 64 : i32
      %div3A_464 = arith.divsi %scan3A_462, %jit3A_463 : i32
      %sign3A_465 = arith.constant 0 : i32
      %sign3A_466 = arith.cmpi sgt, %scan3A_462, %sign3A_465 : i32
      %sign3A_467 = arith.extui %sign3A_466 : i1 to i32
      %sign3A_468 = arith.constant 0 : i32
      %sign3A_469 = arith.cmpi slt, %scan3A_462, %sign3A_468 : i32
      %sign3A_470 = arith.extui %sign3A_469 : i1 to i32
      %sign3A_471 = arith.subi %sign3A_467, %sign3A_470 : i32
      %sign3A_472 = arith.constant 0 : i32
      %sign3A_473 = arith.cmpi sgt, %jit3A_463, %sign3A_472 : i32
      %sign3A_474 = arith.extui %sign3A_473 : i1 to i32
      %sign3A_475 = arith.constant 0 : i32
      %sign3A_476 = arith.cmpi slt, %jit3A_463, %sign3A_475 : i32
      %sign3A_477 = arith.extui %sign3A_476 : i1 to i32
      %sign3A_478 = arith.subi %sign3A_474, %sign3A_477 : i32
      %ne3A_479 = arith.cmpi ne, %sign3A_471, %sign3A_478 : i32
      %rem3A_480 = arith.remsi %scan3A_462, %jit3A_463 : i32
      %ne3A_481 = arith.constant 0 : i32
      %ne3A_482 = arith.cmpi ne, %rem3A_480, %ne3A_481 : i32
      %and3A_483 = arith.andi %ne3A_479, %ne3A_482 : i1
      %sub3A_484 = arith.constant 1 : i32
      %sub3A_485 = arith.subi %div3A_464, %sub3A_484 : i32
      %select_n3A_486 = arith.select %and3A_483, %sub3A_485, %div3A_464 : i32
      %jit3A_487 = arith.constant 64 : i32
      %eq3A_488 = arith.constant 0 : i32
      %eq3A_489 = arith.cmpi eq, %jit3A_487, %eq3A_488 : i32
      %jit3A_490 = arith.constant 1 : i32
      %select_n3A_491 = arith.select %eq3A_489, %jit3A_490, %jit3A_487 : i32
      %rem3A_492 = arith.remsi %scan3A_462, %select_n3A_491 : i32
      %ne3A_493 = arith.constant 0 : i32
      %ne3A_494 = arith.cmpi ne, %rem3A_492, %ne3A_493 : i32
      %lt3A_495 = arith.constant 0 : i32
      %lt3A_496 = arith.cmpi slt, %rem3A_492, %lt3A_495 : i32
      %lt3A_497 = arith.constant 0 : i32
      %lt3A_498 = arith.cmpi slt, %select_n3A_491, %lt3A_497 : i32
      %ne3A_499 = arith.xori %lt3A_496, %lt3A_498 : i1
      %and3A_500 = arith.andi %ne3A_499, %ne3A_494 : i1
      %add3A_501 = arith.addi %rem3A_492, %select_n3A_491 : i32
      %select_n3A_502 = arith.select %and3A_500, %add3A_501, %rem3A_492 : i32
      %mul3A_503 = arith.constant 16 : i32
      %mul3A_504 = arith.muli %select_n3A_502, %mul3A_503 : i32
      %get3A_505 = arith.index_cast %select_n3A_486 : i32 to index
      %get3A_506 = arith.index_cast %mul3A_504 : i32 to index
      %get3A_507 = tpu.vector_load %arg8[%get3A_505, %get3A_506] {strides = array<i32>} : memref<16x1024xf32, #tpu.memory_space<vmem>>, vector<1x16xf32>,
      %get3A_508 = vector.shape_cast %get3A_507 : vector<1x16xf32> to vector<16xf32>
      %get3A_509 = arith.index_cast %select_n3A_486 : i32 to index
      %get3A_510 = arith.index_cast %mul3A_504 : i32 to index
      %get3A_511 = tpu.vector_load %arg9[%get3A_509, %get3A_510] {strides = array<i32>} : memref<16x1024xf32, #tpu.memory_space<vmem>>, vector<1x16xf32>,
      %get3A_512 = vector.shape_cast %get3A_511 : vector<1x16xf32> to vector<16xf32>
      %add3A_513 = arith.addf %get3A_508, %get3A_512 : vector<16xf32>
      %swap3A_514 = arith.index_cast %select_n3A_486 : i32 to index
      %swap3A_515 = arith.index_cast %mul3A_504 : i32 to index
      %swap3A_516 = tpu.vector_load %arg8[%swap3A_514, %swap3A_515] {strides = array<i32>} : memref<16x1024xf32, #tpu.memory_space<vmem>>, vector<1x16xf32>,
      %swap3A_517 = vector.shape_cast %swap3A_516 : vector<1x16xf32> to vector<16xf32>
      %swap3A_518 = vector.shape_cast %add3A_513 : vector<16xf32> to vector<1x16xf32>
      tpu.vector_store %arg8[%swap3A_514, %swap3A_515], %swap3A_518 {strides = array<i32>} : memref<16x1024xf32, #tpu.memory_space<vmem>>, vector<1x16xf32>,
      %scan3A_519 = arith.constant 0 : i32
      %scan3A_520 = arith.constant 6 : i32
      %scan3A_521 = arith.addi %scan3A_178, %scan3A_520 : i32
      %jit3A_522 = arith.constant 64 : i32
      %div3A_523 = arith.divsi %scan3A_521, %jit3A_522 : i32
      %sign3A_524 = arith.constant 0 : i32
      %sign3A_525 = arith.cmpi sgt, %scan3A_521, %sign3A_524 : i32
      %sign3A_526 = arith.extui %sign3A_525 : i1 to i32
      %sign3A_527 = arith.constant 0 : i32
      %sign3A_528 = arith.cmpi slt, %scan3A_521, %sign3A_527 : i32
      %sign3A_529 = arith.extui %sign3A_528 : i1 to i32
      %sign3A_530 = arith.subi %sign3A_526, %sign3A_529 : i32
      %sign3A_531 = arith.constant 0 : i32
      %sign3A_532 = arith.cmpi sgt, %jit3A_522, %sign3A_531 : i32
      %sign3A_533 = arith.extui %sign3A_532 : i1 to i32
      %sign3A_534 = arith.constant 0 : i32
      %sign3A_535 = arith.cmpi slt, %jit3A_522, %sign3A_534 : i32
      %sign3A_536 = arith.extui %sign3A_535 : i1 to i32
      %sign3A_537 = arith.subi %sign3A_533, %sign3A_536 : i32
      %ne3A_538 = arith.cmpi ne, %sign3A_530, %sign3A_537 : i32
      %rem3A_539 = arith.remsi %scan3A_521, %jit3A_522 : i32
      %ne3A_540 = arith.constant 0 : i32
      %ne3A_541 = arith.cmpi ne, %rem3A_539, %ne3A_540 : i32
      %and3A_542 = arith.andi %ne3A_538, %ne3A_541 : i1
      %sub3A_543 = arith.constant 1 : i32
      %sub3A_544 = arith.subi %div3A_523, %sub3A_543 : i32
      %select_n3A_545 = arith.select %and3A_542, %sub3A_544, %div3A_523 : i32
      %jit3A_546 = arith.constant 64 : i32
      %eq3A_547 = arith.constant 0 : i32
      %eq3A_548 = arith.cmpi eq, %jit3A_546, %eq3A_547 : i32
      %jit3A_549 = arith.constant 1 : i32
      %select_n3A_550 = arith.select %eq3A_548, %jit3A_549, %jit3A_546 : i32
      %rem3A_551 = arith.remsi %scan3A_521, %select_n3A_550 : i32
      %ne3A_552 = arith.constant 0 : i32
      %ne3A_553 = arith.cmpi ne, %rem3A_551, %ne3A_552 : i32
      %lt3A_554 = arith.constant 0 : i32
      %lt3A_555 = arith.cmpi slt, %rem3A_551, %lt3A_554 : i32
      %lt3A_556 = arith.constant 0 : i32
      %lt3A_557 = arith.cmpi slt, %select_n3A_550, %lt3A_556 : i32
      %ne3A_558 = arith.xori %lt3A_555, %lt3A_557 : i1
      %and3A_559 = arith.andi %ne3A_558, %ne3A_553 : i1
      %add3A_560 = arith.addi %rem3A_551, %select_n3A_550 : i32
      %select_n3A_561 = arith.select %and3A_559, %add3A_560, %rem3A_551 : i32
      %mul3A_562 = arith.constant 16 : i32
      %mul3A_563 = arith.muli %select_n3A_561, %mul3A_562 : i32
      %get3A_564 = arith.index_cast %select_n3A_545 : i32 to index
      %get3A_565 = arith.index_cast %mul3A_563 : i32 to index
      %get3A_566 = tpu.vector_load %arg8[%get3A_564, %get3A_565] {strides = array<i32>} : memref<16x1024xf32, #tpu.memory_space<vmem>>, vector<1x16xf32>,
      %get3A_567 = vector.shape_cast %get3A_566 : vector<1x16xf32> to vector<16xf32>
      %get3A_568 = arith.index_cast %select_n3A_545 : i32 to index
      %get3A_569 = arith.index_cast %mul3A_563 : i32 to index
      %get3A_570 = tpu.vector_load %arg9[%get3A_568, %get3A_569] {strides = array<i32>} : memref<16x1024xf32, #tpu.memory_space<vmem>>, vector<1x16xf32>,
      %get3A_571 = vector.shape_cast %get3A_570 : vector<1x16xf32> to vector<16xf32>
      %add3A_572 = arith.addf %get3A_567, %get3A_571 : vector<16xf32>
      %swap3A_573 = arith.index_cast %select_n3A_545 : i32 to index
      %swap3A_574 = arith.index_cast %mul3A_563 : i32 to index
      %swap3A_575 = tpu.vector_load %arg8[%swap3A_573, %swap3A_574] {strides = array<i32>} : memref<16x1024xf32, #tpu.memory_space<vmem>>, vector<1x16xf32>,
      %swap3A_576 = vector.shape_cast %swap3A_575 : vector<1x16xf32> to vector<16xf32>
      %swap3A_577 = vector.shape_cast %add3A_572 : vector<16xf32> to vector<1x16xf32>
      tpu.vector_store %arg8[%swap3A_573, %swap3A_574], %swap3A_577 {strides = array<i32>} : memref<16x1024xf32, #tpu.memory_space<vmem>>, vector<1x16xf32>,
      %scan3A_578 = arith.constant 0 : i32
      %scan3A_579 = arith.constant 7 : i32
      %scan3A_580 = arith.addi %scan3A_178, %scan3A_579 : i32
      %jit3A_581 = arith.constant 64 : i32
      %div3A_582 = arith.divsi %scan3A_580, %jit3A_581 : i32
      %sign3A_583 = arith.constant 0 : i32
      %sign3A_584 = arith.cmpi sgt, %scan3A_580, %sign3A_583 : i32
      %sign3A_585 = arith.extui %sign3A_584 : i1 to i32
      %sign3A_586 = arith.constant 0 : i32
      %sign3A_587 = arith.cmpi slt, %scan3A_580, %sign3A_586 : i32
      %sign3A_588 = arith.extui %sign3A_587 : i1 to i32
      %sign3A_589 = arith.subi %sign3A_585, %sign3A_588 : i32
      %sign3A_590 = arith.constant 0 : i32
      %sign3A_591 = arith.cmpi sgt, %jit3A_581, %sign3A_590 : i32
      %sign3A_592 = arith.extui %sign3A_591 : i1 to i32
      %sign3A_593 = arith.constant 0 : i32
      %sign3A_594 = arith.cmpi slt, %jit3A_581, %sign3A_593 : i32
      %sign3A_595 = arith.extui %sign3A_594 : i1 to i32
      %sign3A_596 = arith.subi %sign3A_592, %sign3A_595 : i32
      %ne3A_597 = arith.cmpi ne, %sign3A_589, %sign3A_596 : i32
      %rem3A_598 = arith.remsi %scan3A_580, %jit3A_581 : i32
      %ne3A_599 = arith.constant 0 : i32
      %ne3A_600 = arith.cmpi ne, %rem3A_598, %ne3A_599 : i32
      %and3A_601 = arith.andi %ne3A_597, %ne3A_600 : i1
      %sub3A_602 = arith.constant 1 : i32
      %sub3A_603 = arith.subi %div3A_582, %sub3A_602 : i32
      %select_n3A_604 = arith.select %and3A_601, %sub3A_603, %div3A_582 : i32
      %jit3A_605 = arith.constant 64 : i32
      %eq3A_606 = arith.constant 0 : i32
      %eq3A_607 = arith.cmpi eq, %jit3A_605, %eq3A_606 : i32
      %jit3A_608 = arith.constant 1 : i32
      %select_n3A_609 = arith.select %eq3A_607, %jit3A_608, %jit3A_605 : i32
      %rem3A_610 = arith.remsi %scan3A_580, %select_n3A_609 : i32
      %ne3A_611 = arith.constant 0 : i32
      %ne3A_612 = arith.cmpi ne, %rem3A_610, %ne3A_611 : i32
      %lt3A_613 = arith.constant 0 : i32
      %lt3A_614 = arith.cmpi slt, %rem3A_610, %lt3A_613 : i32
      %lt3A_615 = arith.constant 0 : i32
      %lt3A_616 = arith.cmpi slt, %select_n3A_609, %lt3A_615 : i32
      %ne3A_617 = arith.xori %lt3A_614, %lt3A_616 : i1
      %and3A_618 = arith.andi %ne3A_617, %ne3A_612 : i1
      %add3A_619 = arith.addi %rem3A_610, %select_n3A_609 : i32
      %select_n3A_620 = arith.select %and3A_618, %add3A_619, %rem3A_610 : i32
      %mul3A_621 = arith.constant 16 : i32
      %mul3A_622 = arith.muli %select_n3A_620, %mul3A_621 : i32
      %get3A_623 = arith.index_cast %select_n3A_604 : i32 to index
      %get3A_624 = arith.index_cast %mul3A_622 : i32 to index
      %get3A_625 = tpu.vector_load %arg8[%get3A_623, %get3A_624] {strides = array<i32>} : memref<16x1024xf32, #tpu.memory_space<vmem>>, vector<1x16xf32>,
      %get3A_626 = vector.shape_cast %get3A_625 : vector<1x16xf32> to vector<16xf32>
      %get3A_627 = arith.index_cast %select_n3A_604 : i32 to index
      %get3A_628 = arith.index_cast %mul3A_622 : i32 to index
      %get3A_629 = tpu.vector_load %arg9[%get3A_627, %get3A_628] {strides = array<i32>} : memref<16x1024xf32, #tpu.memory_space<vmem>>, vector<1x16xf32>,
      %get3A_630 = vector.shape_cast %get3A_629 : vector<1x16xf32> to vector<16xf32>
      %add3A_631 = arith.addf %get3A_626, %get3A_630 : vector<16xf32>
      %swap3A_632 = arith.index_cast %select_n3A_604 : i32 to index
      %swap3A_633 = arith.index_cast %mul3A_622 : i32 to index
      %swap3A_634 = tpu.vector_load %arg8[%swap3A_632, %swap3A_633] {strides = array<i32>} : memref<16x1024xf32, #tpu.memory_space<vmem>>, vector<1x16xf32>,
      %swap3A_635 = vector.shape_cast %swap3A_634 : vector<1x16xf32> to vector<16xf32>
      %swap3A_636 = vector.shape_cast %add3A_631 : vector<16xf32> to vector<1x16xf32>
      tpu.vector_store %arg8[%swap3A_632, %swap3A_633], %swap3A_636 {strides = array<i32>} : memref<16x1024xf32, #tpu.memory_space<vmem>>, vector<1x16xf32>,
      %scan3A_637 = arith.constant 0 : i32
      scf.yield %scan3A_637 : i32
    }
    %scan3A_122 = arith.constant 1024 : i32
    %mul3A_123 = arith.constant 64 : i32
    %mul3A_124 = arith.muli %add3A, %mul3A_123 : i32
    %add3A_125 = arith.constant 32 : i32
    %add3A_126 = arith.addi %mul3A_124, %add3A_125 : i32
    %dma_start3A_127 = arith.constant 0 : i32
    %dma_start3A_128 = tpu.memref_slice %arg5[%add3A_126, %dma_start3A_127] : memref<2048x1024xf32, #tpu.memory_space<hbm>> -> memref<16x1024xf32, #tpu.memory_space<hbm>>
    %dma_start3A_129 = arith.constant 0 : i32
    %dma_start3A_130 = tpu.memref_slice %arg5[%add3A_126, %dma_start3A_129] : memref<2048x1024xf32, #tpu.memory_space<hbm>> -> memref<16x1024xf32, #tpu.memory_space<hbm>>
    tpu.enqueue_dma source(%arg8 : memref<16x1024xf32, #tpu.memory_space<vmem>>) target(%dma_start3A_130 : memref<16x1024xf32, #tpu.memory_space<hbm>>) target_semaphore(%arg14 : memref<!tpu.dma_semaphore, #tpu.memory_space<semaphore_mem>>)
    %dma_wait3A_131 = arith.constant 0 : i32
    %dma_wait3A_132 = tpu.memref_slice %arg5[%add3A_87, %dma_wait3A_131] : memref<2048x1024xf32, #tpu.memory_space<hbm>> -> memref<16x1024xf32, #tpu.memory_space<hbm>>
    %dma_wait3A_133 = arith.constant 0 : i32
    %dma_wait3A_134 = tpu.memref_slice %arg5[%add3A_87, %dma_wait3A_133] : memref<2048x1024xf32, #tpu.memory_space<hbm>> -> memref<16x1024xf32, #tpu.memory_space<hbm>>
    tpu.wait_dma2 semaphore(%arg15 : memref<!tpu.dma_semaphore, #tpu.memory_space<semaphore_mem>>) src(%arg10 : memref<16x1024xf32, #tpu.memory_space<vmem>>) dst(%dma_wait3A_134 : memref<16x1024xf32, #tpu.memory_space<hbm>>)
    %dma_start3A_135 = arith.constant 48 : i32
    %dma_start3A_136 = tpu.memref_slice %arg6[%dma_start3A_135] : memref<64xi32, #tpu.memory_space<vmem>> -> memref<16xi32, #tpu.memory_space<vmem>>
    %dma_start3A_137 = arith.constant 0 : i32
    %dma_start3A_138 = arith.constant 0 : i32
    %dma_start3A_139 = tpu.memref_slice %arg2[%dma_start3A_137, %dma_start3A_138] : memref<6144x1024xf32, #tpu.memory_space<hbm>> -> memref<6144x1024xf32, #tpu.memory_space<hbm>>
    tpu.enqueue_indirect_dma source(%dma_start3A_139 : memref<6144x1024xf32, #tpu.memory_space<hbm>>) target(%arg10 : memref<16x1024xf32, #tpu.memory_space<vmem>>) offsets(%dma_start3A_136 : memref<16xi32, #tpu.memory_space<vmem>>) semaphore(%arg12 : memref<!tpu.dma_semaphore, #tpu.memory_space<semaphore_mem>>)
    %dma_start3A_140 = arith.constant 48 : i32
    %dma_start3A_141 = tpu.memref_slice %arg7[%dma_start3A_140] : memref<64xi32, #tpu.memory_space<vmem>> -> memref<16xi32, #tpu.memory_space<vmem>>
    %dma_start3A_142 = arith.constant 0 : i32
    %dma_start3A_143 = arith.constant 0 : i32
    %dma_start3A_144 = tpu.memref_slice %arg2[%dma_start3A_142, %dma_start3A_143] : memref<6144x1024xf32, #tpu.memory_space<hbm>> -> memref<6144x1024xf32, #tpu.memory_space<hbm>>
    tpu.enqueue_indirect_dma source(%dma_start3A_144 : memref<6144x1024xf32, #tpu.memory_space<hbm>>) target(%arg11 : memref<16x1024xf32, #tpu.memory_space<vmem>>) offsets(%dma_start3A_141 : memref<16xi32, #tpu.memory_space<vmem>>) semaphore(%arg13 : memref<!tpu.dma_semaphore, #tpu.memory_space<semaphore_mem>>)
    %dma_wait3A_145 = arith.constant 48 : i32
    %dma_wait3A_146 = tpu.memref_slice %arg6[%dma_wait3A_145] : memref<64xi32, #tpu.memory_space<vmem>> -> memref<16xi32, #tpu.memory_space<vmem>>
    %dma_wait3A_147 = arith.constant 0 : i32
    %dma_wait3A_148 = arith.constant 0 : i32
    %dma_wait3A_149 = tpu.memref_slice %arg2[%dma_wait3A_147, %dma_wait3A_148] : memref<6144x1024xf32, #tpu.memory_space<hbm>> -> memref<6144x1024xf32, #tpu.memory_space<hbm>>
    tpu.wait_indirect_dma semaphore(%arg12 : memref<!tpu.dma_semaphore, #tpu.memory_space<semaphore_mem>>) src(%dma_wait3A_149 : memref<6144x1024xf32, #tpu.memory_space<hbm>>) dst(%arg10 : memref<16x1024xf32, #tpu.memory_space<vmem>>)
    %dma_wait3A_150 = arith.constant 48 : i32
    %dma_wait3A_151 = tpu.memref_slice %arg7[%dma_wait3A_150] : memref<64xi32, #tpu.memory_space<vmem>> -> memref<16xi32, #tpu.memory_space<vmem>>
    %dma_wait3A_152 = arith.constant 0 : i32
    %dma_wait3A_153 = arith.constant 0 : i32
    %dma_wait3A_154 = tpu.memref_slice %arg2[%dma_wait3A_152, %dma_wait3A_153] : memref<6144x1024xf32, #tpu.memory_space<hbm>> -> memref<6144x1024xf32, #tpu.memory_space<hbm>>
    tpu.wait_indirect_dma semaphore(%arg13 : memref<!tpu.dma_semaphore, #tpu.memory_space<semaphore_mem>>) src(%dma_wait3A_154 : memref<6144x1024xf32, #tpu.memory_space<hbm>>) dst(%arg11 : memref<16x1024xf32, #tpu.memory_space<vmem>>)
    %scan3A_155 = arith.constant 0 : i32
    %scan3A_156 = arith.constant 0 : i32
    %scan3A_157 = arith.constant 1024 : i32
    %scan3A_158 = arith.addi %scan3A_156, %scan3A_157 : i32
    %scan3A_159 = arith.constant 8 : i32
    %scan3A_160 = scf.for %scan3A_178 = %scan3A_156 to %scan3A_158 step %scan3A_159 iter_args(%scan3A_179 = %scan3A_155) -> (i32)  : i32 {
      %jit3A = arith.constant 64 : i32
      %div3A = arith.divsi %scan3A_178, %jit3A : i32
      %sign3A = arith.constant 0 : i32
      %sign3A_180 = arith.cmpi sgt, %scan3A_178, %sign3A : i32
      %sign3A_181 = arith.extui %sign3A_180 : i1 to i32
      %sign3A_182 = arith.constant 0 : i32
      %sign3A_183 = arith.cmpi slt, %scan3A_178, %sign3A_182 : i32
      %sign3A_184 = arith.extui %sign3A_183 : i1 to i32
      %sign3A_185 = arith.subi %sign3A_181, %sign3A_184 : i32
      %sign3A_186 = arith.constant 0 : i32
      %sign3A_187 = arith.cmpi sgt, %jit3A, %sign3A_186 : i32
      %sign3A_188 = arith.extui %sign3A_187 : i1 to i32
      %sign3A_189 = arith.constant 0 : i32
      %sign3A_190 = arith.cmpi slt, %jit3A, %sign3A_189 : i32
      %sign3A_191 = arith.extui %sign3A_190 : i1 to i32
      %sign3A_192 = arith.subi %sign3A_188, %sign3A_191 : i32
      %ne3A = arith.cmpi ne, %sign3A_185, %sign3A_192 : i32
      %rem3A = arith.remsi %scan3A_178, %jit3A : i32
      %ne3A_193 = arith.constant 0 : i32
      %ne3A_194 = arith.cmpi ne, %rem3A, %ne3A_193 : i32
      %and3A = arith.andi %ne3A, %ne3A_194 : i1
      %sub3A = arith.constant 1 : i32
      %sub3A_195 = arith.subi %div3A, %sub3A : i32
      %select_n3A = arith.select %and3A, %sub3A_195, %div3A : i32
      %jit3A_196 = arith.constant 64 : i32
      %eq3A = arith.constant 0 : i32
      %eq3A_197 = arith.cmpi eq, %jit3A_196, %eq3A : i32
      %jit3A_198 = arith.constant 1 : i32
      %select_n3A_199 = arith.select %eq3A_197, %jit3A_198, %jit3A_196 : i32
      %rem3A_200 = arith.remsi %scan3A_178, %select_n3A_199 : i32
      %ne3A_201 = arith.constant 0 : i32
      %ne3A_202 = arith.cmpi ne, %rem3A_200, %ne3A_201 : i32
      %lt3A = arith.constant 0 : i32
      %lt3A_203 = arith.cmpi slt, %rem3A_200, %lt3A : i32
      %lt3A_204 = arith.constant 0 : i32
      %lt3A_205 = arith.cmpi slt, %select_n3A_199, %lt3A_204 : i32
      %ne3A_206 = arith.xori %lt3A_203, %lt3A_205 : i1
      %and3A_207 = arith.andi %ne3A_206, %ne3A_202 : i1
      %add3A_208 = arith.addi %rem3A_200, %select_n3A_199 : i32
      %select_n3A_209 = arith.select %and3A_207, %add3A_208, %rem3A_200 : i32
      %mul3A_210 = arith.constant 16 : i32
      %mul3A_211 = arith.muli %select_n3A_209, %mul3A_210 : i32
      %get3A = arith.index_cast %select_n3A : i32 to index
      %get3A_212 = arith.index_cast %mul3A_211 : i32 to index
      %get3A_213 = tpu.vector_load %arg10[%get3A, %get3A_212] {strides = array<i32>} : memref<16x1024xf32, #tpu.memory_space<vmem>>, vector<1x16xf32>,
      %get3A_214 = vector.shape_cast %get3A_213 : vector<1x16xf32> to vector<16xf32>
      %get3A_215 = arith.index_cast %select_n3A : i32 to index
      %get3A_216 = arith.index_cast %mul3A_211 : i32 to index
      %get3A_217 = tpu.vector_load %arg11[%get3A_215, %get3A_216] {strides = array<i32>} : memref<16x1024xf32, #tpu.memory_space<vmem>>, vector<1x16xf32>,
      %get3A_218 = vector.shape_cast %get3A_217 : vector<1x16xf32> to vector<16xf32>
      %add3A_219 = arith.addf %get3A_214, %get3A_218 : vector<16xf32>
      %swap3A = arith.index_cast %select_n3A : i32 to index
      %swap3A_220 = arith.index_cast %mul3A_211 : i32 to index
      %swap3A_221 = tpu.vector_load %arg10[%swap3A, %swap3A_220] {strides = array<i32>} : memref<16x1024xf32, #tpu.memory_space<vmem>>, vector<1x16xf32>,
      %swap3A_222 = vector.shape_cast %swap3A_221 : vector<1x16xf32> to vector<16xf32>
      %swap3A_223 = vector.shape_cast %add3A_219 : vector<16xf32> to vector<1x16xf32>
      tpu.vector_store %arg10[%swap3A, %swap3A_220], %swap3A_223 {strides = array<i32>} : memref<16x1024xf32, #tpu.memory_space<vmem>>, vector<1x16xf32>,
      %scan3A_224 = arith.constant 0 : i32
      %scan3A_225 = arith.constant 1 : i32
      %scan3A_226 = arith.addi %scan3A_178, %scan3A_225 : i32
      %jit3A_227 = arith.constant 64 : i32
      %div3A_228 = arith.divsi %scan3A_226, %jit3A_227 : i32
      %sign3A_229 = arith.constant 0 : i32
      %sign3A_230 = arith.cmpi sgt, %scan3A_226, %sign3A_229 : i32
      %sign3A_231 = arith.extui %sign3A_230 : i1 to i32
      %sign3A_232 = arith.constant 0 : i32
      %sign3A_233 = arith.cmpi slt, %scan3A_226, %sign3A_232 : i32
      %sign3A_234 = arith.extui %sign3A_233 : i1 to i32
      %sign3A_235 = arith.subi %sign3A_231, %sign3A_234 : i32
      %sign3A_236 = arith.constant 0 : i32
      %sign3A_237 = arith.cmpi sgt, %jit3A_227, %sign3A_236 : i32
      %sign3A_238 = arith.extui %sign3A_237 : i1 to i32
      %sign3A_239 = arith.constant 0 : i32
      %sign3A_240 = arith.cmpi slt, %jit3A_227, %sign3A_239 : i32
      %sign3A_241 = arith.extui %sign3A_240 : i1 to i32
      %sign3A_242 = arith.subi %sign3A_238, %sign3A_241 : i32
      %ne3A_243 = arith.cmpi ne, %sign3A_235, %sign3A_242 : i32
      %rem3A_244 = arith.remsi %scan3A_226, %jit3A_227 : i32
      %ne3A_245 = arith.constant 0 : i32
      %ne3A_246 = arith.cmpi ne, %rem3A_244, %ne3A_245 : i32
      %and3A_247 = arith.andi %ne3A_243, %ne3A_246 : i1
      %sub3A_248 = arith.constant 1 : i32
      %sub3A_249 = arith.subi %div3A_228, %sub3A_248 : i32
      %select_n3A_250 = arith.select %and3A_247, %sub3A_249, %div3A_228 : i32
      %jit3A_251 = arith.constant 64 : i32
      %eq3A_252 = arith.constant 0 : i32
      %eq3A_253 = arith.cmpi eq, %jit3A_251, %eq3A_252 : i32
      %jit3A_254 = arith.constant 1 : i32
      %select_n3A_255 = arith.select %eq3A_253, %jit3A_254, %jit3A_251 : i32
      %rem3A_256 = arith.remsi %scan3A_226, %select_n3A_255 : i32
      %ne3A_257 = arith.constant 0 : i32
      %ne3A_258 = arith.cmpi ne, %rem3A_256, %ne3A_257 : i32
      %lt3A_259 = arith.constant 0 : i32
      %lt3A_260 = arith.cmpi slt, %rem3A_256, %lt3A_259 : i32
      %lt3A_261 = arith.constant 0 : i32
      %lt3A_262 = arith.cmpi slt, %select_n3A_255, %lt3A_261 : i32
      %ne3A_263 = arith.xori %lt3A_260, %lt3A_262 : i1
      %and3A_264 = arith.andi %ne3A_263, %ne3A_258 : i1
      %add3A_265 = arith.addi %rem3A_256, %select_n3A_255 : i32
      %select_n3A_266 = arith.select %and3A_264, %add3A_265, %rem3A_256 : i32
      %mul3A_267 = arith.constant 16 : i32
      %mul3A_268 = arith.muli %select_n3A_266, %mul3A_267 : i32
      %get3A_269 = arith.index_cast %select_n3A_250 : i32 to index
      %get3A_270 = arith.index_cast %mul3A_268 : i32 to index
      %get3A_271 = tpu.vector_load %arg10[%get3A_269, %get3A_270] {strides = array<i32>} : memref<16x1024xf32, #tpu.memory_space<vmem>>, vector<1x16xf32>,
      %get3A_272 = vector.shape_cast %get3A_271 : vector<1x16xf32> to vector<16xf32>
      %get3A_273 = arith.index_cast %select_n3A_250 : i32 to index
      %get3A_274 = arith.index_cast %mul3A_268 : i32 to index
      %get3A_275 = tpu.vector_load %arg11[%get3A_273, %get3A_274] {strides = array<i32>} : memref<16x1024xf32, #tpu.memory_space<vmem>>, vector<1x16xf32>,
      %get3A_276 = vector.shape_cast %get3A_275 : vector<1x16xf32> to vector<16xf32>
      %add3A_277 = arith.addf %get3A_272, %get3A_276 : vector<16xf32>
      %swap3A_278 = arith.index_cast %select_n3A_250 : i32 to index
      %swap3A_279 = arith.index_cast %mul3A_268 : i32 to index
      %swap3A_280 = tpu.vector_load %arg10[%swap3A_278, %swap3A_279] {strides = array<i32>} : memref<16x1024xf32, #tpu.memory_space<vmem>>, vector<1x16xf32>,
      %swap3A_281 = vector.shape_cast %swap3A_280 : vector<1x16xf32> to vector<16xf32>
      %swap3A_282 = vector.shape_cast %add3A_277 : vector<16xf32> to vector<1x16xf32>
      tpu.vector_store %arg10[%swap3A_278, %swap3A_279], %swap3A_282 {strides = array<i32>} : memref<16x1024xf32, #tpu.memory_space<vmem>>, vector<1x16xf32>,
      %scan3A_283 = arith.constant 0 : i32
      %scan3A_284 = arith.constant 2 : i32
      %scan3A_285 = arith.addi %scan3A_178, %scan3A_284 : i32
      %jit3A_286 = arith.constant 64 : i32
      %div3A_287 = arith.divsi %scan3A_285, %jit3A_286 : i32
      %sign3A_288 = arith.constant 0 : i32
      %sign3A_289 = arith.cmpi sgt, %scan3A_285, %sign3A_288 : i32
      %sign3A_290 = arith.extui %sign3A_289 : i1 to i32
      %sign3A_291 = arith.constant 0 : i32
      %sign3A_292 = arith.cmpi slt, %scan3A_285, %sign3A_291 : i32
      %sign3A_293 = arith.extui %sign3A_292 : i1 to i32
      %sign3A_294 = arith.subi %sign3A_290, %sign3A_293 : i32
      %sign3A_295 = arith.constant 0 : i32
      %sign3A_296 = arith.cmpi sgt, %jit3A_286, %sign3A_295 : i32
      %sign3A_297 = arith.extui %sign3A_296 : i1 to i32
      %sign3A_298 = arith.constant 0 : i32
      %sign3A_299 = arith.cmpi slt, %jit3A_286, %sign3A_298 : i32
      %sign3A_300 = arith.extui %sign3A_299 : i1 to i32
      %sign3A_301 = arith.subi %sign3A_297, %sign3A_300 : i32
      %ne3A_302 = arith.cmpi ne, %sign3A_294, %sign3A_301 : i32
      %rem3A_303 = arith.remsi %scan3A_285, %jit3A_286 : i32
      %ne3A_304 = arith.constant 0 : i32
      %ne3A_305 = arith.cmpi ne, %rem3A_303, %ne3A_304 : i32
      %and3A_306 = arith.andi %ne3A_302, %ne3A_305 : i1
      %sub3A_307 = arith.constant 1 : i32
      %sub3A_308 = arith.subi %div3A_287, %sub3A_307 : i32
      %select_n3A_309 = arith.select %and3A_306, %sub3A_308, %div3A_287 : i32
      %jit3A_310 = arith.constant 64 : i32
      %eq3A_311 = arith.constant 0 : i32
      %eq3A_312 = arith.cmpi eq, %jit3A_310, %eq3A_311 : i32
      %jit3A_313 = arith.constant 1 : i32
      %select_n3A_314 = arith.select %eq3A_312, %jit3A_313, %jit3A_310 : i32
      %rem3A_315 = arith.remsi %scan3A_285, %select_n3A_314 : i32
      %ne3A_316 = arith.constant 0 : i32
      %ne3A_317 = arith.cmpi ne, %rem3A_315, %ne3A_316 : i32
      %lt3A_318 = arith.constant 0 : i32
      %lt3A_319 = arith.cmpi slt, %rem3A_315, %lt3A_318 : i32
      %lt3A_320 = arith.constant 0 : i32
      %lt3A_321 = arith.cmpi slt, %select_n3A_314, %lt3A_320 : i32
      %ne3A_322 = arith.xori %lt3A_319, %lt3A_321 : i1
      %and3A_323 = arith.andi %ne3A_322, %ne3A_317 : i1
      %add3A_324 = arith.addi %rem3A_315, %select_n3A_314 : i32
      %select_n3A_325 = arith.select %and3A_323, %add3A_324, %rem3A_315 : i32
      %mul3A_326 = arith.constant 16 : i32
      %mul3A_327 = arith.muli %select_n3A_325, %mul3A_326 : i32
      %get3A_328 = arith.index_cast %select_n3A_309 : i32 to index
      %get3A_329 = arith.index_cast %mul3A_327 : i32 to index
      %get3A_330 = tpu.vector_load %arg10[%get3A_328, %get3A_329] {strides = array<i32>} : memref<16x1024xf32, #tpu.memory_space<vmem>>, vector<1x16xf32>,
      %get3A_331 = vector.shape_cast %get3A_330 : vector<1x16xf32> to vector<16xf32>
      %get3A_332 = arith.index_cast %select_n3A_309 : i32 to index
      %get3A_333 = arith.index_cast %mul3A_327 : i32 to index
      %get3A_334 = tpu.vector_load %arg11[%get3A_332, %get3A_333] {strides = array<i32>} : memref<16x1024xf32, #tpu.memory_space<vmem>>, vector<1x16xf32>,
      %get3A_335 = vector.shape_cast %get3A_334 : vector<1x16xf32> to vector<16xf32>
      %add3A_336 = arith.addf %get3A_331, %get3A_335 : vector<16xf32>
      %swap3A_337 = arith.index_cast %select_n3A_309 : i32 to index
      %swap3A_338 = arith.index_cast %mul3A_327 : i32 to index
      %swap3A_339 = tpu.vector_load %arg10[%swap3A_337, %swap3A_338] {strides = array<i32>} : memref<16x1024xf32, #tpu.memory_space<vmem>>, vector<1x16xf32>,
      %swap3A_340 = vector.shape_cast %swap3A_339 : vector<1x16xf32> to vector<16xf32>
      %swap3A_341 = vector.shape_cast %add3A_336 : vector<16xf32> to vector<1x16xf32>
      tpu.vector_store %arg10[%swap3A_337, %swap3A_338], %swap3A_341 {strides = array<i32>} : memref<16x1024xf32, #tpu.memory_space<vmem>>, vector<1x16xf32>,
      %scan3A_342 = arith.constant 0 : i32
      %scan3A_343 = arith.constant 3 : i32
      %scan3A_344 = arith.addi %scan3A_178, %scan3A_343 : i32
      %jit3A_345 = arith.constant 64 : i32
      %div3A_346 = arith.divsi %scan3A_344, %jit3A_345 : i32
      %sign3A_347 = arith.constant 0 : i32
      %sign3A_348 = arith.cmpi sgt, %scan3A_344, %sign3A_347 : i32
      %sign3A_349 = arith.extui %sign3A_348 : i1 to i32
      %sign3A_350 = arith.constant 0 : i32
      %sign3A_351 = arith.cmpi slt, %scan3A_344, %sign3A_350 : i32
      %sign3A_352 = arith.extui %sign3A_351 : i1 to i32
      %sign3A_353 = arith.subi %sign3A_349, %sign3A_352 : i32
      %sign3A_354 = arith.constant 0 : i32
      %sign3A_355 = arith.cmpi sgt, %jit3A_345, %sign3A_354 : i32
      %sign3A_356 = arith.extui %sign3A_355 : i1 to i32
      %sign3A_357 = arith.constant 0 : i32
      %sign3A_358 = arith.cmpi slt, %jit3A_345, %sign3A_357 : i32
      %sign3A_359 = arith.extui %sign3A_358 : i1 to i32
      %sign3A_360 = arith.subi %sign3A_356, %sign3A_359 : i32
      %ne3A_361 = arith.cmpi ne, %sign3A_353, %sign3A_360 : i32
      %rem3A_362 = arith.remsi %scan3A_344, %jit3A_345 : i32
      %ne3A_363 = arith.constant 0 : i32
      %ne3A_364 = arith.cmpi ne, %rem3A_362, %ne3A_363 : i32
      %and3A_365 = arith.andi %ne3A_361, %ne3A_364 : i1
      %sub3A_366 = arith.constant 1 : i32
      %sub3A_367 = arith.subi %div3A_346, %sub3A_366 : i32
      %select_n3A_368 = arith.select %and3A_365, %sub3A_367, %div3A_346 : i32
      %jit3A_369 = arith.constant 64 : i32
      %eq3A_370 = arith.constant 0 : i32
      %eq3A_371 = arith.cmpi eq, %jit3A_369, %eq3A_370 : i32
      %jit3A_372 = arith.constant 1 : i32
      %select_n3A_373 = arith.select %eq3A_371, %jit3A_372, %jit3A_369 : i32
      %rem3A_374 = arith.remsi %scan3A_344, %select_n3A_373 : i32
      %ne3A_375 = arith.constant 0 : i32
      %ne3A_376 = arith.cmpi ne, %rem3A_374, %ne3A_375 : i32
      %lt3A_377 = arith.constant 0 : i32
      %lt3A_378 = arith.cmpi slt, %rem3A_374, %lt3A_377 : i32
      %lt3A_379 = arith.constant 0 : i32
      %lt3A_380 = arith.cmpi slt, %select_n3A_373, %lt3A_379 : i32
      %ne3A_381 = arith.xori %lt3A_378, %lt3A_380 : i1
      %and3A_382 = arith.andi %ne3A_381, %ne3A_376 : i1
      %add3A_383 = arith.addi %rem3A_374, %select_n3A_373 : i32
      %select_n3A_384 = arith.select %and3A_382, %add3A_383, %rem3A_374 : i32
      %mul3A_385 = arith.constant 16 : i32
      %mul3A_386 = arith.muli %select_n3A_384, %mul3A_385 : i32
      %get3A_387 = arith.index_cast %select_n3A_368 : i32 to index
      %get3A_388 = arith.index_cast %mul3A_386 : i32 to index
      %get3A_389 = tpu.vector_load %arg10[%get3A_387, %get3A_388] {strides = array<i32>} : memref<16x1024xf32, #tpu.memory_space<vmem>>, vector<1x16xf32>,
      %get3A_390 = vector.shape_cast %get3A_389 : vector<1x16xf32> to vector<16xf32>
      %get3A_391 = arith.index_cast %select_n3A_368 : i32 to index
      %get3A_392 = arith.index_cast %mul3A_386 : i32 to index
      %get3A_393 = tpu.vector_load %arg11[%get3A_391, %get3A_392] {strides = array<i32>} : memref<16x1024xf32, #tpu.memory_space<vmem>>, vector<1x16xf32>,
      %get3A_394 = vector.shape_cast %get3A_393 : vector<1x16xf32> to vector<16xf32>
      %add3A_395 = arith.addf %get3A_390, %get3A_394 : vector<16xf32>
      %swap3A_396 = arith.index_cast %select_n3A_368 : i32 to index
      %swap3A_397 = arith.index_cast %mul3A_386 : i32 to index
      %swap3A_398 = tpu.vector_load %arg10[%swap3A_396, %swap3A_397] {strides = array<i32>} : memref<16x1024xf32, #tpu.memory_space<vmem>>, vector<1x16xf32>,
      %swap3A_399 = vector.shape_cast %swap3A_398 : vector<1x16xf32> to vector<16xf32>
      %swap3A_400 = vector.shape_cast %add3A_395 : vector<16xf32> to vector<1x16xf32>
      tpu.vector_store %arg10[%swap3A_396, %swap3A_397], %swap3A_400 {strides = array<i32>} : memref<16x1024xf32, #tpu.memory_space<vmem>>, vector<1x16xf32>,
      %scan3A_401 = arith.constant 0 : i32
      %scan3A_402 = arith.constant 4 : i32
      %scan3A_403 = arith.addi %scan3A_178, %scan3A_402 : i32
      %jit3A_404 = arith.constant 64 : i32
      %div3A_405 = arith.divsi %scan3A_403, %jit3A_404 : i32
      %sign3A_406 = arith.constant 0 : i32
      %sign3A_407 = arith.cmpi sgt, %scan3A_403, %sign3A_406 : i32
      %sign3A_408 = arith.extui %sign3A_407 : i1 to i32
      %sign3A_409 = arith.constant 0 : i32
      %sign3A_410 = arith.cmpi slt, %scan3A_403, %sign3A_409 : i32
      %sign3A_411 = arith.extui %sign3A_410 : i1 to i32
      %sign3A_412 = arith.subi %sign3A_408, %sign3A_411 : i32
      %sign3A_413 = arith.constant 0 : i32
      %sign3A_414 = arith.cmpi sgt, %jit3A_404, %sign3A_413 : i32
      %sign3A_415 = arith.extui %sign3A_414 : i1 to i32
      %sign3A_416 = arith.constant 0 : i32
      %sign3A_417 = arith.cmpi slt, %jit3A_404, %sign3A_416 : i32
      %sign3A_418 = arith.extui %sign3A_417 : i1 to i32
      %sign3A_419 = arith.subi %sign3A_415, %sign3A_418 : i32
      %ne3A_420 = arith.cmpi ne, %sign3A_412, %sign3A_419 : i32
      %rem3A_421 = arith.remsi %scan3A_403, %jit3A_404 : i32
      %ne3A_422 = arith.constant 0 : i32
      %ne3A_423 = arith.cmpi ne, %rem3A_421, %ne3A_422 : i32
      %and3A_424 = arith.andi %ne3A_420, %ne3A_423 : i1
      %sub3A_425 = arith.constant 1 : i32
      %sub3A_426 = arith.subi %div3A_405, %sub3A_425 : i32
      %select_n3A_427 = arith.select %and3A_424, %sub3A_426, %div3A_405 : i32
      %jit3A_428 = arith.constant 64 : i32
      %eq3A_429 = arith.constant 0 : i32
      %eq3A_430 = arith.cmpi eq, %jit3A_428, %eq3A_429 : i32
      %jit3A_431 = arith.constant 1 : i32
      %select_n3A_432 = arith.select %eq3A_430, %jit3A_431, %jit3A_428 : i32
      %rem3A_433 = arith.remsi %scan3A_403, %select_n3A_432 : i32
      %ne3A_434 = arith.constant 0 : i32
      %ne3A_435 = arith.cmpi ne, %rem3A_433, %ne3A_434 : i32
      %lt3A_436 = arith.constant 0 : i32
      %lt3A_437 = arith.cmpi slt, %rem3A_433, %lt3A_436 : i32
      %lt3A_438 = arith.constant 0 : i32
      %lt3A_439 = arith.cmpi slt, %select_n3A_432, %lt3A_438 : i32
      %ne3A_440 = arith.xori %lt3A_437, %lt3A_439 : i1
      %and3A_441 = arith.andi %ne3A_440, %ne3A_435 : i1
      %add3A_442 = arith.addi %rem3A_433, %select_n3A_432 : i32
      %select_n3A_443 = arith.select %and3A_441, %add3A_442, %rem3A_433 : i32
      %mul3A_444 = arith.constant 16 : i32
      %mul3A_445 = arith.muli %select_n3A_443, %mul3A_444 : i32
      %get3A_446 = arith.index_cast %select_n3A_427 : i32 to index
      %get3A_447 = arith.index_cast %mul3A_445 : i32 to index
      %get3A_448 = tpu.vector_load %arg10[%get3A_446, %get3A_447] {strides = array<i32>} : memref<16x1024xf32, #tpu.memory_space<vmem>>, vector<1x16xf32>,
      %get3A_449 = vector.shape_cast %get3A_448 : vector<1x16xf32> to vector<16xf32>
      %get3A_450 = arith.index_cast %select_n3A_427 : i32 to index
      %get3A_451 = arith.index_cast %mul3A_445 : i32 to index
      %get3A_452 = tpu.vector_load %arg11[%get3A_450, %get3A_451] {strides = array<i32>} : memref<16x1024xf32, #tpu.memory_space<vmem>>, vector<1x16xf32>,
      %get3A_453 = vector.shape_cast %get3A_452 : vector<1x16xf32> to vector<16xf32>
      %add3A_454 = arith.addf %get3A_449, %get3A_453 : vector<16xf32>
      %swap3A_455 = arith.index_cast %select_n3A_427 : i32 to index
      %swap3A_456 = arith.index_cast %mul3A_445 : i32 to index
      %swap3A_457 = tpu.vector_load %arg10[%swap3A_455, %swap3A_456] {strides = array<i32>} : memref<16x1024xf32, #tpu.memory_space<vmem>>, vector<1x16xf32>,
      %swap3A_458 = vector.shape_cast %swap3A_457 : vector<1x16xf32> to vector<16xf32>
      %swap3A_459 = vector.shape_cast %add3A_454 : vector<16xf32> to vector<1x16xf32>
      tpu.vector_store %arg10[%swap3A_455, %swap3A_456], %swap3A_459 {strides = array<i32>} : memref<16x1024xf32, #tpu.memory_space<vmem>>, vector<1x16xf32>,
      %scan3A_460 = arith.constant 0 : i32
      %scan3A_461 = arith.constant 5 : i32
      %scan3A_462 = arith.addi %scan3A_178, %scan3A_461 : i32
      %jit3A_463 = arith.constant 64 : i32
      %div3A_464 = arith.divsi %scan3A_462, %jit3A_463 : i32
      %sign3A_465 = arith.constant 0 : i32
      %sign3A_466 = arith.cmpi sgt, %scan3A_462, %sign3A_465 : i32
      %sign3A_467 = arith.extui %sign3A_466 : i1 to i32
      %sign3A_468 = arith.constant 0 : i32
      %sign3A_469 = arith.cmpi slt, %scan3A_462, %sign3A_468 : i32
      %sign3A_470 = arith.extui %sign3A_469 : i1 to i32
      %sign3A_471 = arith.subi %sign3A_467, %sign3A_470 : i32
      %sign3A_472 = arith.constant 0 : i32
      %sign3A_473 = arith.cmpi sgt, %jit3A_463, %sign3A_472 : i32
      %sign3A_474 = arith.extui %sign3A_473 : i1 to i32
      %sign3A_475 = arith.constant 0 : i32
      %sign3A_476 = arith.cmpi slt, %jit3A_463, %sign3A_475 : i32
      %sign3A_477 = arith.extui %sign3A_476 : i1 to i32
      %sign3A_478 = arith.subi %sign3A_474, %sign3A_477 : i32
      %ne3A_479 = arith.cmpi ne, %sign3A_471, %sign3A_478 : i32
      %rem3A_480 = arith.remsi %scan3A_462, %jit3A_463 : i32
      %ne3A_481 = arith.constant 0 : i32
      %ne3A_482 = arith.cmpi ne, %rem3A_480, %ne3A_481 : i32
      %and3A_483 = arith.andi %ne3A_479, %ne3A_482 : i1
      %sub3A_484 = arith.constant 1 : i32
      %sub3A_485 = arith.subi %div3A_464, %sub3A_484 : i32
      %select_n3A_486 = arith.select %and3A_483, %sub3A_485, %div3A_464 : i32
      %jit3A_487 = arith.constant 64 : i32
      %eq3A_488 = arith.constant 0 : i32
      %eq3A_489 = arith.cmpi eq, %jit3A_487, %eq3A_488 : i32
      %jit3A_490 = arith.constant 1 : i32
      %select_n3A_491 = arith.select %eq3A_489, %jit3A_490, %jit3A_487 : i32
      %rem3A_492 = arith.remsi %scan3A_462, %select_n3A_491 : i32
      %ne3A_493 = arith.constant 0 : i32
      %ne3A_494 = arith.cmpi ne, %rem3A_492, %ne3A_493 : i32
      %lt3A_495 = arith.constant 0 : i32
      %lt3A_496 = arith.cmpi slt, %rem3A_492, %lt3A_495 : i32
      %lt3A_497 = arith.constant 0 : i32
      %lt3A_498 = arith.cmpi slt, %select_n3A_491, %lt3A_497 : i32
      %ne3A_499 = arith.xori %lt3A_496, %lt3A_498 : i1
      %and3A_500 = arith.andi %ne3A_499, %ne3A_494 : i1
      %add3A_501 = arith.addi %rem3A_492, %select_n3A_491 : i32
      %select_n3A_502 = arith.select %and3A_500, %add3A_501, %rem3A_492 : i32
      %mul3A_503 = arith.constant 16 : i32
      %mul3A_504 = arith.muli %select_n3A_502, %mul3A_503 : i32
      %get3A_505 = arith.index_cast %select_n3A_486 : i32 to index
      %get3A_506 = arith.index_cast %mul3A_504 : i32 to index
      %get3A_507 = tpu.vector_load %arg10[%get3A_505, %get3A_506] {strides = array<i32>} : memref<16x1024xf32, #tpu.memory_space<vmem>>, vector<1x16xf32>,
      %get3A_508 = vector.shape_cast %get3A_507 : vector<1x16xf32> to vector<16xf32>
      %get3A_509 = arith.index_cast %select_n3A_486 : i32 to index
      %get3A_510 = arith.index_cast %mul3A_504 : i32 to index
      %get3A_511 = tpu.vector_load %arg11[%get3A_509, %get3A_510] {strides = array<i32>} : memref<16x1024xf32, #tpu.memory_space<vmem>>, vector<1x16xf32>,
      %get3A_512 = vector.shape_cast %get3A_511 : vector<1x16xf32> to vector<16xf32>
      %add3A_513 = arith.addf %get3A_508, %get3A_512 : vector<16xf32>
      %swap3A_514 = arith.index_cast %select_n3A_486 : i32 to index
      %swap3A_515 = arith.index_cast %mul3A_504 : i32 to index
      %swap3A_516 = tpu.vector_load %arg10[%swap3A_514, %swap3A_515] {strides = array<i32>} : memref<16x1024xf32, #tpu.memory_space<vmem>>, vector<1x16xf32>,
      %swap3A_517 = vector.shape_cast %swap3A_516 : vector<1x16xf32> to vector<16xf32>
      %swap3A_518 = vector.shape_cast %add3A_513 : vector<16xf32> to vector<1x16xf32>
      tpu.vector_store %arg10[%swap3A_514, %swap3A_515], %swap3A_518 {strides = array<i32>} : memref<16x1024xf32, #tpu.memory_space<vmem>>, vector<1x16xf32>,
      %scan3A_519 = arith.constant 0 : i32
      %scan3A_520 = arith.constant 6 : i32
      %scan3A_521 = arith.addi %scan3A_178, %scan3A_520 : i32
      %jit3A_522 = arith.constant 64 : i32
      %div3A_523 = arith.divsi %scan3A_521, %jit3A_522 : i32
      %sign3A_524 = arith.constant 0 : i32
      %sign3A_525 = arith.cmpi sgt, %scan3A_521, %sign3A_524 : i32
      %sign3A_526 = arith.extui %sign3A_525 : i1 to i32
      %sign3A_527 = arith.constant 0 : i32
      %sign3A_528 = arith.cmpi slt, %scan3A_521, %sign3A_527 : i32
      %sign3A_529 = arith.extui %sign3A_528 : i1 to i32
      %sign3A_530 = arith.subi %sign3A_526, %sign3A_529 : i32
      %sign3A_531 = arith.constant 0 : i32
      %sign3A_532 = arith.cmpi sgt, %jit3A_522, %sign3A_531 : i32
      %sign3A_533 = arith.extui %sign3A_532 : i1 to i32
      %sign3A_534 = arith.constant 0 : i32
      %sign3A_535 = arith.cmpi slt, %jit3A_522, %sign3A_534 : i32
      %sign3A_536 = arith.extui %sign3A_535 : i1 to i32
      %sign3A_537 = arith.subi %sign3A_533, %sign3A_536 : i32
      %ne3A_538 = arith.cmpi ne, %sign3A_530, %sign3A_537 : i32
      %rem3A_539 = arith.remsi %scan3A_521, %jit3A_522 : i32
      %ne3A_540 = arith.constant 0 : i32
      %ne3A_541 = arith.cmpi ne, %rem3A_539, %ne3A_540 : i32
      %and3A_542 = arith.andi %ne3A_538, %ne3A_541 : i1
      %sub3A_543 = arith.constant 1 : i32
      %sub3A_544 = arith.subi %div3A_523, %sub3A_543 : i32
      %select_n3A_545 = arith.select %and3A_542, %sub3A_544, %div3A_523 : i32
      %jit3A_546 = arith.constant 64 : i32
      %eq3A_547 = arith.constant 0 : i32
      %eq3A_548 = arith.cmpi eq, %jit3A_546, %eq3A_547 : i32
      %jit3A_549 = arith.constant 1 : i32
      %select_n3A_550 = arith.select %eq3A_548, %jit3A_549, %jit3A_546 : i32
      %rem3A_551 = arith.remsi %scan3A_521, %select_n3A_550 : i32
      %ne3A_552 = arith.constant 0 : i32
      %ne3A_553 = arith.cmpi ne, %rem3A_551, %ne3A_552 : i32
      %lt3A_554 = arith.constant 0 : i32
      %lt3A_555 = arith.cmpi slt, %rem3A_551, %lt3A_554 : i32
      %lt3A_556 = arith.constant 0 : i32
      %lt3A_557 = arith.cmpi slt, %select_n3A_550, %lt3A_556 : i32
      %ne3A_558 = arith.xori %lt3A_555, %lt3A_557 : i1
      %and3A_559 = arith.andi %ne3A_558, %ne3A_553 : i1
      %add3A_560 = arith.addi %rem3A_551, %select_n3A_550 : i32
      %select_n3A_561 = arith.select %and3A_559, %add3A_560, %rem3A_551 : i32
      %mul3A_562 = arith.constant 16 : i32
      %mul3A_563 = arith.muli %select_n3A_561, %mul3A_562 : i32
      %get3A_564 = arith.index_cast %select_n3A_545 : i32 to index
      %get3A_565 = arith.index_cast %mul3A_563 : i32 to index
      %get3A_566 = tpu.vector_load %arg10[%get3A_564, %get3A_565] {strides = array<i32>} : memref<16x1024xf32, #tpu.memory_space<vmem>>, vector<1x16xf32>,
      %get3A_567 = vector.shape_cast %get3A_566 : vector<1x16xf32> to vector<16xf32>
      %get3A_568 = arith.index_cast %select_n3A_545 : i32 to index
      %get3A_569 = arith.index_cast %mul3A_563 : i32 to index
      %get3A_570 = tpu.vector_load %arg11[%get3A_568, %get3A_569] {strides = array<i32>} : memref<16x1024xf32, #tpu.memory_space<vmem>>, vector<1x16xf32>,
      %get3A_571 = vector.shape_cast %get3A_570 : vector<1x16xf32> to vector<16xf32>
      %add3A_572 = arith.addf %get3A_567, %get3A_571 : vector<16xf32>
      %swap3A_573 = arith.index_cast %select_n3A_545 : i32 to index
      %swap3A_574 = arith.index_cast %mul3A_563 : i32 to index
      %swap3A_575 = tpu.vector_load %arg10[%swap3A_573, %swap3A_574] {strides = array<i32>} : memref<16x1024xf32, #tpu.memory_space<vmem>>, vector<1x16xf32>,
      %swap3A_576 = vector.shape_cast %swap3A_575 : vector<1x16xf32> to vector<16xf32>
      %swap3A_577 = vector.shape_cast %add3A_572 : vector<16xf32> to vector<1x16xf32>
      tpu.vector_store %arg10[%swap3A_573, %swap3A_574], %swap3A_577 {strides = array<i32>} : memref<16x1024xf32, #tpu.memory_space<vmem>>, vector<1x16xf32>,
      %scan3A_578 = arith.constant 0 : i32
      %scan3A_579 = arith.constant 7 : i32
      %scan3A_580 = arith.addi %scan3A_178, %scan3A_579 : i32
      %jit3A_581 = arith.constant 64 : i32
      %div3A_582 = arith.divsi %scan3A_580, %jit3A_581 : i32
      %sign3A_583 = arith.constant 0 : i32
      %sign3A_584 = arith.cmpi sgt, %scan3A_580, %sign3A_583 : i32
      %sign3A_585 = arith.extui %sign3A_584 : i1 to i32
      %sign3A_586 = arith.constant 0 : i32
      %sign3A_587 = arith.cmpi slt, %scan3A_580, %sign3A_586 : i32
      %sign3A_588 = arith.extui %sign3A_587 : i1 to i32
      %sign3A_589 = arith.subi %sign3A_585, %sign3A_588 : i32
      %sign3A_590 = arith.constant 0 : i32
      %sign3A_591 = arith.cmpi sgt, %jit3A_581, %sign3A_590 : i32
      %sign3A_592 = arith.extui %sign3A_591 : i1 to i32
      %sign3A_593 = arith.constant 0 : i32
      %sign3A_594 = arith.cmpi slt, %jit3A_581, %sign3A_593 : i32
      %sign3A_595 = arith.extui %sign3A_594 : i1 to i32
      %sign3A_596 = arith.subi %sign3A_592, %sign3A_595 : i32
      %ne3A_597 = arith.cmpi ne, %sign3A_589, %sign3A_596 : i32
      %rem3A_598 = arith.remsi %scan3A_580, %jit3A_581 : i32
      %ne3A_599 = arith.constant 0 : i32
      %ne3A_600 = arith.cmpi ne, %rem3A_598, %ne3A_599 : i32
      %and3A_601 = arith.andi %ne3A_597, %ne3A_600 : i1
      %sub3A_602 = arith.constant 1 : i32
      %sub3A_603 = arith.subi %div3A_582, %sub3A_602 : i32
      %select_n3A_604 = arith.select %and3A_601, %sub3A_603, %div3A_582 : i32
      %jit3A_605 = arith.constant 64 : i32
      %eq3A_606 = arith.constant 0 : i32
      %eq3A_607 = arith.cmpi eq, %jit3A_605, %eq3A_606 : i32
      %jit3A_608 = arith.constant 1 : i32
      %select_n3A_609 = arith.select %eq3A_607, %jit3A_608, %jit3A_605 : i32
      %rem3A_610 = arith.remsi %scan3A_580, %select_n3A_609 : i32
      %ne3A_611 = arith.constant 0 : i32
      %ne3A_612 = arith.cmpi ne, %rem3A_610, %ne3A_611 : i32
      %lt3A_613 = arith.constant 0 : i32
      %lt3A_614 = arith.cmpi slt, %rem3A_610, %lt3A_613 : i32
      %lt3A_615 = arith.constant 0 : i32
      %lt3A_616 = arith.cmpi slt, %select_n3A_609, %lt3A_615 : i32
      %ne3A_617 = arith.xori %lt3A_614, %lt3A_616 : i1
      %and3A_618 = arith.andi %ne3A_617, %ne3A_612 : i1
      %add3A_619 = arith.addi %rem3A_610, %select_n3A_609 : i32
      %select_n3A_620 = arith.select %and3A_618, %add3A_619, %rem3A_610 : i32
      %mul3A_621 = arith.constant 16 : i32
      %mul3A_622 = arith.muli %select_n3A_620, %mul3A_621 : i32
      %get3A_623 = arith.index_cast %select_n3A_604 : i32 to index
      %get3A_624 = arith.index_cast %mul3A_622 : i32 to index
      %get3A_625 = tpu.vector_load %arg10[%get3A_623, %get3A_624] {strides = array<i32>} : memref<16x1024xf32, #tpu.memory_space<vmem>>, vector<1x16xf32>,
      %get3A_626 = vector.shape_cast %get3A_625 : vector<1x16xf32> to vector<16xf32>
      %get3A_627 = arith.index_cast %select_n3A_604 : i32 to index
      %get3A_628 = arith.index_cast %mul3A_622 : i32 to index
      %get3A_629 = tpu.vector_load %arg11[%get3A_627, %get3A_628] {strides = array<i32>} : memref<16x1024xf32, #tpu.memory_space<vmem>>, vector<1x16xf32>,
      %get3A_630 = vector.shape_cast %get3A_629 : vector<1x16xf32> to vector<16xf32>
      %add3A_631 = arith.addf %get3A_626, %get3A_630 : vector<16xf32>
      %swap3A_632 = arith.index_cast %select_n3A_604 : i32 to index
      %swap3A_633 = arith.index_cast %mul3A_622 : i32 to index
      %swap3A_634 = tpu.vector_load %arg10[%swap3A_632, %swap3A_633] {strides = array<i32>} : memref<16x1024xf32, #tpu.memory_space<vmem>>, vector<1x16xf32>,
      %swap3A_635 = vector.shape_cast %swap3A_634 : vector<1x16xf32> to vector<16xf32>
      %swap3A_636 = vector.shape_cast %add3A_631 : vector<16xf32> to vector<1x16xf32>
      tpu.vector_store %arg10[%swap3A_632, %swap3A_633], %swap3A_636 {strides = array<i32>} : memref<16x1024xf32, #tpu.memory_space<vmem>>, vector<1x16xf32>,
      %scan3A_637 = arith.constant 0 : i32
      scf.yield %scan3A_637 : i32
    }
    %scan3A_161 = arith.constant 1024 : i32
    %mul3A_162 = arith.constant 64 : i32
    %mul3A_163 = arith.muli %add3A, %mul3A_162 : i32
    %add3A_164 = arith.constant 48 : i32
    %add3A_165 = arith.addi %mul3A_163, %add3A_164 : i32
    %dma_start3A_166 = arith.constant 0 : i32
    %dma_start3A_167 = tpu.memref_slice %arg5[%add3A_165, %dma_start3A_166] : memref<2048x1024xf32, #tpu.memory_space<hbm>> -> memref<16x1024xf32, #tpu.memory_space<hbm>>
    %dma_start3A_168 = arith.constant 0 : i32
    %dma_start3A_169 = tpu.memref_slice %arg5[%add3A_165, %dma_start3A_168] : memref<2048x1024xf32, #tpu.memory_space<hbm>> -> memref<16x1024xf32, #tpu.memory_space<hbm>>
    tpu.enqueue_dma source(%arg10 : memref<16x1024xf32, #tpu.memory_space<vmem>>) target(%dma_start3A_169 : memref<16x1024xf32, #tpu.memory_space<hbm>>) target_semaphore(%arg15 : memref<!tpu.dma_semaphore, #tpu.memory_space<semaphore_mem>>)
    %dma_wait3A_170 = arith.constant 0 : i32
    %dma_wait3A_171 = tpu.memref_slice %arg5[%add3A_126, %dma_wait3A_170] : memref<2048x1024xf32, #tpu.memory_space<hbm>> -> memref<16x1024xf32, #tpu.memory_space<hbm>>
    %dma_wait3A_172 = arith.constant 0 : i32
    %dma_wait3A_173 = tpu.memref_slice %arg5[%add3A_126, %dma_wait3A_172] : memref<2048x1024xf32, #tpu.memory_space<hbm>> -> memref<16x1024xf32, #tpu.memory_space<hbm>>
    tpu.wait_dma2 semaphore(%arg14 : memref<!tpu.dma_semaphore, #tpu.memory_space<semaphore_mem>>) src(%arg8 : memref<16x1024xf32, #tpu.memory_space<vmem>>) dst(%dma_wait3A_173 : memref<16x1024xf32, #tpu.memory_space<hbm>>)
    %dma_wait3A_174 = arith.constant 0 : i32
    %dma_wait3A_175 = tpu.memref_slice %arg5[%add3A_165, %dma_wait3A_174] : memref<2048x1024xf32, #tpu.memory_space<hbm>> -> memref<16x1024xf32, #tpu.memory_space<hbm>>
    %dma_wait3A_176 = arith.constant 0 : i32
    %dma_wait3A_177 = tpu.memref_slice %arg5[%add3A_165, %dma_wait3A_176] : memref<2048x1024xf32, #tpu.memory_space<hbm>> -> memref<16x1024xf32, #tpu.memory_space<hbm>>
    tpu.wait_dma2 semaphore(%arg15 : memref<!tpu.dma_semaphore, #tpu.memory_space<semaphore_mem>>) src(%arg10 : memref<16x1024xf32, #tpu.memory_space<vmem>>) dst(%dma_wait3A_177 : memref<16x1024xf32, #tpu.memory_space<hbm>>)
    return
  }
}

#map = affine_map<(d0, d1) -> (0, 0)>
module attributes {stable_mosaic.version = 14 : i64} {
  func.func @_scatter_body(%arg0: i32, %arg1: i32, %arg2: memref<2048x1024xf32, #tpu.memory_space<hbm>>, %arg3: memref<2048x128xf32, #tpu.memory_space<hbm>>, %arg4: memref<2048x128xf32, #tpu.memory_space<hbm>>, %arg5: memref<32x64xi32, #tpu.memory_space<hbm>>, %arg6: memref<32x64xi32, #tpu.memory_space<hbm>>, %arg7: memref<6144x1024xf32, #tpu.memory_space<hbm>>, %arg8: memref<6144x128xf32, #tpu.memory_space<hbm>>, %arg9: memref<64x1024xf32, #tpu.memory_space<vmem>>, %arg10: memref<64x128xf32, #tpu.memory_space<vmem>>, %arg11: memref<64x128xf32, #tpu.memory_space<vmem>>, %arg12: memref<64xi32, #tpu.memory_space<vmem>>, %arg13: memref<64xi32, #tpu.memory_space<vmem>>, %arg14: memref<!tpu.dma_semaphore, #tpu.memory_space<semaphore_mem>>, %arg15: memref<!tpu.dma_semaphore, #tpu.memory_space<semaphore_mem>>, %arg16: memref<!tpu.dma_semaphore, #tpu.memory_space<semaphore_mem>>, %arg17: memref<!tpu.dma_semaphore, #tpu.memory_space<semaphore_mem>>, %arg18: memref<!tpu.dma_semaphore, #tpu.memory_space<semaphore_mem>>) attributes {dimension_semantics = [#tpu.dimension_semantics<core_parallel>, #tpu.dimension_semantics<subcore_parallel>], iteration_bounds = array<i64: 2, 16>, scalar_prefetch = 0 : i64, scratch_operands = 10 : i64, tpu.core_type = #tpu.core_type<sc_vector_subcore>, window_params = [{transform_indices = #map}, {transform_indices = #map}, {transform_indices = #map}, {transform_indices = #map}, {transform_indices = #map}, {transform_indices = #map}, {transform_indices = #map}]} {
    %mul3A = arith.constant 2 : i32
    %mul3A_0 = arith.muli %arg1, %mul3A : i32
    %add3A = arith.addi %mul3A_0, %arg0 : i32
    %mul3A_1 = arith.constant 64 : i32
    %mul3A_2 = arith.muli %add3A, %mul3A_1 : i32
    %dma_start3A = arith.constant 0 : i32
    %dma_start3A_3 = tpu.memref_slice %arg5[%add3A, %dma_start3A] : memref<32x64xi32, #tpu.memory_space<hbm>> -> memref<1x64xi32, #tpu.memory_space<hbm>>
    %dma_start3A_4 = tpu.memref_squeeze %dma_start3A_3 : memref<1x64xi32, #tpu.memory_space<hbm>> -> memref<64xi32, #tpu.memory_space<hbm>>
    %dma_start3A_5 = arith.constant 0 : i32
    %dma_start3A_6 = tpu.memref_slice %arg5[%add3A, %dma_start3A_5] : memref<32x64xi32, #tpu.memory_space<hbm>> -> memref<1x64xi32, #tpu.memory_space<hbm>>
    %dma_start3A_7 = tpu.memref_squeeze %dma_start3A_6 : memref<1x64xi32, #tpu.memory_space<hbm>> -> memref<64xi32, #tpu.memory_space<hbm>>
    tpu.enqueue_dma source(%dma_start3A_7 : memref<64xi32, #tpu.memory_space<hbm>>) target(%arg12 : memref<64xi32, #tpu.memory_space<vmem>>) target_semaphore(%arg14 : memref<!tpu.dma_semaphore, #tpu.memory_space<semaphore_mem>>)
    %dma_start3A_8 = arith.constant 0 : i32
    %dma_start3A_9 = tpu.memref_slice %arg6[%add3A, %dma_start3A_8] : memref<32x64xi32, #tpu.memory_space<hbm>> -> memref<1x64xi32, #tpu.memory_space<hbm>>
    %dma_start3A_10 = tpu.memref_squeeze %dma_start3A_9 : memref<1x64xi32, #tpu.memory_space<hbm>> -> memref<64xi32, #tpu.memory_space<hbm>>
    %dma_start3A_11 = arith.constant 0 : i32
    %dma_start3A_12 = tpu.memref_slice %arg6[%add3A, %dma_start3A_11] : memref<32x64xi32, #tpu.memory_space<hbm>> -> memref<1x64xi32, #tpu.memory_space<hbm>>
    %dma_start3A_13 = tpu.memref_squeeze %dma_start3A_12 : memref<1x64xi32, #tpu.memory_space<hbm>> -> memref<64xi32, #tpu.memory_space<hbm>>
    tpu.enqueue_dma source(%dma_start3A_13 : memref<64xi32, #tpu.memory_space<hbm>>) target(%arg13 : memref<64xi32, #tpu.memory_space<vmem>>) target_semaphore(%arg15 : memref<!tpu.dma_semaphore, #tpu.memory_space<semaphore_mem>>)
    %dma_start3A_14 = arith.constant 0 : i32
    %dma_start3A_15 = tpu.memref_slice %arg2[%mul3A_2, %dma_start3A_14] : memref<2048x1024xf32, #tpu.memory_space<hbm>> -> memref<64x1024xf32, #tpu.memory_space<hbm>>
    %dma_start3A_16 = arith.constant 0 : i32
    %dma_start3A_17 = tpu.memref_slice %arg2[%mul3A_2, %dma_start3A_16] : memref<2048x1024xf32, #tpu.memory_space<hbm>> -> memref<64x1024xf32, #tpu.memory_space<hbm>>
    tpu.enqueue_dma source(%dma_start3A_17 : memref<64x1024xf32, #tpu.memory_space<hbm>>) target(%arg9 : memref<64x1024xf32, #tpu.memory_space<vmem>>) target_semaphore(%arg16 : memref<!tpu.dma_semaphore, #tpu.memory_space<semaphore_mem>>)
    %dma_start3A_18 = arith.constant 0 : i32
    %dma_start3A_19 = tpu.memref_slice %arg3[%mul3A_2, %dma_start3A_18] : memref<2048x128xf32, #tpu.memory_space<hbm>> -> memref<64x128xf32, #tpu.memory_space<hbm>>
    %dma_start3A_20 = arith.constant 0 : i32
    %dma_start3A_21 = tpu.memref_slice %arg3[%mul3A_2, %dma_start3A_20] : memref<2048x128xf32, #tpu.memory_space<hbm>> -> memref<64x128xf32, #tpu.memory_space<hbm>>
    tpu.enqueue_dma source(%dma_start3A_21 : memref<64x128xf32, #tpu.memory_space<hbm>>) target(%arg10 : memref<64x128xf32, #tpu.memory_space<vmem>>) target_semaphore(%arg17 : memref<!tpu.dma_semaphore, #tpu.memory_space<semaphore_mem>>)
    %dma_start3A_22 = arith.constant 0 : i32
    %dma_start3A_23 = tpu.memref_slice %arg4[%mul3A_2, %dma_start3A_22] : memref<2048x128xf32, #tpu.memory_space<hbm>> -> memref<64x128xf32, #tpu.memory_space<hbm>>
    %dma_start3A_24 = arith.constant 0 : i32
    %dma_start3A_25 = tpu.memref_slice %arg4[%mul3A_2, %dma_start3A_24] : memref<2048x128xf32, #tpu.memory_space<hbm>> -> memref<64x128xf32, #tpu.memory_space<hbm>>
    tpu.enqueue_dma source(%dma_start3A_25 : memref<64x128xf32, #tpu.memory_space<hbm>>) target(%arg11 : memref<64x128xf32, #tpu.memory_space<vmem>>) target_semaphore(%arg18 : memref<!tpu.dma_semaphore, #tpu.memory_space<semaphore_mem>>)
    %dma_wait3A = arith.constant 0 : i32
    %dma_wait3A_26 = tpu.memref_slice %arg5[%add3A, %dma_wait3A] : memref<32x64xi32, #tpu.memory_space<hbm>> -> memref<1x64xi32, #tpu.memory_space<hbm>>
    %dma_wait3A_27 = tpu.memref_squeeze %dma_wait3A_26 : memref<1x64xi32, #tpu.memory_space<hbm>> -> memref<64xi32, #tpu.memory_space<hbm>>
    %dma_wait3A_28 = arith.constant 0 : i32
    %dma_wait3A_29 = tpu.memref_slice %arg5[%add3A, %dma_wait3A_28] : memref<32x64xi32, #tpu.memory_space<hbm>> -> memref<1x64xi32, #tpu.memory_space<hbm>>
    %dma_wait3A_30 = tpu.memref_squeeze %dma_wait3A_29 : memref<1x64xi32, #tpu.memory_space<hbm>> -> memref<64xi32, #tpu.memory_space<hbm>>
    tpu.wait_dma2 semaphore(%arg14 : memref<!tpu.dma_semaphore, #tpu.memory_space<semaphore_mem>>) src(%dma_wait3A_30 : memref<64xi32, #tpu.memory_space<hbm>>) dst(%arg12 : memref<64xi32, #tpu.memory_space<vmem>>)
    %dma_wait3A_31 = arith.constant 0 : i32
    %dma_wait3A_32 = tpu.memref_slice %arg6[%add3A, %dma_wait3A_31] : memref<32x64xi32, #tpu.memory_space<hbm>> -> memref<1x64xi32, #tpu.memory_space<hbm>>
    %dma_wait3A_33 = tpu.memref_squeeze %dma_wait3A_32 : memref<1x64xi32, #tpu.memory_space<hbm>> -> memref<64xi32, #tpu.memory_space<hbm>>
    %dma_wait3A_34 = arith.constant 0 : i32
    %dma_wait3A_35 = tpu.memref_slice %arg6[%add3A, %dma_wait3A_34] : memref<32x64xi32, #tpu.memory_space<hbm>> -> memref<1x64xi32, #tpu.memory_space<hbm>>
    %dma_wait3A_36 = tpu.memref_squeeze %dma_wait3A_35 : memref<1x64xi32, #tpu.memory_space<hbm>> -> memref<64xi32, #tpu.memory_space<hbm>>
    tpu.wait_dma2 semaphore(%arg15 : memref<!tpu.dma_semaphore, #tpu.memory_space<semaphore_mem>>) src(%dma_wait3A_36 : memref<64xi32, #tpu.memory_space<hbm>>) dst(%arg13 : memref<64xi32, #tpu.memory_space<vmem>>)
    %dma_wait3A_37 = arith.constant 0 : i32
    %dma_wait3A_38 = tpu.memref_slice %arg2[%mul3A_2, %dma_wait3A_37] : memref<2048x1024xf32, #tpu.memory_space<hbm>> -> memref<64x1024xf32, #tpu.memory_space<hbm>>
    %dma_wait3A_39 = arith.constant 0 : i32
    %dma_wait3A_40 = tpu.memref_slice %arg2[%mul3A_2, %dma_wait3A_39] : memref<2048x1024xf32, #tpu.memory_space<hbm>> -> memref<64x1024xf32, #tpu.memory_space<hbm>>
    tpu.wait_dma2 semaphore(%arg16 : memref<!tpu.dma_semaphore, #tpu.memory_space<semaphore_mem>>) src(%dma_wait3A_40 : memref<64x1024xf32, #tpu.memory_space<hbm>>) dst(%arg9 : memref<64x1024xf32, #tpu.memory_space<vmem>>)
    %dma_start3A_41 = arith.constant 0 : i32
    %dma_start3A_42 = arith.constant 0 : i32
    %dma_start3A_43 = tpu.memref_slice %arg7[%dma_start3A_41, %dma_start3A_42] : memref<6144x1024xf32, #tpu.memory_space<hbm>> -> memref<6144x1024xf32, #tpu.memory_space<hbm>>
    tpu.enqueue_indirect_dma source(%arg9 : memref<64x1024xf32, #tpu.memory_space<vmem>>) target(%dma_start3A_43 : memref<6144x1024xf32, #tpu.memory_space<hbm>>) offsets(%arg12 : memref<64xi32, #tpu.memory_space<vmem>>) semaphore(%arg14 : memref<!tpu.dma_semaphore, #tpu.memory_space<semaphore_mem>>)
    %dma_start3A_44 = arith.constant 0 : i32
    %dma_start3A_45 = arith.constant 0 : i32
    %dma_start3A_46 = tpu.memref_slice %arg7[%dma_start3A_44, %dma_start3A_45] : memref<6144x1024xf32, #tpu.memory_space<hbm>> -> memref<6144x1024xf32, #tpu.memory_space<hbm>>
    tpu.enqueue_indirect_dma source(%arg9 : memref<64x1024xf32, #tpu.memory_space<vmem>>) target(%dma_start3A_46 : memref<6144x1024xf32, #tpu.memory_space<hbm>>) offsets(%arg13 : memref<64xi32, #tpu.memory_space<vmem>>) semaphore(%arg15 : memref<!tpu.dma_semaphore, #tpu.memory_space<semaphore_mem>>)
    %dma_wait3A_47 = arith.constant 0 : i32
    %dma_wait3A_48 = tpu.memref_slice %arg3[%mul3A_2, %dma_wait3A_47] : memref<2048x128xf32, #tpu.memory_space<hbm>> -> memref<64x128xf32, #tpu.memory_space<hbm>>
    %dma_wait3A_49 = arith.constant 0 : i32
    %dma_wait3A_50 = tpu.memref_slice %arg3[%mul3A_2, %dma_wait3A_49] : memref<2048x128xf32, #tpu.memory_space<hbm>> -> memref<64x128xf32, #tpu.memory_space<hbm>>
    tpu.wait_dma2 semaphore(%arg17 : memref<!tpu.dma_semaphore, #tpu.memory_space<semaphore_mem>>) src(%dma_wait3A_50 : memref<64x128xf32, #tpu.memory_space<hbm>>) dst(%arg10 : memref<64x128xf32, #tpu.memory_space<vmem>>)
    %dma_start3A_51 = arith.constant 0 : i32
    %dma_start3A_52 = arith.constant 0 : i32
    %dma_start3A_53 = tpu.memref_slice %arg8[%dma_start3A_51, %dma_start3A_52] : memref<6144x128xf32, #tpu.memory_space<hbm>> -> memref<6144x128xf32, #tpu.memory_space<hbm>>
    tpu.enqueue_indirect_dma source(%arg10 : memref<64x128xf32, #tpu.memory_space<vmem>>) target(%dma_start3A_53 : memref<6144x128xf32, #tpu.memory_space<hbm>>) offsets(%arg12 : memref<64xi32, #tpu.memory_space<vmem>>) semaphore(%arg16 : memref<!tpu.dma_semaphore, #tpu.memory_space<semaphore_mem>>)
    %dma_wait3A_54 = arith.constant 0 : i32
    %dma_wait3A_55 = tpu.memref_slice %arg4[%mul3A_2, %dma_wait3A_54] : memref<2048x128xf32, #tpu.memory_space<hbm>> -> memref<64x128xf32, #tpu.memory_space<hbm>>
    %dma_wait3A_56 = arith.constant 0 : i32
    %dma_wait3A_57 = tpu.memref_slice %arg4[%mul3A_2, %dma_wait3A_56] : memref<2048x128xf32, #tpu.memory_space<hbm>> -> memref<64x128xf32, #tpu.memory_space<hbm>>
    tpu.wait_dma2 semaphore(%arg18 : memref<!tpu.dma_semaphore, #tpu.memory_space<semaphore_mem>>) src(%dma_wait3A_57 : memref<64x128xf32, #tpu.memory_space<hbm>>) dst(%arg11 : memref<64x128xf32, #tpu.memory_space<vmem>>)
    %dma_start3A_58 = arith.constant 0 : i32
    %dma_start3A_59 = arith.constant 0 : i32
    %dma_start3A_60 = tpu.memref_slice %arg8[%dma_start3A_58, %dma_start3A_59] : memref<6144x128xf32, #tpu.memory_space<hbm>> -> memref<6144x128xf32, #tpu.memory_space<hbm>>
    tpu.enqueue_indirect_dma source(%arg11 : memref<64x128xf32, #tpu.memory_space<vmem>>) target(%dma_start3A_60 : memref<6144x128xf32, #tpu.memory_space<hbm>>) offsets(%arg13 : memref<64xi32, #tpu.memory_space<vmem>>) semaphore(%arg17 : memref<!tpu.dma_semaphore, #tpu.memory_space<semaphore_mem>>)
    %dma_wait3A_61 = arith.constant 0 : i32
    %dma_wait3A_62 = arith.constant 0 : i32
    %dma_wait3A_63 = tpu.memref_slice %arg7[%dma_wait3A_61, %dma_wait3A_62] : memref<6144x1024xf32, #tpu.memory_space<hbm>> -> memref<6144x1024xf32, #tpu.memory_space<hbm>>
    tpu.wait_indirect_dma semaphore(%arg14 : memref<!tpu.dma_semaphore, #tpu.memory_space<semaphore_mem>>) src(%arg9 : memref<64x1024xf32, #tpu.memory_space<vmem>>) dst(%dma_wait3A_63 : memref<6144x1024xf32, #tpu.memory_space<hbm>>)
    %dma_wait3A_64 = arith.constant 0 : i32
    %dma_wait3A_65 = arith.constant 0 : i32
    %dma_wait3A_66 = tpu.memref_slice %arg7[%dma_wait3A_64, %dma_wait3A_65] : memref<6144x1024xf32, #tpu.memory_space<hbm>> -> memref<6144x1024xf32, #tpu.memory_space<hbm>>
    tpu.wait_indirect_dma semaphore(%arg15 : memref<!tpu.dma_semaphore, #tpu.memory_space<semaphore_mem>>) src(%arg9 : memref<64x1024xf32, #tpu.memory_space<vmem>>) dst(%dma_wait3A_66 : memref<6144x1024xf32, #tpu.memory_space<hbm>>)
    %dma_wait3A_67 = arith.constant 0 : i32
    %dma_wait3A_68 = arith.constant 0 : i32
    %dma_wait3A_69 = tpu.memref_slice %arg8[%dma_wait3A_67, %dma_wait3A_68] : memref<6144x128xf32, #tpu.memory_space<hbm>> -> memref<6144x128xf32, #tpu.memory_space<hbm>>
    tpu.wait_indirect_dma semaphore(%arg16 : memref<!tpu.dma_semaphore, #tpu.memory_space<semaphore_mem>>) src(%arg10 : memref<64x128xf32, #tpu.memory_space<vmem>>) dst(%dma_wait3A_69 : memref<6144x128xf32, #tpu.memory_space<hbm>>)
    %dma_wait3A_70 = arith.constant 0 : i32
    %dma_wait3A_71 = arith.constant 0 : i32
    %dma_wait3A_72 = tpu.memref_slice %arg8[%dma_wait3A_70, %dma_wait3A_71] : memref<6144x128xf32, #tpu.memory_space<hbm>> -> memref<6144x128xf32, #tpu.memory_space<hbm>>
    tpu.wait_indirect_dma semaphore(%arg17 : memref<!tpu.dma_semaphore, #tpu.memory_space<semaphore_mem>>) src(%arg11 : memref<64x128xf32, #tpu.memory_space<vmem>>) dst(%dma_wait3A_72 : memref<6144x128xf32, #tpu.memory_space<hbm>>)
    return
  }
}

module attributes {stable_mosaic.version = 14 : i64} {
  func.func @_route_body(%arg0: memref<2048x1024xf32, #tpu.memory_space<vmem>>, %arg1: memref<8x1024xf32, #tpu.memory_space<vmem>>, %arg2: memref<2048x8xf32, #tpu.memory_space<vmem>>, %arg3: memref<1x8xf32, #tpu.memory_space<vmem>>, %arg4: memref<2048x8xi32, #tpu.memory_space<vmem>>, %arg5: memref<2048x128xf32, #tpu.memory_space<vmem>>, %arg6: memref<2048x128xf32, #tpu.memory_space<vmem>>, %arg7: memref<8x128xi32, #tpu.memory_space<vmem>>) attributes {dimension_semantics = [], scalar_prefetch = 0 : i64, scratch_operands = 0 : i64, tpu.core_type = #tpu.core_type<tc>} {
    %get3A = arith.constant 0 : index
    %get3A_0 = arith.constant 0 : index
    %get3A_1 = vector.load %arg0[%get3A, %get3A_0] : memref<2048x1024xf32, #tpu.memory_space<vmem>>, vector<2048x1024xf32>
    %get3A_2 = arith.constant 0 : index
    %get3A_3 = arith.constant 0 : index
    %get3A_4 = vector.load %arg1[%get3A_2, %get3A_3] : memref<8x1024xf32, #tpu.memory_space<vmem>>, vector<8x1024xf32>
    %dot_general3A = arith.constant dense<0.000000e+00> : vector<2048x8xf32>
    %dot_general3A_5 = tpu.matmul %get3A_1, %get3A_4, %dot_general3A {dimension_numbers = #tpu.dot_dimension_numbers<[1], [1], [0], [0], [0, 0, 1, 0], [], []>, transpose_lhs_hint = false} : vector<2048x1024xf32>, vector<8x1024xf32>, vector<2048x8xf32> -> vector<2048x8xf32>
    %get3A_6 = arith.constant 0 : index
    %get3A_7 = arith.constant 0 : index
    %get3A_8 = vector.load %arg2[%get3A_6, %get3A_7] : memref<2048x8xf32, #tpu.memory_space<vmem>>, vector<2048x8xf32>
    %add3A = arith.addf %dot_general3A_5, %get3A_8 : vector<2048x8xf32>
    %get3A_9 = arith.constant 0 : index
    %get3A_10 = arith.constant 0 : index
    %get3A_11 = vector.load %arg3[%get3A_9, %get3A_10] : memref<1x8xf32, #tpu.memory_space<vmem>>, vector<1x8xf32>
    %add3A_12 = vector.broadcast %get3A_11 : vector<1x8xf32> to vector<2048x8xf32>
    %add3A_13 = arith.addf %add3A, %add3A_12 : vector<2048x8xf32>
    %iota3A = tpu.iota {dimensions = array<i32: 1>} : vector<2048x8xi32>
    %reduce_max3A = arith.constant dense<0xFF800000> : vector<2048xf32>
    %reduce_max3A_14 = vector.multi_reduction <maximumf>, %add3A_13, %reduce_max3A [1] : vector<2048x8xf32> to vector<2048xf32>
    %broadcast_in_dim3A = vector.shape_cast %reduce_max3A_14 : vector<2048xf32> to vector<2048x1xf32>
    %eq3A = vector.broadcast %broadcast_in_dim3A : vector<2048x1xf32> to vector<2048x8xf32>
    %eq3A_15 = arith.cmpf oeq, %add3A_13, %eq3A : vector<2048x8xf32>
    %jit3A = arith.constant 9 : i32
    %broadcast_in_dim3A_16 = vector.broadcast %jit3A : i32 to vector<2048x8xi32>
    %select_n3A = arith.select %eq3A_15, %iota3A, %broadcast_in_dim3A_16 : vector<2048x8xi1>, vector<2048x8xi32>
    %reduce_min3A = arith.constant dense<2147483647> : vector<2048xi32>
    %reduce_min3A_17 = vector.multi_reduction <minsi>, %select_n3A, %reduce_min3A [1] : vector<2048x8xi32> to vector<2048xi32>
    %broadcast_in_dim3A_18 = vector.shape_cast %reduce_min3A_17 : vector<2048xi32> to vector<2048x1xi32>
    %eq3A_19 = vector.broadcast %broadcast_in_dim3A_18 : vector<2048x1xi32> to vector<2048x8xi32>
    %eq3A_20 = arith.cmpi eq, %iota3A, %eq3A_19 : vector<2048x8xi32>
    %jit3A_21 = arith.constant -3.000000e+38 : f32
    %broadcast_in_dim3A_22 = vector.broadcast %jit3A_21 : f32 to vector<2048x8xf32>
    %select_n3A_23 = arith.select %eq3A_20, %broadcast_in_dim3A_22, %add3A_13 : vector<2048x8xi1>, vector<2048x8xf32>
    %reduce_max3A_24 = arith.constant dense<0xFF800000> : vector<2048xf32>
    %reduce_max3A_25 = vector.multi_reduction <maximumf>, %select_n3A_23, %reduce_max3A_24 [1] : vector<2048x8xf32> to vector<2048xf32>
    %broadcast_in_dim3A_26 = vector.shape_cast %reduce_max3A_25 : vector<2048xf32> to vector<2048x1xf32>
    %eq3A_27 = vector.broadcast %broadcast_in_dim3A_26 : vector<2048x1xf32> to vector<2048x8xf32>
    %eq3A_28 = arith.cmpf oeq, %select_n3A_23, %eq3A_27 : vector<2048x8xf32>
    %jit3A_29 = arith.constant 9 : i32
    %broadcast_in_dim3A_30 = vector.broadcast %jit3A_29 : i32 to vector<2048x8xi32>
    %select_n3A_31 = arith.select %eq3A_28, %iota3A, %broadcast_in_dim3A_30 : vector<2048x8xi1>, vector<2048x8xi32>
    %reduce_min3A_32 = arith.constant dense<2147483647> : vector<2048xi32>
    %reduce_min3A_33 = vector.multi_reduction <minsi>, %select_n3A_31, %reduce_min3A_32 [1] : vector<2048x8xi32> to vector<2048xi32>
    %broadcast_in_dim3A_34 = vector.shape_cast %reduce_min3A_33 : vector<2048xi32> to vector<2048x1xi32>
    %sub3A = arith.subf %broadcast_in_dim3A_26, %broadcast_in_dim3A : vector<2048x1xf32>
    %exp3A = math.exp %sub3A : vector<2048x1xf32>
    %add3A_35 = arith.constant 1.000000e+00 : f32
    %add3A_36 = vector.broadcast %add3A_35 : f32 to vector<2048x1xf32>
    %add3A_37 = arith.addf %add3A_36, %exp3A : vector<2048x1xf32>
    %div3A = arith.constant 1.000000e+00 : f32
    %div3A_38 = vector.broadcast %div3A : f32 to vector<2048x1xf32>
    %div3A_39 = arith.divf %div3A_38, %add3A_37 : vector<2048x1xf32>
    %add3A_40 = arith.constant 1.000000e+00 : f32
    %add3A_41 = vector.broadcast %add3A_40 : f32 to vector<2048x1xf32>
    %add3A_42 = arith.addf %add3A_41, %exp3A : vector<2048x1xf32>
    %div3A_43 = arith.divf %exp3A, %add3A_42 : vector<2048x1xf32>
    %eq3A_44 = vector.broadcast %broadcast_in_dim3A_18 : vector<2048x1xi32> to vector<2048x8xi32>
    %eq3A_45 = arith.cmpi eq, %iota3A, %eq3A_44 : vector<2048x8xi32>
    %convert_element_type3A = arith.extui %eq3A_45 : vector<2048x8xi1> to vector<2048x8xi32>
    %convert_element_type3A_46 = arith.sitofp %convert_element_type3A : vector<2048x8xi32> to vector<2048x8xf32>
    %eq3A_47 = vector.broadcast %broadcast_in_dim3A_34 : vector<2048x1xi32> to vector<2048x8xi32>
    %eq3A_48 = arith.cmpi eq, %iota3A, %eq3A_47 : vector<2048x8xi32>
    %convert_element_type3A_49 = arith.extui %eq3A_48 : vector<2048x8xi1> to vector<2048x8xi32>
    %convert_element_type3A_50 = arith.sitofp %convert_element_type3A_49 : vector<2048x8xi32> to vector<2048x8xf32>
    %add3A_51 = arith.addf %convert_element_type3A_46, %convert_element_type3A_50 : vector<2048x8xf32>
    %iota3A_52 = tpu.iota {dimensions = array<i32: 0>} : vector<2048x2048xi32>
    %iota3A_53 = tpu.iota {dimensions = array<i32: 1>} : vector<2048x2048xi32>
    %ge3A = arith.cmpi sge, %iota3A_52, %iota3A_53 : vector<2048x2048xi32>
    %convert_element_type3A_54 = arith.extui %ge3A : vector<2048x2048xi1> to vector<2048x2048xi32>
    %convert_element_type3A_55 = arith.sitofp %convert_element_type3A_54 : vector<2048x2048xi32> to vector<2048x2048xf32>
    %dot_general3A_56 = arith.constant dense<0.000000e+00> : vector<2048x8xf32>
    %dot_general3A_57 = tpu.matmul %convert_element_type3A_55, %add3A_51, %dot_general3A_56 {dimension_numbers = #tpu.dot_dimension_numbers<[1], [0], [0], [1], [0, 0, 1, 1], [], []>, transpose_lhs_hint = false} : vector<2048x2048xf32>, vector<2048x8xf32>, vector<2048x8xf32> -> vector<2048x8xf32>
    %sub3A_58 = arith.subf %dot_general3A_57, %add3A_51 : vector<2048x8xf32>
    %slice3A = vector.extract_strided_slice %dot_general3A_57 {offsets = [2047, 0], sizes = [1, 8], strides = [1, 1]} : vector<2048x8xf32> to vector<1x8xf32>
    %convert_element_type3A_59 = arith.fptosi %slice3A : vector<1x8xf32> to vector<1x8xi32>
    %add3A_60 = arith.constant 255 : i32
    %add3A_61 = vector.broadcast %add3A_60 : i32 to vector<1x8xi32>
    %add3A_62 = arith.addi %convert_element_type3A_59, %add3A_61 : vector<1x8xi32>
    %jit3A_63 = arith.constant 256 : i32
    %div3A_64 = vector.broadcast %jit3A_63 : i32 to vector<1x8xi32>
    %div3A_65 = arith.divsi %add3A_62, %div3A_64 : vector<1x8xi32>
    %sign3A = arith.constant 0 : i32
    %sign3A_66 = vector.broadcast %sign3A : i32 to vector<1x8xi32>
    %sign3A_67 = arith.cmpi sgt, %add3A_62, %sign3A_66 : vector<1x8xi32>
    %sign3A_68 = arith.extui %sign3A_67 : vector<1x8xi1> to vector<1x8xi32>
    %sign3A_69 = arith.constant 0 : i32
    %sign3A_70 = vector.broadcast %sign3A_69 : i32 to vector<1x8xi32>
    %sign3A_71 = arith.cmpi slt, %add3A_62, %sign3A_70 : vector<1x8xi32>
    %sign3A_72 = arith.extui %sign3A_71 : vector<1x8xi1> to vector<1x8xi32>
    %sign3A_73 = arith.subi %sign3A_68, %sign3A_72 : vector<1x8xi32>
    %sign3A_74 = arith.constant 0 : i32
    %sign3A_75 = arith.cmpi sgt, %jit3A_63, %sign3A_74 : i32
    %sign3A_76 = arith.extui %sign3A_75 : i1 to i32
    %sign3A_77 = arith.constant 0 : i32
    %sign3A_78 = arith.cmpi slt, %jit3A_63, %sign3A_77 : i32
    %sign3A_79 = arith.extui %sign3A_78 : i1 to i32
    %sign3A_80 = arith.subi %sign3A_76, %sign3A_79 : i32
    %ne3A = vector.broadcast %sign3A_80 : i32 to vector<1x8xi32>
    %ne3A_81 = arith.cmpi ne, %sign3A_73, %ne3A : vector<1x8xi32>
    %rem3A = vector.broadcast %jit3A_63 : i32 to vector<1x8xi32>
    %rem3A_82 = arith.remsi %add3A_62, %rem3A : vector<1x8xi32>
    %ne3A_83 = arith.constant 0 : i32
    %ne3A_84 = vector.broadcast %ne3A_83 : i32 to vector<1x8xi32>
    %ne3A_85 = arith.cmpi ne, %rem3A_82, %ne3A_84 : vector<1x8xi32>
    %and3A = arith.andi %ne3A_81, %ne3A_85 : vector<1x8xi1>
    %sub3A_86 = arith.constant 1 : i32
    %sub3A_87 = vector.broadcast %sub3A_86 : i32 to vector<1x8xi32>
    %sub3A_88 = arith.subi %div3A_65, %sub3A_87 : vector<1x8xi32>
    %select_n3A_89 = arith.select %and3A, %sub3A_88, %div3A_65 : vector<1x8xi1>, vector<1x8xi32>
    %mul3A = arith.constant 256 : i32
    %mul3A_90 = vector.broadcast %mul3A : i32 to vector<1x8xi32>
    %mul3A_91 = arith.muli %select_n3A_89, %mul3A_90 : vector<1x8xi32>
    %iota3A_92 = tpu.iota {dimensions = array<i32: 0>} : vector<8x8xi32>
    %iota3A_93 = tpu.iota {dimensions = array<i32: 1>} : vector<8x8xi32>
    %lt3A = arith.cmpi slt, %iota3A_92, %iota3A_93 : vector<8x8xi32>
    %convert_element_type3A_94 = arith.extui %lt3A : vector<8x8xi1> to vector<8x8xi32>
    %convert_element_type3A_95 = arith.sitofp %convert_element_type3A_94 : vector<8x8xi32> to vector<8x8xf32>
    %convert_element_type3A_96 = arith.sitofp %mul3A_91 : vector<1x8xi32> to vector<1x8xf32>
    %dot_general3A_97 = arith.constant dense<0.000000e+00> : vector<1x8xf32>
    %dot_general3A_98 = tpu.matmul %convert_element_type3A_96, %convert_element_type3A_95, %dot_general3A_97 {dimension_numbers = #tpu.dot_dimension_numbers<[1], [0], [0], [1], [0, 0, 1, 1], [], []>, transpose_lhs_hint = false} : vector<1x8xf32>, vector<8x8xf32>, vector<1x8xf32> -> vector<1x8xf32>
    %convert_element_type3A_99 = arith.fptosi %dot_general3A_98 : vector<1x8xf32> to vector<1x8xi32>
    %add3A_100 = vector.broadcast %dot_general3A_98 : vector<1x8xf32> to vector<2048x8xf32>
    %add3A_101 = arith.addf %add3A_100, %sub3A_58 : vector<2048x8xf32>
    %mul3A_102 = arith.mulf %convert_element_type3A_46, %add3A_101 : vector<2048x8xf32>
    %reduce_sum3A = arith.constant dense<0.000000e+00> : vector<2048xf32>
    %reduce_sum3A_103 = vector.multi_reduction <add>, %mul3A_102, %reduce_sum3A [1] : vector<2048x8xf32> to vector<2048xf32>
    %broadcast_in_dim3A_104 = vector.shape_cast %reduce_sum3A_103 : vector<2048xf32> to vector<2048x1xf32>
    %convert_element_type3A_105 = arith.fptosi %broadcast_in_dim3A_104 : vector<2048x1xf32> to vector<2048x1xi32>
    %mul3A_106 = arith.mulf %convert_element_type3A_50, %add3A_101 : vector<2048x8xf32>
    %reduce_sum3A_107 = arith.constant dense<0.000000e+00> : vector<2048xf32>
    %reduce_sum3A_108 = vector.multi_reduction <add>, %mul3A_106, %reduce_sum3A_107 [1] : vector<2048x8xf32> to vector<2048xf32>
    %broadcast_in_dim3A_109 = vector.shape_cast %reduce_sum3A_108 : vector<2048xf32> to vector<2048x1xf32>
    %convert_element_type3A_110 = arith.fptosi %broadcast_in_dim3A_109 : vector<2048x1xf32> to vector<2048x1xi32>
    %eq3A_111 = arith.constant 0 : i32
    %eq3A_112 = vector.broadcast %eq3A_111 : i32 to vector<2048x8xi32>
    %eq3A_113 = arith.cmpi eq, %iota3A, %eq3A_112 : vector<2048x8xi32>
    %convert_element_type3A_114 = arith.extui %eq3A_113 : vector<2048x8xi1> to vector<2048x8xi32>
    %mul3A_115 = vector.broadcast %convert_element_type3A_105 : vector<2048x1xi32> to vector<2048x8xi32>
    %mul3A_116 = arith.muli %convert_element_type3A_114, %mul3A_115 : vector<2048x8xi32>
    %eq3A_117 = arith.constant 1 : i32
    %eq3A_118 = vector.broadcast %eq3A_117 : i32 to vector<2048x8xi32>
    %eq3A_119 = arith.cmpi eq, %iota3A, %eq3A_118 : vector<2048x8xi32>
    %convert_element_type3A_120 = arith.extui %eq3A_119 : vector<2048x8xi1> to vector<2048x8xi32>
    %mul3A_121 = vector.broadcast %convert_element_type3A_110 : vector<2048x1xi32> to vector<2048x8xi32>
    %mul3A_122 = arith.muli %convert_element_type3A_120, %mul3A_121 : vector<2048x8xi32>
    %add3A_123 = arith.addi %mul3A_116, %mul3A_122 : vector<2048x8xi32>
    %swap3A = arith.constant 0 : index
    %swap3A_124 = arith.constant 0 : index
    %swap3A_125 = vector.load %arg4[%swap3A, %swap3A_124] : memref<2048x8xi32, #tpu.memory_space<vmem>>, vector<2048x8xi32>
    tpu.vector_store %arg4[%swap3A, %swap3A_124], %add3A_123 {strides = array<i32>} : memref<2048x8xi32, #tpu.memory_space<vmem>>, vector<2048x8xi32>,
    %broadcast_in_dim3A_126 = vector.shape_cast %div3A_39 : vector<2048x1xf32> to vector<2048x1xf32>
    %broadcast_in_dim3A_127 = vector.broadcast %broadcast_in_dim3A_126 : vector<2048x1xf32> to vector<2048x128xf32>
    %swap3A_128 = arith.constant 0 : index
    %swap3A_129 = arith.constant 0 : index
    %swap3A_130 = vector.load %arg5[%swap3A_128, %swap3A_129] : memref<2048x128xf32, #tpu.memory_space<vmem>>, vector<2048x128xf32>
    tpu.vector_store %arg5[%swap3A_128, %swap3A_129], %broadcast_in_dim3A_127 {strides = array<i32>} : memref<2048x128xf32, #tpu.memory_space<vmem>>, vector<2048x128xf32>,
    %broadcast_in_dim3A_131 = vector.shape_cast %div3A_43 : vector<2048x1xf32> to vector<2048x1xf32>
    %broadcast_in_dim3A_132 = vector.broadcast %broadcast_in_dim3A_131 : vector<2048x1xf32> to vector<2048x128xf32>
    %swap3A_133 = arith.constant 0 : index
    %swap3A_134 = arith.constant 0 : index
    %swap3A_135 = vector.load %arg6[%swap3A_133, %swap3A_134] : memref<2048x128xf32, #tpu.memory_space<vmem>>, vector<2048x128xf32>
    tpu.vector_store %arg6[%swap3A_133, %swap3A_134], %broadcast_in_dim3A_132 {strides = array<i32>} : memref<2048x128xf32, #tpu.memory_space<vmem>>, vector<2048x128xf32>,
    %iota3A_136 = tpu.iota {dimensions = array<i32: 1>} : vector<1x128xi32>
    %mul3A_137 = arith.constant 256 : i32
    %mul3A_138 = vector.broadcast %mul3A_137 : i32 to vector<1x128xi32>
    %mul3A_139 = arith.muli %iota3A_136, %mul3A_138 : vector<1x128xi32>
    %add3A_140 = arith.addi %convert_element_type3A_99, %mul3A_91 : vector<1x8xi32>
    %broadcast_in_dim3A_141 = arith.constant 0 : i32
    %broadcast_in_dim3A_142 = vector.broadcast %broadcast_in_dim3A_141 : i32 to vector<1x128xi32>
    %slice3A_143 = vector.extract_strided_slice %add3A_140 {offsets = [0, 0], sizes = [1, 1], strides = [1, 1]} : vector<1x8xi32> to vector<1x1xi32>
    %ge3A_144 = vector.broadcast %slice3A_143 : vector<1x1xi32> to vector<1x128xi32>
    %ge3A_145 = arith.cmpi sge, %mul3A_139, %ge3A_144 : vector<1x128xi32>
    %convert_element_type3A_146 = arith.extui %ge3A_145 : vector<1x128xi1> to vector<1x128xi32>
    %add3A_147 = arith.addi %broadcast_in_dim3A_142, %convert_element_type3A_146 : vector<1x128xi32>
    %slice3A_148 = vector.extract_strided_slice %add3A_140 {offsets = [0, 1], sizes = [1, 1], strides = [1, 1]} : vector<1x8xi32> to vector<1x1xi32>
    %ge3A_149 = vector.broadcast %slice3A_148 : vector<1x1xi32> to vector<1x128xi32>
    %ge3A_150 = arith.cmpi sge, %mul3A_139, %ge3A_149 : vector<1x128xi32>
    %convert_element_type3A_151 = arith.extui %ge3A_150 : vector<1x128xi1> to vector<1x128xi32>
    %add3A_152 = arith.addi %add3A_147, %convert_element_type3A_151 : vector<1x128xi32>
    %slice3A_153 = vector.extract_strided_slice %add3A_140 {offsets = [0, 2], sizes = [1, 1], strides = [1, 1]} : vector<1x8xi32> to vector<1x1xi32>
    %ge3A_154 = vector.broadcast %slice3A_153 : vector<1x1xi32> to vector<1x128xi32>
    %ge3A_155 = arith.cmpi sge, %mul3A_139, %ge3A_154 : vector<1x128xi32>
    %convert_element_type3A_156 = arith.extui %ge3A_155 : vector<1x128xi1> to vector<1x128xi32>
    %add3A_157 = arith.addi %add3A_152, %convert_element_type3A_156 : vector<1x128xi32>
    %slice3A_158 = vector.extract_strided_slice %add3A_140 {offsets = [0, 3], sizes = [1, 1], strides = [1, 1]} : vector<1x8xi32> to vector<1x1xi32>
    %ge3A_159 = vector.broadcast %slice3A_158 : vector<1x1xi32> to vector<1x128xi32>
    %ge3A_160 = arith.cmpi sge, %mul3A_139, %ge3A_159 : vector<1x128xi32>
    %convert_element_type3A_161 = arith.extui %ge3A_160 : vector<1x128xi1> to vector<1x128xi32>
    %add3A_162 = arith.addi %add3A_157, %convert_element_type3A_161 : vector<1x128xi32>
    %slice3A_163 = vector.extract_strided_slice %add3A_140 {offsets = [0, 4], sizes = [1, 1], strides = [1, 1]} : vector<1x8xi32> to vector<1x1xi32>
    %ge3A_164 = vector.broadcast %slice3A_163 : vector<1x1xi32> to vector<1x128xi32>
    %ge3A_165 = arith.cmpi sge, %mul3A_139, %ge3A_164 : vector<1x128xi32>
    %convert_element_type3A_166 = arith.extui %ge3A_165 : vector<1x128xi1> to vector<1x128xi32>
    %add3A_167 = arith.addi %add3A_162, %convert_element_type3A_166 : vector<1x128xi32>
    %slice3A_168 = vector.extract_strided_slice %add3A_140 {offsets = [0, 5], sizes = [1, 1], strides = [1, 1]} : vector<1x8xi32> to vector<1x1xi32>
    %ge3A_169 = vector.broadcast %slice3A_168 : vector<1x1xi32> to vector<1x128xi32>
    %ge3A_170 = arith.cmpi sge, %mul3A_139, %ge3A_169 : vector<1x128xi32>
    %convert_element_type3A_171 = arith.extui %ge3A_170 : vector<1x128xi1> to vector<1x128xi32>
    %add3A_172 = arith.addi %add3A_167, %convert_element_type3A_171 : vector<1x128xi32>
    %slice3A_173 = vector.extract_strided_slice %add3A_140 {offsets = [0, 6], sizes = [1, 1], strides = [1, 1]} : vector<1x8xi32> to vector<1x1xi32>
    %ge3A_174 = vector.broadcast %slice3A_173 : vector<1x1xi32> to vector<1x128xi32>
    %ge3A_175 = arith.cmpi sge, %mul3A_139, %ge3A_174 : vector<1x128xi32>
    %convert_element_type3A_176 = arith.extui %ge3A_175 : vector<1x128xi1> to vector<1x128xi32>
    %add3A_177 = arith.addi %add3A_172, %convert_element_type3A_176 : vector<1x128xi32>
    %slice3A_178 = vector.extract_strided_slice %add3A_140 {offsets = [0, 7], sizes = [1, 1], strides = [1, 1]} : vector<1x8xi32> to vector<1x1xi32>
    %ge3A_179 = vector.broadcast %slice3A_178 : vector<1x1xi32> to vector<1x128xi32>
    %ge3A_180 = arith.cmpi sge, %mul3A_139, %ge3A_179 : vector<1x128xi32>
    %convert_element_type3A_181 = arith.extui %ge3A_180 : vector<1x128xi1> to vector<1x128xi32>
    %add3A_182 = arith.addi %add3A_177, %convert_element_type3A_181 : vector<1x128xi32>
    %min3A = arith.constant 7 : i32
    %min3A_183 = vector.broadcast %min3A : i32 to vector<1x128xi32>
    %min3A_184 = arith.minsi %add3A_182, %min3A_183 : vector<1x128xi32>
    %slice3A_185 = vector.extract_strided_slice %add3A_140 {offsets = [0, 7], sizes = [1, 1], strides = [1, 1]} : vector<1x8xi32> to vector<1x1xi32>
    %lt3A_186 = vector.broadcast %slice3A_185 : vector<1x1xi32> to vector<1x128xi32>
    %lt3A_187 = arith.cmpi slt, %mul3A_139, %lt3A_186 : vector<1x128xi32>
    %convert_element_type3A_188 = arith.extui %lt3A_187 : vector<1x128xi1> to vector<1x128xi32>
    %iota3A_189 = tpu.iota {dimensions = array<i32: 0>} : vector<8x128xi32>
    %eq3A_190 = arith.constant 0 : i32
    %eq3A_191 = vector.broadcast %eq3A_190 : i32 to vector<8x128xi32>
    %eq3A_192 = arith.cmpi eq, %iota3A_189, %eq3A_191 : vector<8x128xi32>
    %broadcast_in_dim3A_193 = vector.shape_cast %min3A_184 : vector<1x128xi32> to vector<1x128xi32>
    %broadcast_in_dim3A_194 = vector.broadcast %broadcast_in_dim3A_193 : vector<1x128xi32> to vector<8x128xi32>
    %eq3A_195 = arith.constant 1 : i32
    %eq3A_196 = vector.broadcast %eq3A_195 : i32 to vector<8x128xi32>
    %eq3A_197 = arith.cmpi eq, %iota3A_189, %eq3A_196 : vector<8x128xi32>
    %broadcast_in_dim3A_198 = vector.shape_cast %convert_element_type3A_188 : vector<1x128xi32> to vector<1x128xi32>
    %broadcast_in_dim3A_199 = vector.broadcast %broadcast_in_dim3A_198 : vector<1x128xi32> to vector<8x128xi32>
    %jit3A_200 = arith.constant 0 : i32
    %broadcast_in_dim3A_201 = vector.broadcast %jit3A_200 : i32 to vector<8x128xi32>
    %select_n3A_202 = arith.select %eq3A_197, %broadcast_in_dim3A_199, %broadcast_in_dim3A_201 : vector<8x128xi1>, vector<8x128xi32>
    %select_n3A_203 = arith.select %eq3A_192, %broadcast_in_dim3A_194, %select_n3A_202 : vector<8x128xi1>, vector<8x128xi32>
    %swap3A_204 = arith.constant 0 : index
    %swap3A_205 = arith.constant 0 : index
    %swap3A_206 = vector.load %arg7[%swap3A_204, %swap3A_205] : memref<8x128xi32, #tpu.memory_space<vmem>>, vector<8x128xi32>
    tpu.vector_store %arg7[%swap3A_204, %swap3A_205], %select_n3A_203 {strides = array<i32>} : memref<8x128xi32, #tpu.memory_space<vmem>>, vector<8x128xi32>,
    return
  }
}

module attributes {stable_mosaic.version = 14 : i64} {
  func.func @_ffn_body(%arg0: i32, %arg1: memref<24xi32, #tpu.memory_space<smem>>, %arg2: memref<24xi32, #tpu.memory_space<smem>>, %arg3: memref<256x1024xf32, #tpu.memory_space<vmem>>, %arg4: memref<256x128xf32, #tpu.memory_space<vmem>>, %arg5: memref<1x2048x1024xf32, #tpu.memory_space<vmem>>, %arg6: memref<1x2048x1024xf32, #tpu.memory_space<vmem>>, %arg7: memref<1x1x4096xf32, #tpu.memory_space<vmem>>, %arg8: memref<1x512x2048xf32, #tpu.memory_space<vmem>>, %arg9: memref<1x512x2048xf32, #tpu.memory_space<vmem>>, %arg10: memref<1x1x1024xf32, #tpu.memory_space<vmem>>, %arg11: memref<256x1024xf32, #tpu.memory_space<vmem>>) attributes {dimension_semantics = [#tpu.dimension_semantics<arbitrary>], iteration_bounds = array<i64: 24>, scalar_prefetch = 2 : i64, scratch_operands = 0 : i64, tpu.core_type = #tpu.core_type<tc>, window_params = [{transform_indices = @transform_0, window_bounds = array<i64: 256, 1024>}, {transform_indices = @transform_1, window_bounds = array<i64: 256, 128>}, {transform_indices = @transform_2, window_bounds = array<i64: 1, 2048, 1024>}, {transform_indices = @transform_3, window_bounds = array<i64: 1, 2048, 1024>}, {transform_indices = @transform_4, window_bounds = array<i64: 1, 1, 4096>}, {transform_indices = @transform_5, window_bounds = array<i64: 1, 512, 2048>}, {transform_indices = @transform_6, window_bounds = array<i64: 1, 512, 2048>}, {transform_indices = @transform_7, window_bounds = array<i64: 1, 1, 1024>}, {transform_indices = @transform_8, window_bounds = array<i64: 256, 1024>}]} {
    %get3A = arith.index_cast %arg0 : i32 to index
    %get3A_0 = memref.load %arg2[%get3A] : memref<24xi32, #tpu.memory_space<smem>>
    %eq3A = arith.constant 1 : i32
    %eq3A_1 = arith.cmpi eq, %get3A_0, %eq3A : i32
    %convert_element_type3A = arith.extui %eq3A_1 : i1 to i32
    %cond3A = arith.constant 0 : i32
    %cond3A_2 = arith.cmpi ne, %convert_element_type3A, %cond3A : i32
    scf.if %cond3A_2 {
      %get3A_3 = arith.constant 0 : index
      %get3A_4 = arith.constant 0 : index
      %get3A_5 = vector.load %arg3[%get3A_3, %get3A_4] : memref<256x1024xf32, #tpu.memory_space<vmem>>, vector<256x1024xf32>
      %get3A_6 = arith.constant 0 : index
      %get3A_7 = arith.constant 0 : index
      %get3A_8 = arith.constant 0 : index
      %get3A_9 = vector.load %arg5[%get3A_6, %get3A_7, %get3A_8] : memref<1x2048x1024xf32, #tpu.memory_space<vmem>>, vector<1x2048x1024xf32>
      %get3A_10 = vector.shape_cast %get3A_9 : vector<1x2048x1024xf32> to vector<2048x1024xf32>
      %dot_general3A = arith.constant dense<0.000000e+00> : vector<256x2048xf32>
      %dot_general3A_11 = tpu.matmul %get3A_5, %get3A_10, %dot_general3A {dimension_numbers = #tpu.dot_dimension_numbers<[1], [1], [0], [0], [0, 0, 1, 0], [], []>, transpose_lhs_hint = false} : vector<256x1024xf32>, vector<2048x1024xf32>, vector<256x2048xf32> -> vector<256x2048xf32>
      %get3A_12 = arith.constant 0 : index
      %get3A_13 = arith.constant 0 : index
      %get3A_14 = arith.constant 0 : index
      %get3A_15 = vector.load %arg6[%get3A_12, %get3A_13, %get3A_14] : memref<1x2048x1024xf32, #tpu.memory_space<vmem>>, vector<1x2048x1024xf32>
      %get3A_16 = vector.shape_cast %get3A_15 : vector<1x2048x1024xf32> to vector<2048x1024xf32>
      %dot_general3A_17 = arith.constant dense<0.000000e+00> : vector<256x2048xf32>
      %dot_general3A_18 = tpu.matmul %get3A_5, %get3A_16, %dot_general3A_17 {dimension_numbers = #tpu.dot_dimension_numbers<[1], [1], [0], [0], [0, 0, 1, 0], [], []>, transpose_lhs_hint = false} : vector<256x1024xf32>, vector<2048x1024xf32>, vector<256x2048xf32> -> vector<256x2048xf32>
      %get3A_19 = arith.constant 0 : index
      %get3A_20 = arith.constant 0 : index
      %get3A_21 = arith.constant 0 : index
      %get3A_22 = vector.load %arg7[%get3A_19, %get3A_20, %get3A_21] : memref<1x1x4096xf32, #tpu.memory_space<vmem>>, vector<1x1x4096xf32>
      %get3A_23 = vector.shape_cast %get3A_22 : vector<1x1x4096xf32> to vector<1x4096xf32>
      %slice3A = vector.extract_strided_slice %get3A_23 {offsets = [0, 0], sizes = [1, 2048], strides = [1, 1]} : vector<1x4096xf32> to vector<1x2048xf32>
      %add3A = vector.broadcast %slice3A : vector<1x2048xf32> to vector<256x2048xf32>
      %add3A_24 = arith.addf %dot_general3A_11, %add3A : vector<256x2048xf32>
      %get3A_25 = arith.constant 0 : index
      %get3A_26 = arith.constant 0 : index
      %get3A_27 = arith.constant 0 : index
      %get3A_28 = vector.load %arg7[%get3A_25, %get3A_26, %get3A_27] : memref<1x1x4096xf32, #tpu.memory_space<vmem>>, vector<1x1x4096xf32>
      %get3A_29 = vector.shape_cast %get3A_28 : vector<1x1x4096xf32> to vector<1x4096xf32>
      %slice3A_30 = vector.extract_strided_slice %get3A_29 {offsets = [0, 2048], sizes = [1, 2048], strides = [1, 1]} : vector<1x4096xf32> to vector<1x2048xf32>
      %add3A_31 = vector.broadcast %slice3A_30 : vector<1x2048xf32> to vector<256x2048xf32>
      %add3A_32 = arith.addf %dot_general3A_18, %add3A_31 : vector<256x2048xf32>
      %neg3A = arith.constant 0.000000e+00 : f32
      %neg3A_33 = vector.broadcast %neg3A : f32 to vector<256x2048xf32>
      %neg3A_34 = arith.subf %neg3A_33, %add3A_32 : vector<256x2048xf32>
      %exp3A = math.exp %neg3A_34 : vector<256x2048xf32>
      %add3A_35 = arith.constant 1.000000e+00 : f32
      %add3A_36 = vector.broadcast %add3A_35 : f32 to vector<256x2048xf32>
      %add3A_37 = arith.addf %add3A_36, %exp3A : vector<256x2048xf32>
      %div3A = arith.constant 1.000000e+00 : f32
      %div3A_38 = vector.broadcast %div3A : f32 to vector<256x2048xf32>
      %div3A_39 = arith.divf %div3A_38, %add3A_37 : vector<256x2048xf32>
      %mul3A = arith.mulf %add3A_24, %div3A_39 : vector<256x2048xf32>
      %get3A_40 = arith.constant 0 : index
      %get3A_41 = arith.constant 0 : index
      %get3A_42 = vector.load %arg4[%get3A_40, %get3A_41] : memref<256x128xf32, #tpu.memory_space<vmem>>, vector<256x1xf32>
      %get3A_43 = arith.constant 0 : index
      %get3A_44 = arith.constant 0 : index
      %get3A_45 = arith.constant 0 : index
      %get3A_46 = vector.load %arg8[%get3A_43, %get3A_44, %get3A_45] : memref<1x512x2048xf32, #tpu.memory_space<vmem>>, vector<1x512x2048xf32>
      %get3A_47 = vector.shape_cast %get3A_46 : vector<1x512x2048xf32> to vector<512x2048xf32>
      %dot_general3A_48 = arith.constant dense<0.000000e+00> : vector<256x512xf32>
      %dot_general3A_49 = tpu.matmul %mul3A, %get3A_47, %dot_general3A_48 {dimension_numbers = #tpu.dot_dimension_numbers<[1], [1], [0], [0], [0, 0, 1, 0], [], []>, transpose_lhs_hint = false} : vector<256x2048xf32>, vector<512x2048xf32>, vector<256x512xf32> -> vector<256x512xf32>
      %get3A_50 = arith.constant 0 : index
      %get3A_51 = arith.constant 0 : index
      %get3A_52 = arith.constant 0 : index
      %get3A_53 = vector.load %arg10[%get3A_50, %get3A_51, %get3A_52] : memref<1x1x1024xf32, #tpu.memory_space<vmem>>, vector<1x1x1024xf32>
      %get3A_54 = vector.shape_cast %get3A_53 : vector<1x1x1024xf32> to vector<1x1024xf32>
      %slice3A_55 = vector.extract_strided_slice %get3A_54 {offsets = [0, 0], sizes = [1, 512], strides = [1, 1]} : vector<1x1024xf32> to vector<1x512xf32>
      %add3A_56 = vector.broadcast %slice3A_55 : vector<1x512xf32> to vector<256x512xf32>
      %add3A_57 = arith.addf %dot_general3A_49, %add3A_56 : vector<256x512xf32>
      %mul3A_58 = vector.broadcast %get3A_42 : vector<256x1xf32> to vector<256x512xf32>
      %mul3A_59 = arith.mulf %add3A_57, %mul3A_58 : vector<256x512xf32>
      %swap3A = arith.constant 0 : index
      %swap3A_60 = arith.constant 0 : index
      %swap3A_61 = vector.load %arg11[%swap3A, %swap3A_60] : memref<256x1024xf32, #tpu.memory_space<vmem>>, vector<256x512xf32>
      tpu.vector_store %arg11[%swap3A, %swap3A_60], %mul3A_59 {strides = array<i32>} : memref<256x1024xf32, #tpu.memory_space<vmem>>, vector<256x512xf32>,
      %get3A_62 = arith.constant 0 : index
      %get3A_63 = arith.constant 0 : index
      %get3A_64 = arith.constant 0 : index
      %get3A_65 = vector.load %arg9[%get3A_62, %get3A_63, %get3A_64] : memref<1x512x2048xf32, #tpu.memory_space<vmem>>, vector<1x512x2048xf32>
      %get3A_66 = vector.shape_cast %get3A_65 : vector<1x512x2048xf32> to vector<512x2048xf32>
      %dot_general3A_67 = arith.constant dense<0.000000e+00> : vector<256x512xf32>
      %dot_general3A_68 = tpu.matmul %mul3A, %get3A_66, %dot_general3A_67 {dimension_numbers = #tpu.dot_dimension_numbers<[1], [1], [0], [0], [0, 0, 1, 0], [], []>, transpose_lhs_hint = false} : vector<256x2048xf32>, vector<512x2048xf32>, vector<256x512xf32> -> vector<256x512xf32>
      %get3A_69 = arith.constant 0 : index
      %get3A_70 = arith.constant 0 : index
      %get3A_71 = arith.constant 0 : index
      %get3A_72 = vector.load %arg10[%get3A_69, %get3A_70, %get3A_71] : memref<1x1x1024xf32, #tpu.memory_space<vmem>>, vector<1x1x1024xf32>
      %get3A_73 = vector.shape_cast %get3A_72 : vector<1x1x1024xf32> to vector<1x1024xf32>
      %slice3A_74 = vector.extract_strided_slice %get3A_73 {offsets = [0, 512], sizes = [1, 512], strides = [1, 1]} : vector<1x1024xf32> to vector<1x512xf32>
      %add3A_75 = vector.broadcast %slice3A_74 : vector<1x512xf32> to vector<256x512xf32>
      %add3A_76 = arith.addf %dot_general3A_68, %add3A_75 : vector<256x512xf32>
      %mul3A_77 = vector.broadcast %get3A_42 : vector<256x1xf32> to vector<256x512xf32>
      %mul3A_78 = arith.mulf %add3A_76, %mul3A_77 : vector<256x512xf32>
      %swap3A_79 = arith.constant 0 : index
      %swap3A_80 = arith.constant 512 : index
      %swap3A_81 = vector.load %arg11[%swap3A_79, %swap3A_80] : memref<256x1024xf32, #tpu.memory_space<vmem>>, vector<256x512xf32>
      tpu.vector_store %arg11[%swap3A_79, %swap3A_80], %mul3A_78 {strides = array<i32>} : memref<256x1024xf32, #tpu.memory_space<vmem>>, vector<256x512xf32>,
    } else {
    }
    return
  }
  func.func @transform_0(%arg0: i32, %arg1: memref<24xi32, #tpu.memory_space<smem>>, %arg2: memref<24xi32, #tpu.memory_space<smem>>) -> (i32, i32) {
    %c0_i32 = arith.constant 0 : i32
    %c0_i32_0 = arith.constant 0 : i32
    return %arg0, %c0_i32 : i32, i32
  }
  func.func @transform_1(%arg0: i32, %arg1: memref<24xi32, #tpu.memory_space<smem>>, %arg2: memref<24xi32, #tpu.memory_space<smem>>) -> (i32, i32) {
    %c0_i32 = arith.constant 0 : i32
    %c0_i32_0 = arith.constant 0 : i32
    return %arg0, %c0_i32 : i32, i32
  }
  func.func @transform_2(%arg0: i32, %arg1: memref<24xi32, #tpu.memory_space<smem>>, %arg2: memref<24xi32, #tpu.memory_space<smem>>) -> (i32, i32, i32) {
    %get3A = arith.index_cast %arg0 : i32 to index
    %get3A_0 = memref.load %arg1[%get3A] : memref<24xi32, #tpu.memory_space<smem>>
    %c0_i32 = arith.constant 0 : i32
    %c0_i32_1 = arith.constant 0 : i32
    %c0_i32_2 = arith.constant 0 : i32
    return %get3A_0, %c0_i32, %c0_i32_1 : i32, i32, i32
  }
  func.func @transform_3(%arg0: i32, %arg1: memref<24xi32, #tpu.memory_space<smem>>, %arg2: memref<24xi32, #tpu.memory_space<smem>>) -> (i32, i32, i32) {
    %get3A = arith.index_cast %arg0 : i32 to index
    %get3A_0 = memref.load %arg1[%get3A] : memref<24xi32, #tpu.memory_space<smem>>
    %c1_i32 = arith.constant 1 : i32
    %c0_i32 = arith.constant 0 : i32
    %c0_i32_1 = arith.constant 0 : i32
    return %get3A_0, %c1_i32, %c0_i32 : i32, i32, i32
  }
  func.func @transform_4(%arg0: i32, %arg1: memref<24xi32, #tpu.memory_space<smem>>, %arg2: memref<24xi32, #tpu.memory_space<smem>>) -> (i32, i32, i32) {
    %get3A = arith.index_cast %arg0 : i32 to index
    %get3A_0 = memref.load %arg1[%get3A] : memref<24xi32, #tpu.memory_space<smem>>
    %c0_i32 = arith.constant 0 : i32
    %c0_i32_1 = arith.constant 0 : i32
    %c0_i32_2 = arith.constant 0 : i32
    return %get3A_0, %c0_i32, %c0_i32_1 : i32, i32, i32
  }
  func.func @transform_5(%arg0: i32, %arg1: memref<24xi32, #tpu.memory_space<smem>>, %arg2: memref<24xi32, #tpu.memory_space<smem>>) -> (i32, i32, i32) {
    %get3A = arith.index_cast %arg0 : i32 to index
    %get3A_0 = memref.load %arg1[%get3A] : memref<24xi32, #tpu.memory_space<smem>>
    %c0_i32 = arith.constant 0 : i32
    %c0_i32_1 = arith.constant 0 : i32
    %c0_i32_2 = arith.constant 0 : i32
    return %get3A_0, %c0_i32, %c0_i32_1 : i32, i32, i32
  }
  func.func @transform_6(%arg0: i32, %arg1: memref<24xi32, #tpu.memory_space<smem>>, %arg2: memref<24xi32, #tpu.memory_space<smem>>) -> (i32, i32, i32) {
    %get3A = arith.index_cast %arg0 : i32 to index
    %get3A_0 = memref.load %arg1[%get3A] : memref<24xi32, #tpu.memory_space<smem>>
    %c1_i32 = arith.constant 1 : i32
    %c0_i32 = arith.constant 0 : i32
    %c0_i32_1 = arith.constant 0 : i32
    return %get3A_0, %c1_i32, %c0_i32 : i32, i32, i32
  }
  func.func @transform_7(%arg0: i32, %arg1: memref<24xi32, #tpu.memory_space<smem>>, %arg2: memref<24xi32, #tpu.memory_space<smem>>) -> (i32, i32, i32) {
    %get3A = arith.index_cast %arg0 : i32 to index
    %get3A_0 = memref.load %arg1[%get3A] : memref<24xi32, #tpu.memory_space<smem>>
    %c0_i32 = arith.constant 0 : i32
    %c0_i32_1 = arith.constant 0 : i32
    %c0_i32_2 = arith.constant 0 : i32
    return %get3A_0, %c0_i32, %c0_i32_1 : i32, i32, i32
  }
  func.func @transform_8(%arg0: i32, %arg1: memref<24xi32, #tpu.memory_space<smem>>, %arg2: memref<24xi32, #tpu.memory_space<smem>>) -> (i32, i32) {
    %c0_i32 = arith.constant 0 : i32
    %c0_i32_0 = arith.constant 0 : i32
    return %arg0, %c0_i32 : i32, i32
  }
}

</mosaic_0001>

<sc_bundles>
// kernel: kernel.6.cloned.1.call-start
scs
__scs_entry_jumppad:
0x0: {  	(pc) =	sbr.rel $0x88, $3  }
0x1: {  	(tag) =	ssettag $0x0;
	lr =	simm.s32 $0x1  }
0x2: {  	[smem:$0x3F9A] =	sst lr;
	_ =	strace $0xD0000000  }
0x3: {  	_ = 	snop  }
0x4: {  	_ = 	snop  }
0x5: {  	_ = 	snop  }
0x6: {  	_ = 	snop  }
0x7: {  	_ = 	snop  }
__scs_overlays_trampoline_lowered:
0x8: {  	[smem:$0x3FA9] =	sst s0  }
0x9: {  	[smem:$0x3FAA] =	sst s1  }
0xa: {  	[smem:$0x3FAB] =	sst s2  }
0xb: {  	[smem:$0x3FAC] =	sst s3  }
0xc: {  	[smem:$0x3FAD] =	sst s4  }
0xd: {  	[smem:$0x3FAE] =	sst s5  }
0xe: {  	[smem:$0x3FAF] =	sst s6  }
0xf: {  	[smem:$0x3FB0] =	sst s7  }
0x10: {  	[smem:$0x3FB1] =	sst s8  }
0x11: {  	[smem:$0x3FB2] =	sst s9;
	s0 =	simm.s32 @!p0 $0x0  }
0x12: {  	s1 =	sld [smem:$0x3F98];
	s0 =	simm.s32 @p0 $0x1  }
0x13: {  	[smem:$0x3FB3] =	sst s0;
	s0 =	simm.s32 @!p1 $0x0  }
0x14: {  	s2 =	sld [smem:$0x3F97];
	s0 =	simm.s32 @p1 $0x1  }
0x15: {  	[smem:$0x3FB4] =	sst s0;
	s0 =	simm.s32 @!p2 $0x0  }
0x16: {  	s3 =	sld [smem:$0x3FDB];
	s0 =	simm.s32 @p2 $0x1  }
0x17: {  	s4 =	simm.s32 $0x1BF5;
	[smem:$0x3FB6] =	sst s0  }
0x18: {  	s0 =	sld [smem:$0x3F99];
	_ =	swait.ge [sflag:s4], $0x0  }
0x19: {  	s7 =	sld [smem:$0x3F9A]  }
0x1a: {  	s8 =	sadd.s32 $0xFFFFE003, lr  }
0x1b: {  	s9 =	sadd.s32 $0xFFFFFEF7, lr;
	s5 =	simm.s32 $0xFFFFFFFF;
	p2 =	slt.u32 s8, $0xFFFFF086  }
0x1c: {  	p1 =	slt.u32 s9, $0xF7A;
	s5 =	simm.s32 @!p2 $0x0  }
0x1d: {  	s5 =	simm.s32 @p1 $0x1;
	p0 =	seq.s32 s7, s2  }
0x1e: {  	s7 =	smul.u32 @!p0 $0xF7A, s2;
	p2 =	seq.s32 @!p0 s5, $0x0  }
0x1f: {  	s9 =	smul.u32 $0xF7A, s1;
	s8 =	simm.s32 @!p0 $0x1BF5;
	p2 =	por !p2, p0  }
0x20: {  	[sflag:s8] =	ssyncset.s32 @!p0 $0xFFFFF086;
	s6 =	sadd.s32 @!p0 s3, s7;
	s7 =	simm.s32 @!p0 $0x108  }
0x21: {  	s3 =	sadd.s32 s3, s9;
	s6 =	sadd.s32 @!p0 $0x88, s6;
	s7 =	simm.s32 @p2 $0x1082  }
0x22: {  	[simem:s7], [sflag:s8] =	dma.local @!p0 [hbm:s6], $0xF7A  }
0x23: {  	s9 =	sor.u32 $0xD0000000, s2;
	s6 =	simm.s32 $0x108;
	_ =	swait.ge @!p0 [sflag:s8], $0x0  }
0x24: {  	s3 =	sadd.s32 $0x88, s3;
	s6 =	simm.s32 @!p1 $0x1082;
	[sflag:s4] =	ssyncset.s32 $0xFFFFF086  }
0x25: {  	[simem:s6], [sflag:s4] =	dma.local [hbm:s3], $0xF7A  }
0x26: {  	[smem:$0x3F9A] =	sst s1;
	(tag) =	ssettag s2;
	_ =	strace s9  }
0x27: {  	s1 =	sld [smem:$0x3FAA]  }
0x28: {  	s2 =	sld [smem:$0x3FAB]  }
0x29: {  	s4 =	sld [smem:$0x3FAD]  }
0x2a: {  	p0 =	seq.s32 s5, $0x0;
	s5 =	sld [smem:$0x3FAE]  }
0x2b: {  	s6 =	sld [smem:$0x3FAF]  }
0x2c: {  	s7 =	sld [smem:$0x3FB0]  }
0x2d: {  	s3 =	simm.s32 $0x108;
	s8 =	sld [smem:$0x3FB1]  }
0x2e: {  	s3 =	simm.s32 @!p0 $0x1082;
	s9 =	sld [smem:$0x3FB2]  }
0x2f: {  	lr =	sadd.s32 s0, s3;
	s0 =	sld [smem:$0x3FA9]  }
0x30: {  	s3 =	sld [smem:$0x3FAC]  }
0x31: {  	[smem:$0x3FB5] =	sst s10  }
0x32: {  	s10 =	sld [smem:$0x3FB3];
	_ =	sdelay $0x3  }
0x33: {  	p0 =	seq.s32 s10, $0x1;
	s10 =	sld [smem:$0x3FB5];
	_ =	sdelay $0x3  }
0x34: {  	[smem:$0x3FB5] =	sst s10  }
0x35: {  	s10 =	sld [smem:$0x3FB4];
	_ =	sdelay $0x3  }
0x36: {  	p1 =	seq.s32 s10, $0x1;
	s10 =	sld [smem:$0x3FB5];
	_ =	sdelay $0x3  }
0x37: {  	[smem:$0x3FB5] =	sst s10  }
0x38: {  	s10 =	sld [smem:$0x3FB6]  }
0x39: {  	_ = 	snop;
	(pc) =	sbr.ind lr, $3  }
0x3a: {  	_ = 	snop  }
0x3b: {  	_ = 	snop  }
0x3c: {  	p2 =	seq.s32 s10, $0x1;
	s10 =	sld [smem:$0x3FB5]  }
0x3d: {  	_ =	shalt  }
0x3e: {  	_ =	shalt  }
0x3f: {  	_ =	shalt  }
0x40: {  	_ =	shalt  }
0x41: {  	_ =	shalt  }
0x42: {  	_ =	shalt  }
0x43: {  	_ =	shalt  }
0x44: {  	_ =	shalt  }
0x45: {  	_ =	shalt  }
0x46: {  	_ =	shalt  }
0x47: {  	_ =	shalt  }
0x48: {  	_ =	shalt  }
0x49: {  	_ =	shalt  }
0x4a: {  	_ =	shalt  }
0x4b: {  	_ =	shalt  }
0x4c: {  	_ =	shalt  }
0x4d: {  	_ =	shalt  }
0x4e: {  	_ =	shalt  }
0x4f: {  	_ =	shalt  }
0x50: {  	_ =	shalt  }
0x51: {  	_ =	shalt  }
0x52: {  	_ =	shalt  }
0x53: {  	_ =	shalt  }
0x54: {  	_ =	shalt  }
0x55: {  	_ =	shalt  }
0x56: {  	_ =	shalt  }
0x57: {  	_ =	shalt  }
0x58: {  	_ =	shalt  }
0x59: {  	_ =	shalt  }
0x5a: {  	_ =	shalt  }
0x5b: {  	_ =	shalt  }
0x5c: {  	_ =	shalt  }
0x5d: {  	_ =	shalt  }
0x5e: {  	_ =	shalt  }
0x5f: {  	_ =	shalt  }
0x60: {  	_ =	shalt  }
0x61: {  	_ =	shalt  }
0x62: {  	_ =	shalt  }
0x63: {  	_ =	shalt  }
0x64: {  	_ =	shalt  }
0x65: {  	_ =	shalt  }
0x66: {  	_ =	shalt  }
0x67: {  	_ =	shalt  }
0x68: {  	_ =	shalt  }
0x69: {  	_ =	shalt  }
0x6a: {  	_ =	shalt  }
0x6b: {  	_ =	shalt  }
0x6c: {  	_ =	shalt  }
0x6d: {  	_ =	shalt  }
0x6e: {  	_ =	shalt  }
0x6f: {  	_ =	shalt  }
0x70: {  	_ =	shalt  }
0x71: {  	_ =	shalt  }
0x72: {  	_ =	shalt  }
0x73: {  	_ =	shalt  }
0x74: {  	_ =	shalt  }
0x75: {  	_ =	shalt  }
0x76: {  	_ =	shalt  }
0x77: {  	_ =	shalt  }
0x78: {  	_ =	shalt  }
0x79: {  	_ =	shalt  }
0x7a: {  	_ =	shalt  }
0x7b: {  	_ =	shalt  }
0x7c: {  	_ =	shalt  }
0x7d: {  	_ =	shalt  }
0x7e: {  	_ =	shalt  }
0x7f: {  	_ =	shalt  }
0x80: {  	_ =	shalt  }
0x81: {  	_ =	shalt  }
0x82: {  	_ =	shalt  }
0x83: {  	_ =	shalt  }
0x84: {  	_ =	shalt  }
0x85: {  	_ =	shalt  }
0x86: {  	_ =	shalt  }
0x87: {  	_ =	shalt  }
.Lfunc_end0:
.L_simem_size_0:
called_computation_lowered:
.L_overlay_start_0:
0x88: {  	s2 =	sld [smem:$0x3FD9]  }
0x89: {  	s3 =	sld [smem:$0x3FFE];
	_ =	sdelay $0x1  }
0x8a: {  	s1 =	srdreg.scid  }
0x8b: {  	s0 =	sand.u32 $0x1, s1  }
0x8c: {  	s17 =	sshll.u32 s0, $0xA;
	s2 =	sadd.s32 s3, s2  }
0x8d: {  	s2 =	sadd.s32 s2, s17  }
0x8e: {  	[smem:$0x3FC1] =	sst s2  }
0x8f: {  	_ = 	snop  }
0x90: {  	s2 =	sld [smem:$0x3FC9]  }
0x91: {  	s18 =	sld [smem:$0x3FD0];
	(tm) =	ssettm $0x1  }
0x92: {  	s4 =	sld [smem:$0x3FFB];
	_ =	sdelay $0x3  }
0x93: {  	_ =	strace s4  }
0x94: {  	s4 =	sld [smem:$0x3FFC];
	_ =	sdelay $0x3  }
0x95: {  	_ =	strace s4  }
0x96: {  	s4 =	sld [smem:$0x3FFD];
	_ =	sdelay $0x3  }
0x97: {  	_ =	strace s4  }
0x98: {  	_ =	strace $0x8FFFFFFF  }
0x99: {  	s19 =	sld [smem:$0x3FDB];
	_ =	sdelay $0x1  }
0x9a: {  	s5 =	simm.s32 $_scs_section_size  }
0x9b: {  	s6 =	simm.s32 $_size__tile_overlayer_lowered;
	s7 =	simm.s32 $_tile_overlayer_lowered  }
0x9c: {  	s22 =	simm.s32 $0x1BFF;
	s21 =	sshll.u32 s7, $0x1;
	s4 =	sadd.s32 s5, s19  }
0x9d: {  	s8 =	simm.s32 $0x0;
	s20 =	sshll.u32 s6, $0x1;
	s6 =	sadd.s32 s21, s4  }
0x9e: {  	[timem:s8], [sflag:s22] =	dma.local [hbm:s6], s20  }
0x9f: {  	_ =	swait.ge [sflag:s22], s20  }
0xa0: {  	s5 =	ssub.s32 $0x0, s20;
	[sflag:s22] =	ssyncset.done $0x0  }
0xa1: {  	[sflag:s22] =	ssyncadd.s32 s5;
	_ =	sdelay $0x1  }
0xa2: {  	s23 =	simm.s32 $0x1B8B  }
0xa3: {  	_ =	swait.ge [sflag:s23], $0x1  }
0xa4: {  	[sflag:s23] =	ssyncset.done $0x0  }
0xa5: {  	s25 =	simm.s32 $0x1B8E;
	s24 =	sld [smem:$0x3FFE];
	[sflag:s23] =	ssyncadd.s32 $0xFFFFFFFF  }
0xa6: {  	s26 =	simm.s32 $execute0_lowered;
	[smem:$0x3FD2] =	sst s25  }
0xa7: {  	s6 =	sshll.u32 s26, $0x1;
	_ =	strace $0x80000046;
	[dreg:$0x1] =	wrdreg $0xFFFFFFFF  }
0xa8: {  	s28 =	simm.s32 $_size_execute0_lowered;
	s4 =	sadd.s32 s4, s6;
	[dreg:$0x0] =	wrdreg $0x0  }
0xa9: {  	s6 =	sshll.u32 s28, $0x1;
	[dreg:$0x2] =	wrdreg s4  }
0xaa: {  	[dreg:$0x3] =	wrdreg s6  }
0xab: {  	[dreg:$0x4] =	wrdreg $0xC0  }
0xac: {  	_ =	task [dreg:s8], $0x5FFFF  }
0xad: {  	[dreg:$0x1] =	wrdreg $0xFFFFFFFF  }
0xae: {  	[dreg:$0x0] =	wrdreg $0x60  }
0xaf: {  	[dreg:$0x2] =	wrdreg s2  }
0xb0: {  	[dreg:$0x3] =	wrdreg s24  }
0xb1: {  	[dreg:$0x4] =	wrdreg s18  }
0xb2: {  	[dreg:$0x5] =	wrdreg $0x9  }
0xb3: {  	_ =	task.clear_ibuf [dreg:s8], $0x6FFFF;
	_ =	strace $0x90000046  }
0xb4: {  	s29 =	simm.s32 $0x9;
	_ =	strace $0x80000048  }
0xb5: {  	_ =	swait.ge [sflag:s29], $0x1  }
0xb6: {  	[sflag:s29] =	ssyncadd.s32 $0xFFFFFFFF  }
0xb7: {  	_ =	strace $0x90000048  }
0xb8: {  	_ =	sfence  }
0xb9: {  	s30 =	sld [smem:$0x0];
	_ =	sdelay $0x2  }
0xba: {  	s31 =	sshll.u32 s1, $0xD;
	s1 =	sshrl.u32 s1, $0x2  }
0xbb: {  	s3 =	sand.u32 $0x4000, s31;
	s1 =	sadd.s32 s1, s30  }
0xbc: {  	s0 =	sor.u32 s3, s0;
	s1 =	sshll.u32 s1, $0x11  }
0xbd: {  	s0 =	sor.u32 s1, s0  }
0xbe: {  	s0 =	sadd.s32 $0x8F2B, s0  }
0xbf: {  	[sflag:s0] =	ssyncadd.remote.s32 $0x1  }
0xc0: {  	_ =	sfence.sel $0xFFFF  }
0xc1: {  	[dreg:$0x0] =	wrdreg $0xFFFFFFFF;
	(pc) =	sbr.abs _section_cstart, $3  }
0xc2: {  	[dreg:$0x1] =	wrdreg $0xFFFFFFFF  }
0xc3: {  	_ =	task.clear_ibuf [dreg:s8], $0x2FFFF;
	_ =	strace $0x9FFFFFFF  }
0xc4: {  	(tm) =	ssettm $0x7FFFFFFF  }
0xc5: {  	_ =	shalt  }
tec
execute0_lowered:
.L_overlay_start_1:
0x0: {  	(tag) =	ssettag $0x1  }
0x1: {  	s0 =	rddreg [dreg:$0x0];
	s1 =	srdreg.scid  }
0x2: {  	s3 =	stileid.u32;
	s2 =	rddreg [dreg:$0x1]  }
0x3: {  	s14 =	simm.s32 $0x1;
	s15 =	simm.s32 $0x2;
	s25 =	simm.s32 $0x3  }
0x4: {  	s10 =	simm.s32 $0x2000;
	s11 =	simm.s32 $0x2800;
	s12 =	simm.s32 $0x3000  }
0x5: {  	s16 =	simm.s32 $0x3800;
	s17 =	simm.s32 $0x4000;
	s18 =	simm.s32 $0x4800  }
0x6: {  	s19 =	simm.s32 $0x5000;
	s20 =	simm.s32 $0x5800;
	s21 =	simm.s32 $0x6000  }
0x7: {  	s22 =	simm.s32 $0x6800;
	s23 =	simm.s32 $0x7000;
	s24 =	simm.s32 $0x7800  }
0x8: {  	s28 =	simm.s32 $0x8800;
	s1 =	sand.u32 $0x1, s1;
	s3 =	sshll.u32 s3, $0x1  }
0x9: {  	s13 =	simm.s32 $0xA000;
	s31 =	simm.s32 $0xA800;
	s4 =	sor.u32 s1, s3  }
0xa: {  	s3 =	simm.s32 $0x0;
	s1 =	ssub.s32 $0x2, s1;
	s5 =	sshll.u32 s4, $0x4  }
0xb: {  	[smem:$0x7FF] =	sst s3;
	s6 =	sshll.u32 s4, $0xA;
	s4 =	sshll.u32 s4, $0xD  }
0xc: {  	s29 =	sshrl.u32 s1, $0x1;
	s5 =	sadd.s32 s5, s2;
	s0 =	sadd.s32 s0, s4  }
0xd: {  	_ =	strace $0x80000047;
	s7 =	sadd.s32 $0x11A00, s5;
	[dreg:$0x6] =	wrdreg s0  }
0xe: {  	s6 =	sadd.s32 s6, s2;
	s5 =	sadd.s32 $0x11800, s5;
	[dreg:$0x4] =	wrdreg s7  }
0xf: {  	s4 =	sadd.s32 $0x11C00, s2;
	s26 =	sadd.s32 $0x1800, s6;
	[dreg:$0x5] =	wrdreg s5  }
0x10: {  	v2 =	vlaneseq.u32;
	s1 =	ssub.s32 s1, s29;
	s30 =	sadd.s32 $0x9800, s6;
	[dreg:$0x7] =	wrdreg s26  }
0x11: {  	vm0 =	vmmov $0xffff;
	v1 =	vshrl.u32 v2, $0x3;
	s6 =	sadd.s32 $0x11E00, s2;
	s8 =	smax.u32 s1, $0x1;
	[dreg:$0x8] =	wrdreg s30  }
0x12: {  	v0 =	vand.u32 $0x7, v2;
	v2 =	vor.u32 $0x8, v2;
	v1 =	vmul.u32 $0x8, v1;
	s5 =	sadd.s32 $0x11D00, s2;
	s7 =	sadd.s32 $0x11F00, s2;
	s26 =	simm.s32 $0x8000  }
.LBB2_1:
0x13: {  	s29 =	rddreg [dreg:$0x4];
	s0 =	simm.s32 $0x14000  }
0x14: {  	[tilespmem:s0], [sflag:$0x1] =	stream.linear.gather [hbm4b:s29+s3], $0x80, $0x38;
	[tilespmem:$0x14100] =	vst v63  }
0x15: {  	s30 =	rddreg [dreg:$0x5];
	s9 =	simm.s32 $0x14080  }
0x16: {  	[tilespmem:s9], [sflag:$0x2] =	stream.linear.gather [hbm4b:s30+s3], $0x80, $0x38;
	[tilespmem:$0x14100] =	vst v63  }
0x17: {  	s2 =	rddreg [dreg:$0x6]  }
0x18: {  	[tilespmem:s3], [sflag:$0x3] =	stream.linear.gather [hbm4b:s2+s3], $0x10000, $0x38;
	[tilespmem:$0x14100] =	vst v63  }
0x19: {  	s1 =	rddreg [dreg:$0x7];
	s9 =	simm.s32 $0x10000  }
0x1a: {  	[tilespmem:s9], [sflag:$0x4] =	stream.linear.gather [hbm4b:s1+s3], $0x2000, $0x38;
	[tilespmem:$0x14100] =	vst v63  }
0x1b: {  	s30 =	simm.s32 $0x12000;
	s2 =	rddreg [dreg:$0x8]  }
0x1c: {  	[tilespmem:s30], [sflag:$0x5] =	stream.linear.gather [hbm4b:s2+s3], $0x2000, $0x38;
	[tilespmem:$0x14100] =	vst v63  }
0x1d: {  	_ =	swait.ge [sflag:s14], $0x80  }
0x1e: {  	[sflag:s14] =	ssyncset.done $0x0  }
0x1f: {  	[sflag:s14] =	ssyncadd.s32 $0xFFFFFF80  }
0x20: {  	_ =	swait.ge [sflag:s15], $0x80  }
0x21: {  	[sflag:s15] =	ssyncset.done $0x0  }
0x22: {  	[sflag:s15] =	ssyncadd.s32 $0xFFFFFF80  }
0x23: {  	_ =	swait.ge [sflag:s25], $0x10000  }
0x24: {  	[sflag:s25] =	ssyncset.done $0x0  }
0x25: {  	[sflag:s25] =	ssyncadd.s32 $0xFFFF0000  }
0x26: {  	v3 =	vld [tilespmem:$0x14000];
	_ =	sdelay $0x4  }
0x27: {  	v4 =	vshll.u32 v3, $0x3  }
0x28: {  	v3 =	vand.u32 $0x7, v3;
	v4 =	vand.u32 $0xFFFFFFC0, v4  }
0x29: {  	v3 =	vor.u32 v3, v4  }
0x2a: {  	v4 =	vperm.xlane v3, v0;
	_ =	sdelay $0x1  }
0x2b: {  	v4 =	vadd.s32 v1, v4;
	_ =	sdelay $0x4  }
0x2c: {  	[hbm4b:s4+s3] =	stream.indirect_vreg.scatter [tilespmem:s3], [sflag:$0x1], $0x80, v4, vm0, $0xb8;
	[tilespmem:$0x14100] =	vst v63  }
0x2d: {  	s29 =	simm.s32 $0x800;
	v3 =	vperm.xlane v3, v2  }
0x2e: {  	[hbm4b:s5+s3] =	stream.indirect_vreg.scatter [tilespmem:s29], [sflag:$0x1], $0x80, v4, vm0, $0xb8;
	[tilespmem:$0x14100] =	vst v63  }
0x2f: {  	s2 =	simm.s32 $0x1000;
	v3 =	vadd.s32 v1, v3  }
0x30: {  	[hbm4b:s6+s3] =	stream.indirect_vreg.scatter [tilespmem:s2], [sflag:$0x1], $0x80, v4, vm0, $0xb8;
	[tilespmem:$0x14100] =	vst v63  }
0x31: {  	s9 =	simm.s32 $0x1800  }
0x32: {  	[hbm4b:s7+s3] =	stream.indirect_vreg.scatter [tilespmem:s9], [sflag:$0x1], $0x80, v4, vm0, $0xb8;
	[tilespmem:$0x14100] =	vst v63  }
0x33: {  	_ = 	snop  }
0x34: {  	[hbm4b:s4+s3] =	stream.indirect_vreg.scatter [tilespmem:s10], [sflag:$0x1], $0x80, v3, vm0, $0xb8;
	[tilespmem:$0x14100] =	vst v63  }
0x35: {  	_ = 	snop  }
0x36: {  	[hbm4b:s5+s3] =	stream.indirect_vreg.scatter [tilespmem:s11], [sflag:$0x1], $0x80, v3, vm0, $0xb8;
	[tilespmem:$0x14100] =	vst v63  }
0x37: {  	_ = 	snop  }
0x38: {  	[hbm4b:s6+s3] =	stream.indirect_vreg.scatter [tilespmem:s12], [sflag:$0x1], $0x80, v3, vm0, $0xb8;
	[tilespmem:$0x14100] =	vst v63  }
0x39: {  	_ = 	snop  }
0x3a: {  	[hbm4b:s7+s3] =	stream.indirect_vreg.scatter [tilespmem:s16], [sflag:$0x1], $0x80, v3, vm0, $0xb8;
	[tilespmem:$0x14100] =	vst v63  }
0x3b: {  	v3 =	vld [tilespmem:$0x14010];
	_ =	sdelay $0x4  }
0x3c: {  	v57 =	vshll.u32 v3, $0x3  }
0x3d: {  	v3 =	vand.u32 $0x7, v3;
	v4 =	vand.u32 $0xFFFFFFC0, v57  }
0x3e: {  	v3 =	vor.u32 v3, v4  }
0x3f: {  	v4 =	vperm.xlane v3, v0;
	_ =	sdelay $0x1  }
0x40: {  	v4 =	vadd.s32 v1, v4;
	_ =	sdelay $0x4  }
0x41: {  	[hbm4b:s4+s3] =	stream.indirect_vreg.scatter [tilespmem:s17], [sflag:$0x1], $0x80, v4, vm0, $0xb8;
	[tilespmem:$0x14100] =	vst v63  }
0x42: {  	v3 =	vperm.xlane v3, v2  }
0x43: {  	[hbm4b:s5+s3] =	stream.indirect_vreg.scatter [tilespmem:s18], [sflag:$0x1], $0x80, v4, vm0, $0xb8;
	[tilespmem:$0x14100] =	vst v63  }
0x44: {  	v3 =	vadd.s32 v1, v3  }
0x45: {  	[hbm4b:s6+s3] =	stream.indirect_vreg.scatter [tilespmem:s19], [sflag:$0x1], $0x80, v4, vm0, $0xb8;
	[tilespmem:$0x14100] =	vst v63  }
0x46: {  	_ = 	snop  }
0x47: {  	[hbm4b:s7+s3] =	stream.indirect_vreg.scatter [tilespmem:s20], [sflag:$0x1], $0x80, v4, vm0, $0xb8;
	[tilespmem:$0x14100] =	vst v63  }
0x48: {  	_ = 	snop  }
0x49: {  	[hbm4b:s4+s3] =	stream.indirect_vreg.scatter [tilespmem:s21], [sflag:$0x1], $0x80, v3, vm0, $0xb8;
	[tilespmem:$0x14100] =	vst v63  }
0x4a: {  	_ = 	snop  }
0x4b: {  	[hbm4b:s5+s3] =	stream.indirect_vreg.scatter [tilespmem:s22], [sflag:$0x1], $0x80, v3, vm0, $0xb8;
	[tilespmem:$0x14100] =	vst v63  }
0x4c: {  	_ = 	snop  }
0x4d: {  	[hbm4b:s6+s3] =	stream.indirect_vreg.scatter [tilespmem:s23], [sflag:$0x1], $0x80, v3, vm0, $0xb8;
	[tilespmem:$0x14100] =	vst v63  }
0x4e: {  	_ = 	snop  }
0x4f: {  	[hbm4b:s7+s3] =	stream.indirect_vreg.scatter [tilespmem:s24], [sflag:$0x1], $0x80, v3, vm0, $0xb8;
	[tilespmem:$0x14100] =	vst v63  }
0x50: {  	v3 =	vld [tilespmem:$0x14020];
	_ =	sdelay $0x4  }
0x51: {  	v58 =	vshll.u32 v3, $0x3  }
0x52: {  	v3 =	vand.u32 $0x7, v3;
	v4 =	vand.u32 $0xFFFFFFC0, v58  }
0x53: {  	v3 =	vor.u32 v3, v4  }
0x54: {  	v4 =	vperm.xlane v3, v0;
	_ =	sdelay $0x1  }
0x55: {  	v4 =	vadd.s32 v1, v4;
	_ =	sdelay $0x4  }
0x56: {  	[hbm4b:s4+s3] =	stream.indirect_vreg.scatter [tilespmem:s26], [sflag:$0x1], $0x80, v4, vm0, $0xb8;
	[tilespmem:$0x14100] =	vst v63  }
0x57: {  	v3 =	vperm.xlane v3, v2  }
0x58: {  	[hbm4b:s5+s3] =	stream.indirect_vreg.scatter [tilespmem:s28], [sflag:$0x1], $0x80, v4, vm0, $0xb8;
	[tilespmem:$0x14100] =	vst v63  }
0x59: {  	s1 =	simm.s32 $0x9000;
	v3 =	vadd.s32 v1, v3  }
0x5a: {  	[hbm4b:s6+s3] =	stream.indirect_vreg.scatter [tilespmem:s1], [sflag:$0x1], $0x80, v4, vm0, $0xb8;
	[tilespmem:$0x14100] =	vst v63  }
0x5b: {  	s1 =	simm.s32 $0x9800  }
0x5c: {  	[hbm4b:s7+s3] =	stream.indirect_vreg.scatter [tilespmem:s1], [sflag:$0x1], $0x80, v4, vm0, $0xb8;
	[tilespmem:$0x14100] =	vst v63  }
0x5d: {  	_ = 	snop  }
0x5e: {  	[hbm4b:s4+s3] =	stream.indirect_vreg.scatter [tilespmem:s13], [sflag:$0x1], $0x80, v3, vm0, $0xb8;
	[tilespmem:$0x14100] =	vst v63  }
0x5f: {  	_ = 	snop  }
0x60: {  	[hbm4b:s5+s3] =	stream.indirect_vreg.scatter [tilespmem:s31], [sflag:$0x1], $0x80, v3, vm0, $0xb8;
	[tilespmem:$0x14100] =	vst v63  }
0x61: {  	s30 =	simm.s32 $0xB000  }
0x62: {  	[hbm4b:s6+s3] =	stream.indirect_vreg.scatter [tilespmem:s30], [sflag:$0x1], $0x80, v3, vm0, $0xb8;
	[tilespmem:$0x14100] =	vst v63  }
0x63: {  	s0 =	simm.s32 $0xB800  }
0x64: {  	[hbm4b:s7+s3] =	stream.indirect_vreg.scatter [tilespmem:s0], [sflag:$0x1], $0x80, v3, vm0, $0xb8;
	[tilespmem:$0x14100] =	vst v63  }
0x65: {  	v3 =	vld [tilespmem:$0x14030];
	_ =	sdelay $0x4  }
0x66: {  	v59 =	vshll.u32 v3, $0x3  }
0x67: {  	v3 =	vand.u32 $0x7, v3;
	v4 =	vand.u32 $0xFFFFFFC0, v59  }
0x68: {  	v3 =	vor.u32 v3, v4  }
0x69: {  	v4 =	vperm.xlane v3, v0;
	_ =	sdelay $0x1  }
0x6a: {  	v4 =	vadd.s32 v1, v4;
	_ =	sdelay $0x3  }
0x6b: {  	s0 =	simm.s32 $0xC000  }
0x6c: {  	[hbm4b:s4+s3] =	stream.indirect_vreg.scatter [tilespmem:s0], [sflag:$0x1], $0x80, v4, vm0, $0xb8;
	[tilespmem:$0x14100] =	vst v63  }
0x6d: {  	v3 =	vperm.xlane v3, v2;
	s0 =	simm.s32 $0xC800  }
0x6e: {  	[hbm4b:s5+s3] =	stream.indirect_vreg.scatter [tilespmem:s0], [sflag:$0x1], $0x80, v4, vm0, $0xb8;
	[tilespmem:$0x14100] =	vst v63  }
0x6f: {  	v3 =	vadd.s32 v1, v3;
	s0 =	simm.s32 $0xD000  }
0x70: {  	[hbm4b:s6+s3] =	stream.indirect_vreg.scatter [tilespmem:s0], [sflag:$0x1], $0x80, v4, vm0, $0xb8;
	[tilespmem:$0x14100] =	vst v63  }
0x71: {  	s0 =	simm.s32 $0xD800  }
0x72: {  	[hbm4b:s7+s3] =	stream.indirect_vreg.scatter [tilespmem:s0], [sflag:$0x1], $0x80, v4, vm0, $0xb8;
	[tilespmem:$0x14100] =	vst v63  }
0x73: {  	s0 =	simm.s32 $0xE000  }
0x74: {  	[hbm4b:s4+s3] =	stream.indirect_vreg.scatter [tilespmem:s0], [sflag:$0x1], $0x80, v3, vm0, $0xb8;
	[tilespmem:$0x14100] =	vst v63  }
0x75: {  	s0 =	simm.s32 $0xE800  }
0x76: {  	[hbm4b:s5+s3] =	stream.indirect_vreg.scatter [tilespmem:s0], [sflag:$0x1], $0x80, v3, vm0, $0xb8;
	[tilespmem:$0x14100] =	vst v63  }
0x77: {  	s0 =	simm.s32 $0xF000  }
0x78: {  	[hbm4b:s6+s3] =	stream.indirect_vreg.scatter [tilespmem:s0], [sflag:$0x1], $0x80, v3, vm0, $0xb8;
	[tilespmem:$0x14100] =	vst v63  }
0x79: {  	s0 =	simm.s32 $0xF800  }
0x7a: {  	[hbm4b:s7+s3] =	stream.indirect_vreg.scatter [tilespmem:s0], [sflag:$0x1], $0x80, v3, vm0, $0xb8;
	[tilespmem:$0x14100] =	vst v63  }
0x7b: {  	v3 =	vld [tilespmem:$0x14080];
	_ =	sdelay $0x4  }
0x7c: {  	v60 =	vshll.u32 v3, $0x3  }
0x7d: {  	v3 =	vand.u32 $0x7, v3;
	v4 =	vand.u32 $0xFFFFFFC0, v60  }
0x7e: {  	v3 =	vor.u32 v3, v4  }
0x7f: {  	v4 =	vperm.xlane v3, v0;
	_ =	sdelay $0x1  }
0x80: {  	v4 =	vadd.s32 v1, v4;
	_ =	sdelay $0x4  }
0x81: {  	[hbm4b:s4+s3] =	stream.indirect_vreg.scatter [tilespmem:s3], [sflag:$0x2], $0x80, v4, vm0, $0xb8;
	[tilespmem:$0x14100] =	vst v63  }
0x82: {  	v3 =	vperm.xlane v3, v2  }
0x83: {  	[hbm4b:s5+s3] =	stream.indirect_vreg.scatter [tilespmem:s29], [sflag:$0x2], $0x80, v4, vm0, $0xb8;
	[tilespmem:$0x14100] =	vst v63  }
0x84: {  	v3 =	vadd.s32 v1, v3  }
0x85: {  	[hbm4b:s6+s3] =	stream.indirect_vreg.scatter [tilespmem:s2], [sflag:$0x2], $0x80, v4, vm0, $0xb8;
	[tilespmem:$0x14100] =	vst v63  }
0x86: {  	_ = 	snop  }
0x87: {  	[hbm4b:s7+s3] =	stream.indirect_vreg.scatter [tilespmem:s9], [sflag:$0x2], $0x80, v4, vm0, $0xb8;
	[tilespmem:$0x14100] =	vst v63  }
0x88: {  	_ = 	snop  }
0x89: {  	[hbm4b:s4+s3] =	stream.indirect_vreg.scatter [tilespmem:s10], [sflag:$0x2], $0x80, v3, vm0, $0xb8;
	[tilespmem:$0x14100] =	vst v63  }
0x8a: {  	_ = 	snop  }
0x8b: {  	[hbm4b:s5+s3] =	stream.indirect_vreg.scatter [tilespmem:s11], [sflag:$0x2], $0x80, v3, vm0, $0xb8;
	[tilespmem:$0x14100] =	vst v63  }
0x8c: {  	_ = 	snop  }
0x8d: {  	[hbm4b:s6+s3] =	stream.indirect_vreg.scatter [tilespmem:s12], [sflag:$0x2], $0x80, v3, vm0, $0xb8;
	[tilespmem:$0x14100] =	vst v63  }
0x8e: {  	_ = 	snop  }
0x8f: {  	[hbm4b:s7+s3] =	stream.indirect_vreg.scatter [tilespmem:s16], [sflag:$0x2], $0x80, v3, vm0, $0xb8;
	[tilespmem:$0x14100] =	vst v63  }
0x90: {  	v3 =	vld [tilespmem:$0x14090];
	_ =	sdelay $0x4  }
0x91: {  	v61 =	vshll.u32 v3, $0x3  }
0x92: {  	v3 =	vand.u32 $0x7, v3;
	v4 =	vand.u32 $0xFFFFFFC0, v61  }
0x93: {  	v3 =	vor.u32 v3, v4  }
0x94: {  	v4 =	vperm.xlane v3, v0;
	_ =	sdelay $0x1  }
0x95: {  	v4 =	vadd.s32 v1, v4;
	_ =	sdelay $0x4  }
0x96: {  	[hbm4b:s4+s3] =	stream.indirect_vreg.scatter [tilespmem:s17], [sflag:$0x2], $0x80, v4, vm0, $0xb8;
	[tilespmem:$0x14100] =	vst v63  }
0x97: {  	v3 =	vperm.xlane v3, v2  }
0x98: {  	[hbm4b:s5+s3] =	stream.indirect_vreg.scatter [tilespmem:s18], [sflag:$0x2], $0x80, v4, vm0, $0xb8;
	[tilespmem:$0x14100] =	vst v63  }
0x99: {  	v3 =	vadd.s32 v1, v3  }
0x9a: {  	[hbm4b:s6+s3] =	stream.indirect_vreg.scatter [tilespmem:s19], [sflag:$0x2], $0x80, v4, vm0, $0xb8;
	[tilespmem:$0x14100] =	vst v63  }
0x9b: {  	_ = 	snop  }
0x9c: {  	[hbm4b:s7+s3] =	stream.indirect_vreg.scatter [tilespmem:s20], [sflag:$0x2], $0x80, v4, vm0, $0xb8;
	[tilespmem:$0x14100] =	vst v63  }
0x9d: {  	_ = 	snop  }
0x9e: {  	[hbm4b:s4+s3] =	stream.indirect_vreg.scatter [tilespmem:s21], [sflag:$0x2], $0x80, v3, vm0, $0xb8;
	[tilespmem:$0x14100] =	vst v63  }
0x9f: {  	_ = 	snop  }
0xa0: {  	[hbm4b:s5+s3] =	stream.indirect_vreg.scatter [tilespmem:s22], [sflag:$0x2], $0x80, v3, vm0, $0xb8;
	[tilespmem:$0x14100] =	vst v63  }
0xa1: {  	_ = 	snop  }
0xa2: {  	[hbm4b:s6+s3] =	stream.indirect_vreg.scatter [tilespmem:s23], [sflag:$0x2], $0x80, v3, vm0, $0xb8;
	[tilespmem:$0x14100] =	vst v63  }
0xa3: {  	_ = 	snop  }
0xa4: {  	[hbm4b:s7+s3] =	stream.indirect_vreg.scatter [tilespmem:s24], [sflag:$0x2], $0x80, v3, vm0, $0xb8;
	[tilespmem:$0x14100] =	vst v63  }
0xa5: {  	v3 =	vld [tilespmem:$0x140A0];
	_ =	sdelay $0x4  }
0xa6: {  	v62 =	vshll.u32 v3, $0x3  }
0xa7: {  	v3 =	vand.u32 $0x7, v3;
	v4 =	vand.u32 $0xFFFFFFC0, v62  }
0xa8: {  	v3 =	vor.u32 v3, v4  }
0xa9: {  	v4 =	vperm.xlane v3, v0;
	_ =	sdelay $0x1  }
0xaa: {  	v4 =	vadd.s32 v1, v4;
	_ =	sdelay $0x4  }
0xab: {  	[hbm4b:s4+s3] =	stream.indirect_vreg.scatter [tilespmem:s26], [sflag:$0x2], $0x80, v4, vm0, $0xb8;
	[tilespmem:$0x14100] =	vst v63  }
0xac: {  	v3 =	vperm.xlane v3, v2  }
0xad: {  	[hbm4b:s5+s3] =	stream.indirect_vreg.scatter [tilespmem:s28], [sflag:$0x2], $0x80, v4, vm0, $0xb8;
	[tilespmem:$0x14100] =	vst v63  }
0xae: {  	s9 =	simm.s32 $0x9000;
	v3 =	vadd.s32 v1, v3  }
0xaf: {  	[hbm4b:s6+s3] =	stream.indirect_vreg.scatter [tilespmem:s9], [sflag:$0x2], $0x80, v4, vm0, $0xb8;
	[tilespmem:$0x14100] =	vst v63  }
0xb0: {  	_ = 	snop  }
0xb1: {  	[hbm4b:s7+s3] =	stream.indirect_vreg.scatter [tilespmem:s1], [sflag:$0x2], $0x80, v4, vm0, $0xb8;
	[tilespmem:$0x14100] =	vst v63  }
0xb2: {  	_ = 	snop  }
0xb3: {  	[hbm4b:s4+s3] =	stream.indirect_vreg.scatter [tilespmem:s13], [sflag:$0x2], $0x80, v3, vm0, $0xb8;
	[tilespmem:$0x14100] =	vst v63  }
0xb4: {  	_ = 	snop  }
0xb5: {  	[hbm4b:s5+s3] =	stream.indirect_vreg.scatter [tilespmem:s31], [sflag:$0x2], $0x80, v3, vm0, $0xb8;
	[tilespmem:$0x14100] =	vst v63  }
0xb6: {  	_ = 	snop  }
0xb7: {  	[hbm4b:s6+s3] =	stream.indirect_vreg.scatter [tilespmem:s30], [sflag:$0x2], $0x80, v3, vm0, $0xb8;
	[tilespmem:$0x14100] =	vst v63  }
0xb8: {  	s29 =	simm.s32 $0xB800  }
0xb9: {  	[hbm4b:s7+s3] =	stream.indirect_vreg.scatter [tilespmem:s29], [sflag:$0x2], $0x80, v3, vm0, $0xb8;
	[tilespmem:$0x14100] =	vst v63  }
0xba: {  	v3 =	vld [tilespmem:$0x140B0];
	_ =	sdelay $0x4  }
0xbb: {  	v63 =	vshll.u32 v3, $0x3  }
0xbc: {  	v3 =	vand.u32 $0x7, v3;
	v4 =	vand.u32 $0xFFFFFFC0, v63  }
0xbd: {  	v3 =	vor.u32 v3, v4  }
0xbe: {  	v4 =	vperm.xlane v3, v0;
	_ =	sdelay $0x1  }
0xbf: {  	v4 =	vadd.s32 v1, v4;
	_ =	sdelay $0x3  }
0xc0: {  	s30 =	simm.s32 $0xC000  }
0xc1: {  	[hbm4b:s4+s3] =	stream.indirect_vreg.scatter [tilespmem:s30], [sflag:$0x2], $0x80, v4, vm0, $0xb8;
	[tilespmem:$0x14100] =	vst v63  }
0xc2: {  	s1 =	simm.s32 $0xC800;
	v3 =	vperm.xlane v3, v2  }
0xc3: {  	[hbm4b:s5+s3] =	stream.indirect_vreg.scatter [tilespmem:s1], [sflag:$0x2], $0x80, v4, vm0, $0xb8;
	[tilespmem:$0x14100] =	vst v63  }
0xc4: {  	s2 =	simm.s32 $0xD000;
	v3 =	vadd.s32 v1, v3  }
0xc5: {  	[hbm4b:s6+s3] =	stream.indirect_vreg.scatter [tilespmem:s2], [sflag:$0x2], $0x80, v4, vm0, $0xb8;
	[tilespmem:$0x14100] =	vst v63  }
0xc6: {  	s9 =	simm.s32 $0xD800  }
0xc7: {  	[hbm4b:s7+s3] =	stream.indirect_vreg.scatter [tilespmem:s9], [sflag:$0x2], $0x80, v4, vm0, $0xb8;
	[tilespmem:$0x14100] =	vst v63  }
0xc8: {  	s29 =	simm.s32 $0xE000  }
0xc9: {  	[hbm4b:s4+s3] =	stream.indirect_vreg.scatter [tilespmem:s29], [sflag:$0x2], $0x80, v3, vm0, $0xb8;
	[tilespmem:$0x14100] =	vst v63  }
0xca: {  	s30 =	simm.s32 $0xE800  }
0xcb: {  	[hbm4b:s5+s3] =	stream.indirect_vreg.scatter [tilespmem:s30], [sflag:$0x2], $0x80, v3, vm0, $0xb8;
	[tilespmem:$0x14100] =	vst v63  }
0xcc: {  	s1 =	simm.s32 $0xF000  }
0xcd: {  	[hbm4b:s6+s3] =	stream.indirect_vreg.scatter [tilespmem:s1], [sflag:$0x2], $0x80, v3, vm0, $0xb8;
	[tilespmem:$0x14100] =	vst v63  }
0xce: {  	s0 =	simm.s32 $0x4;
	s2 =	simm.s32 $0xF800  }
0xcf: {  	[hbm4b:s7+s3] =	stream.indirect_vreg.scatter [tilespmem:s2], [sflag:$0x2], $0x80, v3, vm0, $0xb8;
	[tilespmem:$0x14100] =	vst v63  }
0xd0: {  	_ =	swait.ge [sflag:s0], $0x2000  }
0xd1: {  	[sflag:s0] =	ssyncset.done $0x0  }
0xd2: {  	s9 =	simm.s32 $0x14000;
	[sflag:s0] =	ssyncadd.s32 $0xFFFFE000  }
0xd3: {  	s30 =	simm.s32 $0x10000;
	s1 =	simm.s32 $0x40;
	s29 =	rddreg [dreg:$0x2]  }
0xd4: {  	[hbm4b:s29+s1] =	stream.indirect.scatter [tilespmem:s30], [sflag:$0x3], $0x80, s9, s1, $0xb8;
	[tilespmem:$0x14100] =	vst v63  }
0xd5: {  	s30 =	simm.s32 $0x5  }
0xd6: {  	_ =	swait.ge [sflag:s30], $0x2000  }
0xd7: {  	[sflag:s30] =	ssyncset.done $0x0  }
0xd8: {  	s9 =	simm.s32 $0x14080;
	[sflag:s30] =	ssyncadd.s32 $0xFFFFE000;
	s30 =	simm.s32 $0x12000  }
0xd9: {  	[hbm4b:s29+s1] =	stream.indirect.scatter [tilespmem:s30], [sflag:$0x4], $0x80, s9, s1, $0xb8;
	[tilespmem:$0x14100] =	vst v63  }
0xda: {  	_ =	swait.ge [sflag:s14], $0x10000  }
0xdb: {  	[sflag:s14] =	ssyncset.done $0x0  }
0xdc: {  	[sflag:s14] =	ssyncadd.s32 $0xFFFF0000  }
0xdd: {  	_ =	swait.ge [sflag:s15], $0x10000  }
0xde: {  	[sflag:s15] =	ssyncset.done $0x0  }
0xdf: {  	[sflag:s15] =	ssyncadd.s32 $0xFFFF0000  }
0xe0: {  	p0 =	sne.s32 s8, $0x1;
	_ =	swait.ge [sflag:s25], $0x2000  }
.Ltmp0:
0xe1: {  	[sflag:s25] =	ssyncset.done $0x0;
	(pc) =	sbr.rel @p0 .LBB2_1-.Ltmp0, $4  }
0xe2: {  	[sflag:s25] =	ssyncadd.s32 $0xFFFFE000  }
0xe3: {  	_ =	swait.ge [sflag:s0], $0x2000  }
0xe4: {  	[sflag:s0] =	ssyncset.done $0x0  }
0xe5: {  	s8 =	sadd.s32 $0xFFFFFFFF, s8;
	[sflag:s0] =	ssyncadd.s32 $0xFFFFE000  }
0xe6: {  	_ =	sfence.sel $0x180000  }
0xe7: {  	[bflag:$0x0] =	sbarrier.arrive $0xFFFF  }
0xe8: {  	_ =	strace $0x90000047  }
0xe9: {  	s0 =	stileid.u32;
	[bflag:$0x2] =	sbarrier.arrive $0xFFFF  }
0xea: {  	p0 =	sne.s32 s0, $0x0;
	s0 =	rddreg [dreg:$0x3]  }
0xeb: {  	s0 =	sadd.s32 @!p0 $0x100000, s0  }
0xec: {  	[sflag:s0] =	ssyncadd.tile.s32 @!p0 $0x1;
	_ =	shalt  }
.Lfunc_end2:
_tile_overlayer_lowered:
.L_overlay_start_2:
0xed: {  	(tag) =	ssettag $0x2  }
0xee: {  	s0 =	rddreg [dreg:$0x0];
	s2 =	stileid.u32  }
0xef: {  	s1 =	rddreg [dreg:$0x1];
	p0 =	sne.s32 s2, $0x0  }
0xf0: {  	s3 =	rddreg [dreg:$0x2];
	[bflag:$0x3] =	sbarrier.arrive $0xFFFF;
	s2 =	simm.s32 @!p0 $0x1C06  }
0xf1: {  	[timem:s3], [sflag:s2] =	dma.local @!p0 [hbm:s0], s1  }
0xf2: {  	s0 =	simm.s32 @!p0 $0x6  }
0xf3: {  	_ =	swait.ge @!p0 [sflag:s0], s1  }
0xf4: {  	s1 =	ssub.s32 @!p0 $0x0, s1;
	[sflag:s0] =	ssyncset.done @!p0 $0x0  }
0xf5: {  	[sflag:s0] =	ssyncadd.s32 @!p0 s1  }
0xf6: {  	[bflag:$0x3] =	sbarrier.arrive $0xFFFF  }
0xf7: {  	_ =	shalt  }

// kernel: kernel.9.cloned.1.call-start
scs
__scs_entry_jumppad:
0x0: {  	(pc) =	sbr.rel $0x88, $3  }
0x1: {  	(tag) =	ssettag $0x0;
	lr =	simm.s32 $0x1  }
0x2: {  	[smem:$0x3F9A] =	sst lr;
	_ =	strace $0xD0000000  }
0x3: {  	_ = 	snop  }
0x4: {  	_ = 	snop  }
0x5: {  	_ = 	snop  }
0x6: {  	_ = 	snop  }
0x7: {  	_ = 	snop  }
__scs_overlays_trampoline_lowered:
0x8: {  	[smem:$0x3FA9] =	sst s0  }
0x9: {  	[smem:$0x3FAA] =	sst s1  }
0xa: {  	[smem:$0x3FAB] =	sst s2  }
0xb: {  	[smem:$0x3FAC] =	sst s3  }
0xc: {  	[smem:$0x3FAD] =	sst s4  }
0xd: {  	[smem:$0x3FAE] =	sst s5  }
0xe: {  	[smem:$0x3FAF] =	sst s6  }
0xf: {  	[smem:$0x3FB0] =	sst s7  }
0x10: {  	[smem:$0x3FB1] =	sst s8  }
0x11: {  	[smem:$0x3FB2] =	sst s9;
	s0 =	simm.s32 @!p0 $0x0  }
0x12: {  	s1 =	sld [smem:$0x3F98];
	s0 =	simm.s32 @p0 $0x1  }
0x13: {  	[smem:$0x3FB3] =	sst s0;
	s0 =	simm.s32 @!p1 $0x0  }
0x14: {  	s2 =	sld [smem:$0x3F97];
	s0 =	simm.s32 @p1 $0x1  }
0x15: {  	[smem:$0x3FB4] =	sst s0;
	s0 =	simm.s32 @!p2 $0x0  }
0x16: {  	s3 =	sld [smem:$0x3FDB];
	s0 =	simm.s32 @p2 $0x1  }
0x17: {  	s4 =	simm.s32 $0x1BF5;
	[smem:$0x3FB6] =	sst s0  }
0x18: {  	s0 =	sld [smem:$0x3F99];
	_ =	swait.ge [sflag:s4], $0x0  }
0x19: {  	s7 =	sld [smem:$0x3F9A]  }
0x1a: {  	s8 =	sadd.s32 $0xFFFFE003, lr  }
0x1b: {  	s9 =	sadd.s32 $0xFFFFFEF7, lr;
	s5 =	simm.s32 $0xFFFFFFFF;
	p2 =	slt.u32 s8, $0xFFFFF086  }
0x1c: {  	p1 =	slt.u32 s9, $0xF7A;
	s5 =	simm.s32 @!p2 $0x0  }
0x1d: {  	s5 =	simm.s32 @p1 $0x1;
	p0 =	seq.s32 s7, s2  }
0x1e: {  	s7 =	smul.u32 @!p0 $0xF7A, s2;
	p2 =	seq.s32 @!p0 s5, $0x0  }
0x1f: {  	s9 =	smul.u32 $0xF7A, s1;
	s8 =	simm.s32 @!p0 $0x1BF5;
	p2 =	por !p2, p0  }
0x20: {  	[sflag:s8] =	ssyncset.s32 @!p0 $0xFFFFF086;
	s6 =	sadd.s32 @!p0 s3, s7;
	s7 =	simm.s32 @!p0 $0x108  }
0x21: {  	s3 =	sadd.s32 s3, s9;
	s6 =	sadd.s32 @!p0 $0x88, s6;
	s7 =	simm.s32 @p2 $0x1082  }
0x22: {  	[simem:s7], [sflag:s8] =	dma.local @!p0 [hbm:s6], $0xF7A  }
0x23: {  	s9 =	sor.u32 $0xD0000000, s2;
	s6 =	simm.s32 $0x108;
	_ =	swait.ge @!p0 [sflag:s8], $0x0  }
0x24: {  	s3 =	sadd.s32 $0x88, s3;
	s6 =	simm.s32 @!p1 $0x1082;
	[sflag:s4] =	ssyncset.s32 $0xFFFFF086  }
0x25: {  	[simem:s6], [sflag:s4] =	dma.local [hbm:s3], $0xF7A  }
0x26: {  	[smem:$0x3F9A] =	sst s1;
	(tag) =	ssettag s2;
	_ =	strace s9  }
0x27: {  	s1 =	sld [smem:$0x3FAA]  }
0x28: {  	s2 =	sld [smem:$0x3FAB]  }
0x29: {  	s4 =	sld [smem:$0x3FAD]  }
0x2a: {  	p0 =	seq.s32 s5, $0x0;
	s5 =	sld [smem:$0x3FAE]  }
0x2b: {  	s6 =	sld [smem:$0x3FAF]  }
0x2c: {  	s7 =	sld [smem:$0x3FB0]  }
0x2d: {  	s3 =	simm.s32 $0x108;
	s8 =	sld [smem:$0x3FB1]  }
0x2e: {  	s3 =	simm.s32 @!p0 $0x1082;
	s9 =	sld [smem:$0x3FB2]  }
0x2f: {  	lr =	sadd.s32 s0, s3;
	s0 =	sld [smem:$0x3FA9]  }
0x30: {  	s3 =	sld [smem:$0x3FAC]  }
0x31: {  	[smem:$0x3FB5] =	sst s10  }
0x32: {  	s10 =	sld [smem:$0x3FB3];
	_ =	sdelay $0x3  }
0x33: {  	p0 =	seq.s32 s10, $0x1;
	s10 =	sld [smem:$0x3FB5];
	_ =	sdelay $0x3  }
0x34: {  	[smem:$0x3FB5] =	sst s10  }
0x35: {  	s10 =	sld [smem:$0x3FB4];
	_ =	sdelay $0x3  }
0x36: {  	p1 =	seq.s32 s10, $0x1;
	s10 =	sld [smem:$0x3FB5];
	_ =	sdelay $0x3  }
0x37: {  	[smem:$0x3FB5] =	sst s10  }
0x38: {  	s10 =	sld [smem:$0x3FB6]  }
0x39: {  	_ = 	snop;
	(pc) =	sbr.ind lr, $3  }
0x3a: {  	_ = 	snop  }
0x3b: {  	_ = 	snop  }
0x3c: {  	p2 =	seq.s32 s10, $0x1;
	s10 =	sld [smem:$0x3FB5]  }
0x3d: {  	_ =	shalt  }
0x3e: {  	_ =	shalt  }
0x3f: {  	_ =	shalt  }
0x40: {  	_ =	shalt  }
0x41: {  	_ =	shalt  }
0x42: {  	_ =	shalt  }
0x43: {  	_ =	shalt  }
0x44: {  	_ =	shalt  }
0x45: {  	_ =	shalt  }
0x46: {  	_ =	shalt  }
0x47: {  	_ =	shalt  }
0x48: {  	_ =	shalt  }
0x49: {  	_ =	shalt  }
0x4a: {  	_ =	shalt  }
0x4b: {  	_ =	shalt  }
0x4c: {  	_ =	shalt  }
0x4d: {  	_ =	shalt  }
0x4e: {  	_ =	shalt  }
0x4f: {  	_ =	shalt  }
0x50: {  	_ =	shalt  }
0x51: {  	_ =	shalt  }
0x52: {  	_ =	shalt  }
0x53: {  	_ =	shalt  }
0x54: {  	_ =	shalt  }
0x55: {  	_ =	shalt  }
0x56: {  	_ =	shalt  }
0x57: {  	_ =	shalt  }
0x58: {  	_ =	shalt  }
0x59: {  	_ =	shalt  }
0x5a: {  	_ =	shalt  }
0x5b: {  	_ =	shalt  }
0x5c: {  	_ =	shalt  }
0x5d: {  	_ =	shalt  }
0x5e: {  	_ =	shalt  }
0x5f: {  	_ =	shalt  }
0x60: {  	_ =	shalt  }
0x61: {  	_ =	shalt  }
0x62: {  	_ =	shalt  }
0x63: {  	_ =	shalt  }
0x64: {  	_ =	shalt  }
0x65: {  	_ =	shalt  }
0x66: {  	_ =	shalt  }
0x67: {  	_ =	shalt  }
0x68: {  	_ =	shalt  }
0x69: {  	_ =	shalt  }
0x6a: {  	_ =	shalt  }
0x6b: {  	_ =	shalt  }
0x6c: {  	_ =	shalt  }
0x6d: {  	_ =	shalt  }
0x6e: {  	_ =	shalt  }
0x6f: {  	_ =	shalt  }
0x70: {  	_ =	shalt  }
0x71: {  	_ =	shalt  }
0x72: {  	_ =	shalt  }
0x73: {  	_ =	shalt  }
0x74: {  	_ =	shalt  }
0x75: {  	_ =	shalt  }
0x76: {  	_ =	shalt  }
0x77: {  	_ =	shalt  }
0x78: {  	_ =	shalt  }
0x79: {  	_ =	shalt  }
0x7a: {  	_ =	shalt  }
0x7b: {  	_ =	shalt  }
0x7c: {  	_ =	shalt  }
0x7d: {  	_ =	shalt  }
0x7e: {  	_ =	shalt  }
0x7f: {  	_ =	shalt  }
0x80: {  	_ =	shalt  }
0x81: {  	_ =	shalt  }
0x82: {  	_ =	shalt  }
0x83: {  	_ =	shalt  }
0x84: {  	_ =	shalt  }
0x85: {  	_ =	shalt  }
0x86: {  	_ =	shalt  }
0x87: {  	_ =	shalt  }
.Lfunc_end0:
.L_simem_size_0:
called_computation.1_lowered:
.L_overlay_start_0:
0x88: {  	s2 =	sld [smem:$0x3FD9]  }
0x89: {  	s3 =	sld [smem:$0x3FFE];
	_ =	sdelay $0x1  }
0x8a: {  	s1 =	srdreg.scid  }
0x8b: {  	s0 =	sand.u32 $0x1, s1  }
0x8c: {  	s17 =	sshll.u32 s0, $0xA;
	s2 =	sadd.s32 s3, s2  }
0x8d: {  	s2 =	sadd.s32 s2, s17  }
0x8e: {  	[smem:$0x3FC1] =	sst s2  }
0x8f: {  	_ = 	snop  }
0x90: {  	s2 =	sld [smem:$0x3FD0];
	(tm) =	ssettm $0x1  }
0x91: {  	s18 =	sld [smem:$0x3FFB];
	_ =	sdelay $0x3  }
0x92: {  	_ =	strace s18  }
0x93: {  	s3 =	sld [smem:$0x3FFC];
	_ =	sdelay $0x3  }
0x94: {  	_ =	strace s3  }
0x95: {  	s3 =	sld [smem:$0x3FFD];
	_ =	sdelay $0x3  }
0x96: {  	_ =	strace s3  }
0x97: {  	_ =	strace $0x8FFFFFFF  }
0x98: {  	s19 =	sld [smem:$0x3FDB];
	_ =	sdelay $0x1  }
0x99: {  	s4 =	simm.s32 $_scs_section_size  }
0x9a: {  	s5 =	simm.s32 $_size__tile_overlayer_lowered;
	s6 =	simm.s32 $_tile_overlayer_lowered  }
0x9b: {  	s22 =	simm.s32 $0x1BFF;
	s21 =	sshll.u32 s6, $0x1;
	s3 =	sadd.s32 s4, s19  }
0x9c: {  	s7 =	simm.s32 $0x0;
	s20 =	sshll.u32 s5, $0x1;
	s5 =	sadd.s32 s21, s3  }
0x9d: {  	[timem:s7], [sflag:s22] =	dma.local [hbm:s5], s20  }
0x9e: {  	_ =	swait.ge [sflag:s22], s20  }
0x9f: {  	s4 =	ssub.s32 $0x0, s20;
	[sflag:s22] =	ssyncset.done $0x0  }
0xa0: {  	[sflag:s22] =	ssyncadd.s32 s4;
	_ =	sdelay $0x1  }
0xa1: {  	s23 =	simm.s32 $0x1B8B  }
0xa2: {  	_ =	swait.ge [sflag:s23], $0x1  }
0xa3: {  	[sflag:s23] =	ssyncset.done $0x0  }
0xa4: {  	s25 =	simm.s32 $0x1B8E;
	s24 =	sld [smem:$0x3FFE];
	[sflag:s23] =	ssyncadd.s32 $0xFFFFFFFF  }
0xa5: {  	s26 =	simm.s32 $execute0_lowered;
	[smem:$0x3FD2] =	sst s25  }
0xa6: {  	s5 =	sshll.u32 s26, $0x1;
	_ =	strace $0x80000049;
	[dreg:$0x1] =	wrdreg $0xFFFFFFFF  }
0xa7: {  	s28 =	simm.s32 $_size_execute0_lowered;
	s3 =	sadd.s32 s3, s5;
	[dreg:$0x0] =	wrdreg $0x0  }
0xa8: {  	s5 =	sshll.u32 s28, $0x1;
	[dreg:$0x2] =	wrdreg s3  }
0xa9: {  	[dreg:$0x3] =	wrdreg s5  }
0xaa: {  	[dreg:$0x4] =	wrdreg $0xC0  }
0xab: {  	_ =	task [dreg:s7], $0x5FFFF  }
0xac: {  	[dreg:$0x1] =	wrdreg $0xFFFFFFFF  }
0xad: {  	[dreg:$0x0] =	wrdreg $0x60  }
0xae: {  	[dreg:$0x2] =	wrdreg s24  }
0xaf: {  	[dreg:$0x3] =	wrdreg s2  }
0xb0: {  	[dreg:$0x4] =	wrdreg $0x9  }
0xb1: {  	_ =	task.clear_ibuf [dreg:s7], $0x5FFFF;
	_ =	strace $0x90000049  }
0xb2: {  	s29 =	simm.s32 $0x9;
	_ =	strace $0x8000004B  }
0xb3: {  	_ =	swait.ge [sflag:s29], $0x1  }
0xb4: {  	[sflag:s29] =	ssyncadd.s32 $0xFFFFFFFF  }
0xb5: {  	_ =	strace $0x9000004B  }
0xb6: {  	_ =	sfence  }
0xb7: {  	s30 =	sld [smem:$0x0];
	_ =	sdelay $0x2  }
0xb8: {  	s31 =	sshll.u32 s1, $0xD;
	s1 =	sshrl.u32 s1, $0x2  }
0xb9: {  	s3 =	sand.u32 $0x4000, s31;
	s1 =	sadd.s32 s1, s30  }
0xba: {  	s0 =	sor.u32 s3, s0;
	s1 =	sshll.u32 s1, $0x11  }
0xbb: {  	s0 =	sor.u32 s1, s0  }
0xbc: {  	s0 =	sadd.s32 $0x8F2B, s0  }
0xbd: {  	[sflag:s0] =	ssyncadd.remote.s32 $0x1  }
0xbe: {  	_ =	sfence.sel $0xFFFF  }
0xbf: {  	[dreg:$0x0] =	wrdreg $0xFFFFFFFF;
	(pc) =	sbr.abs _section_cstart, $3  }
0xc0: {  	[dreg:$0x1] =	wrdreg $0xFFFFFFFF  }
0xc1: {  	_ =	task.clear_ibuf [dreg:s7], $0x2FFFF;
	_ =	strace $0x9FFFFFFF  }
0xc2: {  	(tm) =	ssettm $0x7FFFFFFF  }
0xc3: {  	_ =	shalt  }
tec
execute0_lowered:
.L_overlay_start_1:
0x0: {  	(tag) =	ssettag $0x1  }
0x1: {  	s0 =	rddreg [dreg:$0x0];
	s1 =	srdreg.scid  }
0x2: {  	s2 =	stileid.u32;
	s4 =	rddreg [dreg:$0x1]  }
0x3: {  	s15 =	simm.s32 $0x1;
	s16 =	simm.s32 $0x2;
	s17 =	simm.s32 $0x100  }
0x4: {  	s14 =	simm.s32 $0x8100;
	s19 =	simm.s32 $0xA100;
	s20 =	simm.s32 $0xA900  }
0x5: {  	s10 =	simm.s32 $0xB100;
	s21 =	simm.s32 $0xB900;
	s11 =	simm.s32 $0xC100  }
0x6: {  	s22 =	simm.s32 $0xC900;
	s12 =	simm.s32 $0xD100;
	s13 =	simm.s32 $0xE100  }
0x7: {  	s28 =	simm.s32 $0x3;
	s1 =	sand.u32 $0x1, s1;
	s3 =	sshll.u32 s2, $0x1  }
0x8: {  	s29 =	simm.s32 $0x4;
	s30 =	simm.s32 $0x0;
	s5 =	sor.u32 s1, s3  }
0x9: {  	s2 =	simm.s32 $0x0;
	s8 =	sadd.s32 $0xD3700, s0;
	s3 =	sshll.u32 s5, $0x4  }
0xa: {  	[smem:$0x7FF] =	sst s2;
	s1 =	ssub.s32 $0x2, s1;
	s6 =	sadd.s32 s3, s0  }
0xb: {  	_ =	strace $0x8000004A;
	s5 =	sshll.u32 s5, $0xD;
	s23 =	sadd.s32 $0x11A00, s6  }
0xc: {  	s9 =	sadd.s32 s4, s5;
	s6 =	sadd.s32 $0x11800, s6;
	[dreg:$0x3] =	wrdreg s23  }
0xd: {  	s7 =	sshrl.u32 s1, $0x1;
	s24 =	sadd.s32 $0x800, s9;
	[dreg:$0x4] =	wrdreg s6  }
0xe: {  	s3 =	sadd.s32 $0xD3400, s0;
	s25 =	sadd.s32 $0x1000, s9;
	[dreg:$0x5] =	wrdreg s24  }
0xf: {  	s1 =	ssub.s32 s1, s7;
	s26 =	sadd.s32 $0x1800, s9;
	[dreg:$0x6] =	wrdreg s25  }
0x10: {  	v2 =	vlaneseq.u32;
	s7 =	sadd.s32 $0xD3600, s0;
	s31 =	smax.u32 s1, $0x1;
	[dreg:$0x7] =	wrdreg s26  }
0x11: {  	vm0 =	vmmov $0xffff;
	v1 =	vshrl.u32 v2, $0x3;
	s6 =	sadd.s32 $0xD3500, s0;
	[dreg:$0x8] =	wrdreg s31;
	s23 =	simm.s32 $0xD900  }
0x12: {  	v0 =	vand.u32 $0x7, v2;
	v2 =	vor.u32 $0x8, v2;
	v1 =	vmul.u32 $0x8, v1;
	s24 =	simm.s32 $0xE900;
	s25 =	simm.s32 $0xF100;
	s26 =	simm.s32 $0xF900  }
.LBB2_1:
0x13: {  	s0 =	rddreg [dreg:$0x3]  }
0x14: {  	[tilespmem:s2], [sflag:$0x1] =	stream.linear.gather [hbm4b:s0+s2], $0x80, $0x38;
	[tilespmem:$0x10100] =	vst v63  }
0x15: {  	s4 =	rddreg [dreg:$0x4];
	s1 =	simm.s32 $0x80  }
0x16: {  	[tilespmem:s1], [sflag:$0x2] =	stream.linear.gather [hbm4b:s4+s2], $0x80, $0x38;
	[tilespmem:$0x10100] =	vst v63  }
0x17: {  	_ =	swait.ge [sflag:s15], $0x80  }
0x18: {  	[sflag:s15] =	ssyncset.done $0x0  }
0x19: {  	[sflag:s15] =	ssyncadd.s32 $0xFFFFFF80  }
0x1a: {  	_ =	swait.ge [sflag:s16], $0x80  }
0x1b: {  	[sflag:s16] =	ssyncset.done $0x0  }
0x1c: {  	[sflag:s16] =	ssyncadd.s32 $0xFFFFFF80  }
0x1d: {  	v3 =	vld [tilespmem:$0x0];
	_ =	sdelay $0x4  }
0x1e: {  	v4 =	vshll.u32 v3, $0x3  }
0x1f: {  	v3 =	vand.u32 $0x7, v3;
	v4 =	vand.u32 $0xFFFFFFC0, v4  }
0x20: {  	v3 =	vor.u32 v3, v4  }
0x21: {  	v4 =	vperm.xlane v3, v0;
	_ =	sdelay $0x1  }
0x22: {  	v4 =	vadd.s32 v1, v4;
	_ =	sdelay $0x4  }
0x23: {  	[tilespmem:s17], [sflag:$0x1] =	stream.indirect_vreg.gather [hbm4b:s3+s2], $0x80, v4, vm0, $0xb8;
	[tilespmem:$0x10100] =	vst v63  }
0x24: {  	s5 =	simm.s32 $0x900;
	v3 =	vperm.xlane v3, v2  }
0x25: {  	[tilespmem:s5], [sflag:$0x1] =	stream.indirect_vreg.gather [hbm4b:s6+s2], $0x80, v4, vm0, $0xb8;
	[tilespmem:$0x10100] =	vst v63  }
0x26: {  	s18 =	simm.s32 $0x1100;
	v3 =	vadd.s32 v1, v3  }
0x27: {  	[tilespmem:s18], [sflag:$0x1] =	stream.indirect_vreg.gather [hbm4b:s7+s2], $0x80, v4, vm0, $0xb8;
	[tilespmem:$0x10100] =	vst v63  }
0x28: {  	s1 =	simm.s32 $0x1900  }
0x29: {  	[tilespmem:s1], [sflag:$0x1] =	stream.indirect_vreg.gather [hbm4b:s8+s2], $0x80, v4, vm0, $0xb8;
	[tilespmem:$0x10100] =	vst v63  }
0x2a: {  	s4 =	simm.s32 $0x2100  }
0x2b: {  	[tilespmem:s4], [sflag:$0x1] =	stream.indirect_vreg.gather [hbm4b:s3+s2], $0x80, v3, vm0, $0xb8;
	[tilespmem:$0x10100] =	vst v63  }
0x2c: {  	s5 =	simm.s32 $0x2900  }
0x2d: {  	[tilespmem:s5], [sflag:$0x1] =	stream.indirect_vreg.gather [hbm4b:s6+s2], $0x80, v3, vm0, $0xb8;
	[tilespmem:$0x10100] =	vst v63  }
0x2e: {  	s18 =	simm.s32 $0x3100  }
0x2f: {  	[tilespmem:s18], [sflag:$0x1] =	stream.indirect_vreg.gather [hbm4b:s7+s2], $0x80, v3, vm0, $0xb8;
	[tilespmem:$0x10100] =	vst v63  }
0x30: {  	s1 =	simm.s32 $0x3900  }
0x31: {  	[tilespmem:s1], [sflag:$0x1] =	stream.indirect_vreg.gather [hbm4b:s8+s2], $0x80, v3, vm0, $0xb8;
	[tilespmem:$0x10100] =	vst v63  }
0x32: {  	v3 =	vld [tilespmem:$0x80];
	_ =	sdelay $0x4  }
0x33: {  	v4 =	vshll.u32 v3, $0x3  }
0x34: {  	v3 =	vand.u32 $0x7, v3;
	v4 =	vand.u32 $0xFFFFFFC0, v4  }
0x35: {  	v3 =	vor.u32 v3, v4  }
0x36: {  	v4 =	vperm.xlane v3, v0;
	_ =	sdelay $0x1  }
0x37: {  	v4 =	vadd.s32 v1, v4;
	_ =	sdelay $0x3  }
0x38: {  	s4 =	simm.s32 $0x4100  }
0x39: {  	[tilespmem:s4], [sflag:$0x2] =	stream.indirect_vreg.gather [hbm4b:s3+s2], $0x80, v4, vm0, $0xb8;
	[tilespmem:$0x10100] =	vst v63  }
0x3a: {  	s5 =	simm.s32 $0x4900;
	v3 =	vperm.xlane v3, v2  }
0x3b: {  	[tilespmem:s5], [sflag:$0x2] =	stream.indirect_vreg.gather [hbm4b:s6+s2], $0x80, v4, vm0, $0xb8;
	[tilespmem:$0x10100] =	vst v63  }
0x3c: {  	s18 =	simm.s32 $0x5100;
	v3 =	vadd.s32 v1, v3  }
0x3d: {  	[tilespmem:s18], [sflag:$0x2] =	stream.indirect_vreg.gather [hbm4b:s7+s2], $0x80, v4, vm0, $0xb8;
	[tilespmem:$0x10100] =	vst v63  }
0x3e: {  	s1 =	simm.s32 $0x5900  }
0x3f: {  	[tilespmem:s1], [sflag:$0x2] =	stream.indirect_vreg.gather [hbm4b:s8+s2], $0x80, v4, vm0, $0xb8;
	[tilespmem:$0x10100] =	vst v63  }
0x40: {  	s4 =	simm.s32 $0x6100  }
0x41: {  	[tilespmem:s4], [sflag:$0x2] =	stream.indirect_vreg.gather [hbm4b:s3+s2], $0x80, v3, vm0, $0xb8;
	[tilespmem:$0x10100] =	vst v63  }
0x42: {  	s5 =	simm.s32 $0x6900  }
0x43: {  	[tilespmem:s5], [sflag:$0x2] =	stream.indirect_vreg.gather [hbm4b:s6+s2], $0x80, v3, vm0, $0xb8;
	[tilespmem:$0x10100] =	vst v63  }
0x44: {  	s18 =	simm.s32 $0x7100  }
0x45: {  	[tilespmem:s18], [sflag:$0x2] =	stream.indirect_vreg.gather [hbm4b:s7+s2], $0x80, v3, vm0, $0xb8;
	[tilespmem:$0x10100] =	vst v63  }
0x46: {  	s1 =	simm.s32 $0x7900  }
0x47: {  	[tilespmem:s1], [sflag:$0x2] =	stream.indirect_vreg.gather [hbm4b:s8+s2], $0x80, v3, vm0, $0xb8;
	[tilespmem:$0x10100] =	vst v63  }
0x48: {  	_ =	swait.ge [sflag:s15], $0x4000  }
0x49: {  	[sflag:s15] =	ssyncset.done $0x0  }
0x4a: {  	s31 =	simm.s32 $0x0;
	s4 =	simm.s32 $0x0;
	[sflag:s15] =	ssyncadd.s32 $0xFFFFC000  }
0x4b: {  	s0 =	sand.u32 $0x2000, s4;
	s5 =	sand.u32 $0x1C00, s2;
	_ =	swait.ge [sflag:s16], $0x4000  }
0x4c: {  	s0 =	sor.u32 s5, s0;
	s18 =	sand.u32 $0x380, s31;
	[sflag:s16] =	ssyncset.done $0x0  }
0x4d: {  	s31 =	sor.u32 s18, s0;
	[sflag:s16] =	ssyncadd.s32 $0xFFFFC000  }
0x4e: {  	v10 =	vld [tilespmem:s31+$0x4100]  }
0x4f: {  	v9 =	vld [tilespmem:s31+$0x4110]  }
0x50: {  	v8 =	vld [tilespmem:s31+$0x4120]  }
0x51: {  	v7 =	vld [tilespmem:s31+$0x4130]  }
0x52: {  	v6 =	vld [tilespmem:s31+$0x4140]  }
0x53: {  	v5 =	vld [tilespmem:s31+$0x4150]  }
0x54: {  	v4 =	vld [tilespmem:s31+$0x4160]  }
0x55: {  	v3 =	vld [tilespmem:s31+$0x4170]  }
0x56: {  	v13 =	vld [tilespmem:s31+$0x100]  }
0x57: {  	v12 =	vld [tilespmem:s31+$0x110]  }
0x58: {  	s0 =	simm.s32 $0x0;
	s1 =	simm.s32 $0x0;
	v11 =	vld [tilespmem:s31+$0x120]  }
.LBB2_2:
0x59: {  	s1 =	sadd.s32 $0x8, s1;
	v14 =	vld [tilespmem:s31+$0x130]  }
0x5a: {  	s0 =	sadd.s32 $0x400, s0;
	s4 =	sshll.u32 s1, $0x4;
	p0 =	slt.u32 s1, $0x3F8;
	v15 =	vld [tilespmem:s31+$0x140]  }
0x5b: {  	s5 =	sand.u32 $0x1C00, s0;
	s18 =	sshll.u32 s1, $0x1;
	s4 =	sand.u32 $0x2000, s4;
	v10 =	vadd.f32 v10, v13;
	v13 =	vld [tilespmem:s31+$0x150]  }
0x5c: {  	s4 =	sor.u32 s5, s4;
	s5 =	sand.u32 $0x380, s18;
	v9 =	vadd.f32 v9, v12;
	v12 =	vld [tilespmem:s31+$0x160]  }
0x5d: {  	s4 =	sor.u32 s5, s4;
	[tilespmem:s31+$0x100] =	vst v10;
	v8 =	vadd.f32 v8, v11;
	v11 =	vld [tilespmem:s31+$0x170]  }
0x5e: {  	v10 =	vld [tilespmem:s4+$0x4100];
	[tilespmem:s31+$0x110] =	vst v9;
	v7 =	vadd.f32 v7, v14  }
0x5f: {  	v9 =	vld [tilespmem:s4+$0x4110];
	[tilespmem:s31+$0x120] =	vst v8;
	v6 =	vadd.f32 v6, v15  }
0x60: {  	v8 =	vld [tilespmem:s4+$0x4120];
	[tilespmem:s31+$0x130] =	vst v7;
	v5 =	vadd.f32 v5, v13  }
0x61: {  	v7 =	vld [tilespmem:s4+$0x4130];
	[tilespmem:s31+$0x140] =	vst v6;
	v4 =	vadd.f32 v4, v12  }
0x62: {  	v6 =	vld [tilespmem:s4+$0x4140];
	[tilespmem:s31+$0x150] =	vst v5;
	v3 =	vadd.f32 v3, v11  }
0x63: {  	v5 =	vld [tilespmem:s4+$0x4150];
	[tilespmem:s31+$0x160] =	vst v4  }
.Ltmp0:
0x64: {  	v4 =	vld [tilespmem:s4+$0x4160];
	[tilespmem:s31+$0x170] =	vst v3;
	s31 =	smov.u32 s4;
	(pc) =	sbr.rel @p0 .LBB2_2-.Ltmp0, $4  }
0x65: {  	v3 =	vld [tilespmem:s31+$0x4170]  }
0x66: {  	v13 =	vld [tilespmem:s31+$0x100]  }
0x67: {  	v12 =	vld [tilespmem:s31+$0x110]  }
0x68: {  	v11 =	vld [tilespmem:s31+$0x120]  }
0x69: {  	v14 =	vld [tilespmem:s31+$0x130]  }
0x6a: {  	v15 =	vld [tilespmem:s31+$0x140]  }
0x6b: {  	v10 =	vadd.f32 v10, v13;
	v13 =	vld [tilespmem:s31+$0x150]  }
0x6c: {  	v9 =	vadd.f32 v9, v12;
	v12 =	vld [tilespmem:s31+$0x160]  }
0x6d: {  	[tilespmem:s31+$0x100] =	vst v10;
	v8 =	vadd.f32 v8, v11;
	v10 =	vld [tilespmem:s31+$0x170]  }
0x6e: {  	[tilespmem:s31+$0x110] =	vst v9;
	v7 =	vadd.f32 v7, v14  }
0x6f: {  	v6 =	vadd.f32 v6, v15;
	[tilespmem:s31+$0x120] =	vst v8  }
0x70: {  	[tilespmem:s31+$0x130] =	vst v7;
	v5 =	vadd.f32 v5, v13  }
0x71: {  	[tilespmem:s31+$0x140] =	vst v6;
	v4 =	vadd.f32 v4, v12  }
0x72: {  	[tilespmem:s31+$0x150] =	vst v5;
	v3 =	vadd.f32 v3, v10  }
0x73: {  	[tilespmem:s31+$0x160] =	vst v4  }
0x74: {  	[tilespmem:s31+$0x170] =	vst v3;
	s31 =	simm.s32 $0x0  }
0x75: {  	[hbm4b:s9+s31] =	stream.linear.scatter [tilespmem:s17], [sflag:$0x3], $0x4000, $0x38;
	[tilespmem:$0x10100] =	vst v63  }
0x76: {  	v3 =	vld [tilespmem:$0x10];
	_ =	sdelay $0x4  }
0x77: {  	v4 =	vshll.u32 v3, $0x3  }
0x78: {  	v3 =	vand.u32 $0x7, v3;
	v4 =	vand.u32 $0xFFFFFFC0, v4  }
0x79: {  	v3 =	vor.u32 v3, v4  }
0x7a: {  	v4 =	vperm.xlane v3, v0;
	_ =	sdelay $0x1  }
0x7b: {  	v4 =	vadd.s32 v1, v4;
	_ =	sdelay $0x4  }
0x7c: {  	[tilespmem:s14], [sflag:$0x1] =	stream.indirect_vreg.gather [hbm4b:s3+s31], $0x80, v4, vm0, $0xb8;
	[tilespmem:$0x10100] =	vst v63  }
0x7d: {  	s0 =	simm.s32 $0x8900;
	v3 =	vperm.xlane v3, v2  }
0x7e: {  	[tilespmem:s0], [sflag:$0x1] =	stream.indirect_vreg.gather [hbm4b:s6+s31], $0x80, v4, vm0, $0xb8;
	[tilespmem:$0x10100] =	vst v63  }
0x7f: {  	s1 =	simm.s32 $0x9100;
	v3 =	vadd.s32 v1, v3  }
0x80: {  	[tilespmem:s1], [sflag:$0x1] =	stream.indirect_vreg.gather [hbm4b:s7+s31], $0x80, v4, vm0, $0xb8;
	[tilespmem:$0x10100] =	vst v63  }
0x81: {  	s4 =	simm.s32 $0x9900  }
0x82: {  	[tilespmem:s4], [sflag:$0x1] =	stream.indirect_vreg.gather [hbm4b:s8+s31], $0x80, v4, vm0, $0xb8;
	[tilespmem:$0x10100] =	vst v63  }
0x83: {  	_ = 	snop  }
0x84: {  	[tilespmem:s19], [sflag:$0x1] =	stream.indirect_vreg.gather [hbm4b:s3+s31], $0x80, v3, vm0, $0xb8;
	[tilespmem:$0x10100] =	vst v63  }
0x85: {  	_ = 	snop  }
0x86: {  	[tilespmem:s20], [sflag:$0x1] =	stream.indirect_vreg.gather [hbm4b:s6+s31], $0x80, v3, vm0, $0xb8;
	[tilespmem:$0x10100] =	vst v63  }
0x87: {  	_ = 	snop  }
0x88: {  	[tilespmem:s10], [sflag:$0x1] =	stream.indirect_vreg.gather [hbm4b:s7+s31], $0x80, v3, vm0, $0xb8;
	[tilespmem:$0x10100] =	vst v63  }
0x89: {  	_ = 	snop  }
0x8a: {  	[tilespmem:s21], [sflag:$0x1] =	stream.indirect_vreg.gather [hbm4b:s8+s31], $0x80, v3, vm0, $0xb8;
	[tilespmem:$0x10100] =	vst v63  }
0x8b: {  	v3 =	vld [tilespmem:$0x90];
	_ =	sdelay $0x4  }
0x8c: {  	v4 =	vshll.u32 v3, $0x3  }
0x8d: {  	v3 =	vand.u32 $0x7, v3;
	v4 =	vand.u32 $0xFFFFFFC0, v4  }
0x8e: {  	v3 =	vor.u32 v3, v4  }
0x8f: {  	v4 =	vperm.xlane v3, v0;
	_ =	sdelay $0x1  }
0x90: {  	v4 =	vadd.s32 v1, v4;
	_ =	sdelay $0x4  }
0x91: {  	[tilespmem:s11], [sflag:$0x2] =	stream.indirect_vreg.gather [hbm4b:s3+s31], $0x80, v4, vm0, $0xb8;
	[tilespmem:$0x10100] =	vst v63  }
0x92: {  	v3 =	vperm.xlane v3, v2  }
0x93: {  	[tilespmem:s22], [sflag:$0x2] =	stream.indirect_vreg.gather [hbm4b:s6+s31], $0x80, v4, vm0, $0xb8;
	[tilespmem:$0x10100] =	vst v63  }
0x94: {  	v3 =	vadd.s32 v1, v3  }
0x95: {  	[tilespmem:s12], [sflag:$0x2] =	stream.indirect_vreg.gather [hbm4b:s7+s31], $0x80, v4, vm0, $0xb8;
	[tilespmem:$0x10100] =	vst v63  }
0x96: {  	_ = 	snop  }
0x97: {  	[tilespmem:s23], [sflag:$0x2] =	stream.indirect_vreg.gather [hbm4b:s8+s31], $0x80, v4, vm0, $0xb8;
	[tilespmem:$0x10100] =	vst v63  }
0x98: {  	_ = 	snop  }
0x99: {  	[tilespmem:s13], [sflag:$0x2] =	stream.indirect_vreg.gather [hbm4b:s3+s31], $0x80, v3, vm0, $0xb8;
	[tilespmem:$0x10100] =	vst v63  }
0x9a: {  	_ = 	snop  }
0x9b: {  	[tilespmem:s24], [sflag:$0x2] =	stream.indirect_vreg.gather [hbm4b:s6+s31], $0x80, v3, vm0, $0xb8;
	[tilespmem:$0x10100] =	vst v63  }
0x9c: {  	_ = 	snop  }
0x9d: {  	[tilespmem:s25], [sflag:$0x2] =	stream.indirect_vreg.gather [hbm4b:s7+s31], $0x80, v3, vm0, $0xb8;
	[tilespmem:$0x10100] =	vst v63  }
0x9e: {  	_ = 	snop  }
0x9f: {  	[tilespmem:s26], [sflag:$0x2] =	stream.indirect_vreg.gather [hbm4b:s8+s31], $0x80, v3, vm0, $0xb8;
	[tilespmem:$0x10100] =	vst v63  }
0xa0: {  	_ =	swait.ge [sflag:s15], $0x4000  }
0xa1: {  	s5 =	simm.s32 $0x0;
	[sflag:s15] =	ssyncset.done $0x0  }
0xa2: {  	s0 =	sand.u32 $0x2000, s5;
	[sflag:s15] =	ssyncadd.s32 $0xFFFFC000  }
0xa3: {  	s1 =	sand.u32 $0x1C00, s31;
	s4 =	simm.s32 $0x0;
	_ =	swait.ge [sflag:s16], $0x4000  }
0xa4: {  	s0 =	sor.u32 s1, s0;
	s18 =	sand.u32 $0x380, s4;
	[sflag:s16] =	ssyncset.done $0x0  }
0xa5: {  	s1 =	sor.u32 s18, s0;
	[sflag:s16] =	ssyncadd.s32 $0xFFFFC000  }
0xa6: {  	v10 =	vld [tilespmem:s1+$0xC100]  }
0xa7: {  	v9 =	vld [tilespmem:s1+$0xC110]  }
0xa8: {  	v8 =	vld [tilespmem:s1+$0xC120]  }
0xa9: {  	v7 =	vld [tilespmem:s1+$0xC130]  }
0xaa: {  	v6 =	vld [tilespmem:s1+$0xC140]  }
0xab: {  	v5 =	vld [tilespmem:s1+$0xC150]  }
0xac: {  	v4 =	vld [tilespmem:s1+$0xC160]  }
0xad: {  	v3 =	vld [tilespmem:s1+$0xC170]  }
0xae: {  	v13 =	vld [tilespmem:s1+$0x8100]  }
0xaf: {  	v12 =	vld [tilespmem:s1+$0x8110]  }
0xb0: {  	s0 =	simm.s32 $0x0;
	v11 =	vld [tilespmem:s1+$0x8120]  }
.LBB2_4:
0xb1: {  	s0 =	sadd.s32 $0x8, s0;
	v14 =	vld [tilespmem:s1+$0x8130]  }
0xb2: {  	s31 =	sadd.s32 $0x400, s31;
	s4 =	sshll.u32 s0, $0x4;
	p0 =	slt.u32 s0, $0x3F8;
	v15 =	vld [tilespmem:s1+$0x8140]  }
0xb3: {  	s5 =	sand.u32 $0x1C00, s31;
	s18 =	sshll.u32 s0, $0x1;
	s4 =	sand.u32 $0x2000, s4;
	v10 =	vadd.f32 v10, v13;
	v13 =	vld [tilespmem:s1+$0x8150]  }
0xb4: {  	s4 =	sor.u32 s5, s4;
	s5 =	sand.u32 $0x380, s18;
	v9 =	vadd.f32 v9, v12;
	v12 =	vld [tilespmem:s1+$0x8160]  }
0xb5: {  	s4 =	sor.u32 s5, s4;
	[tilespmem:s1+$0x8100] =	vst v10;
	v8 =	vadd.f32 v8, v11;
	v11 =	vld [tilespmem:s1+$0x8170]  }
0xb6: {  	v10 =	vld [tilespmem:s4+$0xC100];
	[tilespmem:s1+$0x8110] =	vst v9;
	v7 =	vadd.f32 v7, v14  }
0xb7: {  	v9 =	vld [tilespmem:s4+$0xC110];
	[tilespmem:s1+$0x8120] =	vst v8;
	v6 =	vadd.f32 v6, v15  }
0xb8: {  	v8 =	vld [tilespmem:s4+$0xC120];
	[tilespmem:s1+$0x8130] =	vst v7;
	v5 =	vadd.f32 v5, v13  }
0xb9: {  	v7 =	vld [tilespmem:s4+$0xC130];
	[tilespmem:s1+$0x8140] =	vst v6;
	v4 =	vadd.f32 v4, v12  }
0xba: {  	v6 =	vld [tilespmem:s4+$0xC140];
	[tilespmem:s1+$0x8150] =	vst v5;
	v3 =	vadd.f32 v3, v11  }
0xbb: {  	v5 =	vld [tilespmem:s4+$0xC150];
	[tilespmem:s1+$0x8160] =	vst v4  }
.Ltmp1:
0xbc: {  	v4 =	vld [tilespmem:s4+$0xC160];
	[tilespmem:s1+$0x8170] =	vst v3;
	s1 =	smov.u32 s4;
	(pc) =	sbr.rel @p0 .LBB2_4-.Ltmp1, $4  }
0xbd: {  	v3 =	vld [tilespmem:s1+$0xC170]  }
0xbe: {  	v13 =	vld [tilespmem:s1+$0x8100]  }
0xbf: {  	v12 =	vld [tilespmem:s1+$0x8110]  }
0xc0: {  	v11 =	vld [tilespmem:s1+$0x8120]  }
0xc1: {  	v14 =	vld [tilespmem:s1+$0x8130]  }
0xc2: {  	v15 =	vld [tilespmem:s1+$0x8140]  }
0xc3: {  	v10 =	vadd.f32 v10, v13;
	v13 =	vld [tilespmem:s1+$0x8150]  }
0xc4: {  	v9 =	vadd.f32 v9, v12;
	v12 =	vld [tilespmem:s1+$0x8160]  }
0xc5: {  	[tilespmem:s1+$0x8100] =	vst v10;
	v8 =	vadd.f32 v8, v11;
	v10 =	vld [tilespmem:s1+$0x8170]  }
0xc6: {  	[tilespmem:s1+$0x8110] =	vst v9;
	v7 =	vadd.f32 v7, v14  }
0xc7: {  	v6 =	vadd.f32 v6, v15;
	[tilespmem:s1+$0x8120] =	vst v8  }
0xc8: {  	[tilespmem:s1+$0x8130] =	vst v7;
	v5 =	vadd.f32 v5, v13  }
0xc9: {  	[tilespmem:s1+$0x8140] =	vst v6;
	v4 =	vadd.f32 v4, v12  }
0xca: {  	[tilespmem:s1+$0x8150] =	vst v5;
	v3 =	vadd.f32 v3, v10  }
0xcb: {  	[tilespmem:s1+$0x8160] =	vst v4  }
0xcc: {  	s31 =	simm.s32 $0x0;
	s0 =	rddreg [dreg:$0x5];
	[tilespmem:s1+$0x8170] =	vst v3  }
0xcd: {  	[hbm4b:s0+s31] =	stream.linear.scatter [tilespmem:s14], [sflag:$0x4], $0x4000, $0x38;
	[tilespmem:$0x10100] =	vst v63  }
0xce: {  	_ =	swait.ge [sflag:s28], $0x4000  }
0xcf: {  	[sflag:s28] =	ssyncset.done $0x0  }
0xd0: {  	[sflag:s28] =	ssyncadd.s32 $0xFFFFC000  }
0xd1: {  	v3 =	vld [tilespmem:$0x20];
	_ =	sdelay $0x4  }
0xd2: {  	v4 =	vshll.u32 v3, $0x3  }
0xd3: {  	v3 =	vand.u32 $0x7, v3;
	v4 =	vand.u32 $0xFFFFFFC0, v4  }
0xd4: {  	v3 =	vor.u32 v3, v4  }
0xd5: {  	v4 =	vperm.xlane v3, v0;
	_ =	sdelay $0x1  }
0xd6: {  	v4 =	vadd.s32 v1, v4;
	_ =	sdelay $0x4  }
0xd7: {  	[tilespmem:s17], [sflag:$0x1] =	stream.indirect_vreg.gather [hbm4b:s3+s31], $0x80, v4, vm0, $0xb8;
	[tilespmem:$0x10100] =	vst v63  }
0xd8: {  	s5 =	simm.s32 $0x900;
	v3 =	vperm.xlane v3, v2  }
0xd9: {  	[tilespmem:s5], [sflag:$0x1] =	stream.indirect_vreg.gather [hbm4b:s6+s31], $0x80, v4, vm0, $0xb8;
	[tilespmem:$0x10100] =	vst v63  }
0xda: {  	s18 =	simm.s32 $0x1100;
	v3 =	vadd.s32 v1, v3  }
0xdb: {  	[tilespmem:s18], [sflag:$0x1] =	stream.indirect_vreg.gather [hbm4b:s7+s31], $0x80, v4, vm0, $0xb8;
	[tilespmem:$0x10100] =	vst v63  }
0xdc: {  	s1 =	simm.s32 $0x1900  }
0xdd: {  	[tilespmem:s1], [sflag:$0x1] =	stream.indirect_vreg.gather [hbm4b:s8+s31], $0x80, v4, vm0, $0xb8;
	[tilespmem:$0x10100] =	vst v63  }
0xde: {  	s4 =	simm.s32 $0x2100  }
0xdf: {  	[tilespmem:s4], [sflag:$0x1] =	stream.indirect_vreg.gather [hbm4b:s3+s31], $0x80, v3, vm0, $0xb8;
	[tilespmem:$0x10100] =	vst v63  }
0xe0: {  	s5 =	simm.s32 $0x2900  }
0xe1: {  	[tilespmem:s5], [sflag:$0x1] =	stream.indirect_vreg.gather [hbm4b:s6+s31], $0x80, v3, vm0, $0xb8;
	[tilespmem:$0x10100] =	vst v63  }
0xe2: {  	s18 =	simm.s32 $0x3100  }
0xe3: {  	[tilespmem:s18], [sflag:$0x1] =	stream.indirect_vreg.gather [hbm4b:s7+s31], $0x80, v3, vm0, $0xb8;
	[tilespmem:$0x10100] =	vst v63  }
0xe4: {  	s1 =	simm.s32 $0x3900  }
0xe5: {  	[tilespmem:s1], [sflag:$0x1] =	stream.indirect_vreg.gather [hbm4b:s8+s31], $0x80, v3, vm0, $0xb8;
	[tilespmem:$0x10100] =	vst v63  }
0xe6: {  	v3 =	vld [tilespmem:$0xA0];
	_ =	sdelay $0x4  }
0xe7: {  	v4 =	vshll.u32 v3, $0x3  }
0xe8: {  	v3 =	vand.u32 $0x7, v3;
	v4 =	vand.u32 $0xFFFFFFC0, v4  }
0xe9: {  	v3 =	vor.u32 v3, v4  }
0xea: {  	v4 =	vperm.xlane v3, v0;
	_ =	sdelay $0x1  }
0xeb: {  	v4 =	vadd.s32 v1, v4;
	_ =	sdelay $0x3  }
0xec: {  	s4 =	simm.s32 $0x4100  }
0xed: {  	[tilespmem:s4], [sflag:$0x2] =	stream.indirect_vreg.gather [hbm4b:s3+s31], $0x80, v4, vm0, $0xb8;
	[tilespmem:$0x10100] =	vst v63  }
0xee: {  	s5 =	simm.s32 $0x4900;
	v3 =	vperm.xlane v3, v2  }
0xef: {  	[tilespmem:s5], [sflag:$0x2] =	stream.indirect_vreg.gather [hbm4b:s6+s31], $0x80, v4, vm0, $0xb8;
	[tilespmem:$0x10100] =	vst v63  }
0xf0: {  	s18 =	simm.s32 $0x5100;
	v3 =	vadd.s32 v1, v3  }
0xf1: {  	[tilespmem:s18], [sflag:$0x2] =	stream.indirect_vreg.gather [hbm4b:s7+s31], $0x80, v4, vm0, $0xb8;
	[tilespmem:$0x10100] =	vst v63  }
0xf2: {  	s1 =	simm.s32 $0x5900  }
0xf3: {  	[tilespmem:s1], [sflag:$0x2] =	stream.indirect_vreg.gather [hbm4b:s8+s31], $0x80, v4, vm0, $0xb8;
	[tilespmem:$0x10100] =	vst v63  }
0xf4: {  	s4 =	simm.s32 $0x6100  }
0xf5: {  	[tilespmem:s4], [sflag:$0x2] =	stream.indirect_vreg.gather [hbm4b:s3+s31], $0x80, v3, vm0, $0xb8;
	[tilespmem:$0x10100] =	vst v63  }
0xf6: {  	s5 =	simm.s32 $0x6900  }
0xf7: {  	[tilespmem:s5], [sflag:$0x2] =	stream.indirect_vreg.gather [hbm4b:s6+s31], $0x80, v3, vm0, $0xb8;
	[tilespmem:$0x10100] =	vst v63  }
0xf8: {  	s18 =	simm.s32 $0x7100  }
0xf9: {  	[tilespmem:s18], [sflag:$0x2] =	stream.indirect_vreg.gather [hbm4b:s7+s31], $0x80, v3, vm0, $0xb8;
	[tilespmem:$0x10100] =	vst v63  }
0xfa: {  	s1 =	simm.s32 $0x7900  }
0xfb: {  	[tilespmem:s1], [sflag:$0x2] =	stream.indirect_vreg.gather [hbm4b:s8+s31], $0x80, v3, vm0, $0xb8;
	[tilespmem:$0x10100] =	vst v63  }
0xfc: {  	_ =	swait.ge [sflag:s15], $0x4000  }
0xfd: {  	s4 =	simm.s32 $0x0;
	[sflag:s15] =	ssyncset.done $0x0  }
0xfe: {  	s0 =	sand.u32 $0x2000, s4;
	[sflag:s15] =	ssyncadd.s32 $0xFFFFC000  }
0xff: {  	s4 =	simm.s32 $0x0;
	s5 =	sand.u32 $0x1C00, s31;
	_ =	swait.ge [sflag:s16], $0x4000  }
0x100: {  	s0 =	sor.u32 s5, s0;
	s18 =	sand.u32 $0x380, s4;
	[sflag:s16] =	ssyncset.done $0x0  }
0x101: {  	s1 =	sor.u32 s18, s0;
	[sflag:s16] =	ssyncadd.s32 $0xFFFFC000  }
0x102: {  	v10 =	vld [tilespmem:s1+$0x4100]  }
0x103: {  	v9 =	vld [tilespmem:s1+$0x4110]  }
0x104: {  	v8 =	vld [tilespmem:s1+$0x4120]  }
0x105: {  	v7 =	vld [tilespmem:s1+$0x4130]  }
0x106: {  	v6 =	vld [tilespmem:s1+$0x4140]  }
0x107: {  	v5 =	vld [tilespmem:s1+$0x4150]  }
0x108: {  	v4 =	vld [tilespmem:s1+$0x4160]  }
0x109: {  	v3 =	vld [tilespmem:s1+$0x4170]  }
0x10a: {  	v13 =	vld [tilespmem:s1+$0x100]  }
0x10b: {  	v12 =	vld [tilespmem:s1+$0x110]  }
0x10c: {  	s0 =	simm.s32 $0x0;
	v11 =	vld [tilespmem:s1+$0x120]  }
.LBB2_6:
0x10d: {  	s0 =	sadd.s32 $0x8, s0;
	v14 =	vld [tilespmem:s1+$0x130]  }
0x10e: {  	s31 =	sadd.s32 $0x400, s31;
	s4 =	sshll.u32 s0, $0x4;
	p0 =	slt.u32 s0, $0x3F8;
	v15 =	vld [tilespmem:s1+$0x140]  }
0x10f: {  	s5 =	sand.u32 $0x1C00, s31;
	s18 =	sshll.u32 s0, $0x1;
	s4 =	sand.u32 $0x2000, s4;
	v10 =	vadd.f32 v10, v13;
	v13 =	vld [tilespmem:s1+$0x150]  }
0x110: {  	s4 =	sor.u32 s5, s4;
	s5 =	sand.u32 $0x380, s18;
	v9 =	vadd.f32 v9, v12;
	v12 =	vld [tilespmem:s1+$0x160]  }
0x111: {  	s4 =	sor.u32 s5, s4;
	[tilespmem:s1+$0x100] =	vst v10;
	v8 =	vadd.f32 v8, v11;
	v11 =	vld [tilespmem:s1+$0x170]  }
0x112: {  	v10 =	vld [tilespmem:s4+$0x4100];
	[tilespmem:s1+$0x110] =	vst v9;
	v7 =	vadd.f32 v7, v14  }
0x113: {  	v9 =	vld [tilespmem:s4+$0x4110];
	[tilespmem:s1+$0x120] =	vst v8;
	v6 =	vadd.f32 v6, v15  }
0x114: {  	v8 =	vld [tilespmem:s4+$0x4120];
	[tilespmem:s1+$0x130] =	vst v7;
	v5 =	vadd.f32 v5, v13  }
0x115: {  	v7 =	vld [tilespmem:s4+$0x4130];
	[tilespmem:s1+$0x140] =	vst v6;
	v4 =	vadd.f32 v4, v12  }
0x116: {  	v6 =	vld [tilespmem:s4+$0x4140];
	[tilespmem:s1+$0x150] =	vst v5;
	v3 =	vadd.f32 v3, v11  }
0x117: {  	v5 =	vld [tilespmem:s4+$0x4150];
	[tilespmem:s1+$0x160] =	vst v4  }
.Ltmp2:
0x118: {  	v4 =	vld [tilespmem:s4+$0x4160];
	[tilespmem:s1+$0x170] =	vst v3;
	s1 =	smov.u32 s4;
	(pc) =	sbr.rel @p0 .LBB2_6-.Ltmp2, $4  }
0x119: {  	v3 =	vld [tilespmem:s1+$0x4170]  }
0x11a: {  	v13 =	vld [tilespmem:s1+$0x100]  }
0x11b: {  	v12 =	vld [tilespmem:s1+$0x110]  }
0x11c: {  	v11 =	vld [tilespmem:s1+$0x120]  }
0x11d: {  	v14 =	vld [tilespmem:s1+$0x130]  }
0x11e: {  	v15 =	vld [tilespmem:s1+$0x140]  }
0x11f: {  	v10 =	vadd.f32 v10, v13;
	v13 =	vld [tilespmem:s1+$0x150]  }
0x120: {  	v9 =	vadd.f32 v9, v12;
	v12 =	vld [tilespmem:s1+$0x160]  }
0x121: {  	[tilespmem:s1+$0x100] =	vst v10;
	v8 =	vadd.f32 v8, v11;
	v10 =	vld [tilespmem:s1+$0x170]  }
0x122: {  	[tilespmem:s1+$0x110] =	vst v9;
	v7 =	vadd.f32 v7, v14  }
0x123: {  	v6 =	vadd.f32 v6, v15;
	[tilespmem:s1+$0x120] =	vst v8  }
0x124: {  	[tilespmem:s1+$0x130] =	vst v7;
	v5 =	vadd.f32 v5, v13  }
0x125: {  	[tilespmem:s1+$0x140] =	vst v6;
	v4 =	vadd.f32 v4, v12  }
0x126: {  	[tilespmem:s1+$0x150] =	vst v5;
	v3 =	vadd.f32 v3, v10  }
0x127: {  	[tilespmem:s1+$0x160] =	vst v4  }
0x128: {  	s31 =	simm.s32 $0x0;
	s0 =	rddreg [dreg:$0x6];
	[tilespmem:s1+$0x170] =	vst v3  }
0x129: {  	[hbm4b:s0+s31] =	stream.linear.scatter [tilespmem:s17], [sflag:$0x3], $0x4000, $0x38;
	[tilespmem:$0x10100] =	vst v63  }
0x12a: {  	_ =	swait.ge [sflag:s29], $0x4000  }
0x12b: {  	[sflag:s29] =	ssyncset.done $0x0  }
0x12c: {  	[sflag:s29] =	ssyncadd.s32 $0xFFFFC000  }
0x12d: {  	v3 =	vld [tilespmem:$0x30];
	_ =	sdelay $0x4  }
0x12e: {  	v4 =	vshll.u32 v3, $0x3  }
0x12f: {  	v3 =	vand.u32 $0x7, v3;
	v4 =	vand.u32 $0xFFFFFFC0, v4  }
0x130: {  	v3 =	vor.u32 v3, v4  }
0x131: {  	v4 =	vperm.xlane v3, v0;
	_ =	sdelay $0x1  }
0x132: {  	v4 =	vadd.s32 v1, v4;
	_ =	sdelay $0x4  }
0x133: {  	[tilespmem:s14], [sflag:$0x1] =	stream.indirect_vreg.gather [hbm4b:s3+s31], $0x80, v4, vm0, $0xb8;
	[tilespmem:$0x10100] =	vst v63  }
0x134: {  	s5 =	simm.s32 $0x8900;
	v3 =	vperm.xlane v3, v2  }
0x135: {  	[tilespmem:s5], [sflag:$0x1] =	stream.indirect_vreg.gather [hbm4b:s6+s31], $0x80, v4, vm0, $0xb8;
	[tilespmem:$0x10100] =	vst v63  }
0x136: {  	s18 =	simm.s32 $0x9100;
	v3 =	vadd.s32 v1, v3  }
0x137: {  	[tilespmem:s18], [sflag:$0x1] =	stream.indirect_vreg.gather [hbm4b:s7+s31], $0x80, v4, vm0, $0xb8;
	[tilespmem:$0x10100] =	vst v63  }
0x138: {  	s1 =	simm.s32 $0x9900  }
0x139: {  	[tilespmem:s1], [sflag:$0x1] =	stream.indirect_vreg.gather [hbm4b:s8+s31], $0x80, v4, vm0, $0xb8;
	[tilespmem:$0x10100] =	vst v63  }
0x13a: {  	_ = 	snop  }
0x13b: {  	[tilespmem:s19], [sflag:$0x1] =	stream.indirect_vreg.gather [hbm4b:s3+s31], $0x80, v3, vm0, $0xb8;
	[tilespmem:$0x10100] =	vst v63  }
0x13c: {  	_ = 	snop  }
0x13d: {  	[tilespmem:s20], [sflag:$0x1] =	stream.indirect_vreg.gather [hbm4b:s6+s31], $0x80, v3, vm0, $0xb8;
	[tilespmem:$0x10100] =	vst v63  }
0x13e: {  	_ = 	snop  }
0x13f: {  	[tilespmem:s10], [sflag:$0x1] =	stream.indirect_vreg.gather [hbm4b:s7+s31], $0x80, v3, vm0, $0xb8;
	[tilespmem:$0x10100] =	vst v63  }
0x140: {  	_ = 	snop  }
0x141: {  	[tilespmem:s21], [sflag:$0x1] =	stream.indirect_vreg.gather [hbm4b:s8+s31], $0x80, v3, vm0, $0xb8;
	[tilespmem:$0x10100] =	vst v63  }
0x142: {  	v3 =	vld [tilespmem:$0xB0];
	_ =	sdelay $0x4  }
0x143: {  	v4 =	vshll.u32 v3, $0x3  }
0x144: {  	v3 =	vand.u32 $0x7, v3;
	v4 =	vand.u32 $0xFFFFFFC0, v4  }
0x145: {  	v3 =	vor.u32 v3, v4  }
0x146: {  	v4 =	vperm.xlane v3, v0;
	_ =	sdelay $0x1  }
0x147: {  	v4 =	vadd.s32 v1, v4;
	_ =	sdelay $0x4  }
0x148: {  	[tilespmem:s11], [sflag:$0x2] =	stream.indirect_vreg.gather [hbm4b:s3+s31], $0x80, v4, vm0, $0xb8;
	[tilespmem:$0x10100] =	vst v63  }
0x149: {  	v3 =	vperm.xlane v3, v2  }
0x14a: {  	[tilespmem:s22], [sflag:$0x2] =	stream.indirect_vreg.gather [hbm4b:s6+s31], $0x80, v4, vm0, $0xb8;
	[tilespmem:$0x10100] =	vst v63  }
0x14b: {  	v3 =	vadd.s32 v1, v3  }
0x14c: {  	[tilespmem:s12], [sflag:$0x2] =	stream.indirect_vreg.gather [hbm4b:s7+s31], $0x80, v4, vm0, $0xb8;
	[tilespmem:$0x10100] =	vst v63  }
0x14d: {  	_ = 	snop  }
0x14e: {  	[tilespmem:s23], [sflag:$0x2] =	stream.indirect_vreg.gather [hbm4b:s8+s31], $0x80, v4, vm0, $0xb8;
	[tilespmem:$0x10100] =	vst v63  }
0x14f: {  	_ = 	snop  }
0x150: {  	[tilespmem:s13], [sflag:$0x2] =	stream.indirect_vreg.gather [hbm4b:s3+s31], $0x80, v3, vm0, $0xb8;
	[tilespmem:$0x10100] =	vst v63  }
0x151: {  	_ = 	snop  }
0x152: {  	[tilespmem:s24], [sflag:$0x2] =	stream.indirect_vreg.gather [hbm4b:s6+s31], $0x80, v3, vm0, $0xb8;
	[tilespmem:$0x10100] =	vst v63  }
0x153: {  	_ = 	snop  }
0x154: {  	[tilespmem:s25], [sflag:$0x2] =	stream.indirect_vreg.gather [hbm4b:s7+s31], $0x80, v3, vm0, $0xb8;
	[tilespmem:$0x10100] =	vst v63  }
0x155: {  	_ = 	snop  }
0x156: {  	[tilespmem:s26], [sflag:$0x2] =	stream.indirect_vreg.gather [hbm4b:s8+s31], $0x80, v3, vm0, $0xb8;
	[tilespmem:$0x10100] =	vst v63  }
0x157: {  	_ =	swait.ge [sflag:s15], $0x4000  }
0x158: {  	s4 =	simm.s32 $0x0;
	[sflag:s15] =	ssyncset.done $0x0  }
0x159: {  	s0 =	sand.u32 $0x2000, s4;
	[sflag:s15] =	ssyncadd.s32 $0xFFFFC000  }
0x15a: {  	s4 =	simm.s32 $0x0;
	s5 =	sand.u32 $0x1C00, s31;
	_ =	swait.ge [sflag:s16], $0x4000  }
0x15b: {  	s0 =	sor.u32 s5, s0;
	s18 =	sand.u32 $0x380, s4;
	[sflag:s16] =	ssyncset.done $0x0  }
0x15c: {  	s1 =	sor.u32 s18, s0;
	[sflag:s16] =	ssyncadd.s32 $0xFFFFC000  }
0x15d: {  	v10 =	vld [tilespmem:s1+$0xC100]  }
0x15e: {  	v9 =	vld [tilespmem:s1+$0xC110]  }
0x15f: {  	v8 =	vld [tilespmem:s1+$0xC120]  }
0x160: {  	v7 =	vld [tilespmem:s1+$0xC130]  }
0x161: {  	v6 =	vld [tilespmem:s1+$0xC140]  }
0x162: {  	v5 =	vld [tilespmem:s1+$0xC150]  }
0x163: {  	v4 =	vld [tilespmem:s1+$0xC160]  }
0x164: {  	v3 =	vld [tilespmem:s1+$0xC170]  }
0x165: {  	v13 =	vld [tilespmem:s1+$0x8100]  }
0x166: {  	v12 =	vld [tilespmem:s1+$0x8110]  }
0x167: {  	s0 =	simm.s32 $0x0;
	v11 =	vld [tilespmem:s1+$0x8120]  }
.LBB2_8:
0x168: {  	s0 =	sadd.s32 $0x8, s0;
	v14 =	vld [tilespmem:s1+$0x8130]  }
0x169: {  	s31 =	sadd.s32 $0x400, s31;
	s4 =	sshll.u32 s0, $0x4;
	p0 =	slt.u32 s0, $0x3F8;
	v15 =	vld [tilespmem:s1+$0x8140]  }
0x16a: {  	s5 =	sand.u32 $0x1C00, s31;
	s18 =	sshll.u32 s0, $0x1;
	s4 =	sand.u32 $0x2000, s4;
	v10 =	vadd.f32 v10, v13;
	v13 =	vld [tilespmem:s1+$0x8150]  }
0x16b: {  	s4 =	sor.u32 s5, s4;
	s5 =	sand.u32 $0x380, s18;
	v9 =	vadd.f32 v9, v12;
	v12 =	vld [tilespmem:s1+$0x8160]  }
0x16c: {  	s4 =	sor.u32 s5, s4;
	[tilespmem:s1+$0x8100] =	vst v10;
	v8 =	vadd.f32 v8, v11;
	v11 =	vld [tilespmem:s1+$0x8170]  }
0x16d: {  	v10 =	vld [tilespmem:s4+$0xC100];
	[tilespmem:s1+$0x8110] =	vst v9;
	v7 =	vadd.f32 v7, v14  }
0x16e: {  	v9 =	vld [tilespmem:s4+$0xC110];
	[tilespmem:s1+$0x8120] =	vst v8;
	v6 =	vadd.f32 v6, v15  }
0x16f: {  	v8 =	vld [tilespmem:s4+$0xC120];
	[tilespmem:s1+$0x8130] =	vst v7;
	v5 =	vadd.f32 v5, v13  }
0x170: {  	v7 =	vld [tilespmem:s4+$0xC130];
	[tilespmem:s1+$0x8140] =	vst v6;
	v4 =	vadd.f32 v4, v12  }
0x171: {  	v6 =	vld [tilespmem:s4+$0xC140];
	[tilespmem:s1+$0x8150] =	vst v5;
	v3 =	vadd.f32 v3, v11  }
0x172: {  	v5 =	vld [tilespmem:s4+$0xC150];
	[tilespmem:s1+$0x8160] =	vst v4  }
.Ltmp3:
0x173: {  	v4 =	vld [tilespmem:s4+$0xC160];
	[tilespmem:s1+$0x8170] =	vst v3;
	s1 =	smov.u32 s4;
	(pc) =	sbr.rel @p0 .LBB2_8-.Ltmp3, $4  }
0x174: {  	v3 =	vld [tilespmem:s1+$0xC170]  }
0x175: {  	v13 =	vld [tilespmem:s1+$0x8100]  }
0x176: {  	v12 =	vld [tilespmem:s1+$0x8110]  }
0x177: {  	v11 =	vld [tilespmem:s1+$0x8120]  }
0x178: {  	v14 =	vld [tilespmem:s1+$0x8130]  }
0x179: {  	v15 =	vld [tilespmem:s1+$0x8140]  }
0x17a: {  	v61 =	vld [tilespmem:s1+$0x8150];
	v10 =	vadd.f32 v10, v13  }
0x17b: {  	v62 =	vld [tilespmem:s1+$0x8160];
	v9 =	vadd.f32 v9, v12  }
0x17c: {  	v63 =	vld [tilespmem:s1+$0x8170];
	[tilespmem:s1+$0x8100] =	vst v10;
	v8 =	vadd.f32 v8, v11  }
0x17d: {  	[tilespmem:s1+$0x8110] =	vst v9;
	v7 =	vadd.f32 v7, v14  }
0x17e: {  	v6 =	vadd.f32 v6, v15;
	[tilespmem:s1+$0x8120] =	vst v8  }
0x17f: {  	v5 =	vadd.f32 v5, v61;
	[tilespmem:s1+$0x8130] =	vst v7  }
0x180: {  	v4 =	vadd.f32 v4, v62;
	[tilespmem:s1+$0x8140] =	vst v6  }
0x181: {  	v3 =	vadd.f32 v3, v63;
	[tilespmem:s1+$0x8150] =	vst v5  }
0x182: {  	[tilespmem:s1+$0x8160] =	vst v4  }
0x183: {  	s0 =	rddreg [dreg:$0x7];
	[tilespmem:s1+$0x8170] =	vst v3  }
0x184: {  	[hbm4b:s0+s2] =	stream.linear.scatter [tilespmem:s14], [sflag:$0x4], $0x4000, $0x38;
	[tilespmem:$0x10100] =	vst v63  }
0x185: {  	_ =	swait.ge [sflag:s28], $0x4000  }
0x186: {  	[sflag:s28] =	ssyncset.done $0x0  }
0x187: {  	[sflag:s28] =	ssyncadd.s32 $0xFFFFC000  }
0x188: {  	_ =	swait.ge [sflag:s29], $0x4000  }
0x189: {  	s30 =	sadd.s32 $0x1, s30;
	s31 =	rddreg [dreg:$0x8]  }
0x18a: {  	p0 =	sne.s32 s30, s31  }
.Ltmp4:
0x18b: {  	_ = 	snop;
	(pc) =	sbr.rel @p0 .LBB2_1-.Ltmp4, $3  }
0x18c: {  	_ =	sdelay $0x1  }
0x18d: {  	[sflag:s29] =	ssyncset.done $0x0  }
0x18e: {  	[sflag:s29] =	ssyncadd.s32 $0xFFFFC000  }
0x18f: {  	_ =	sfence.sel $0x180000  }
0x190: {  	[bflag:$0x0] =	sbarrier.arrive $0xFFFF  }
0x191: {  	_ =	strace $0x9000004A  }
0x192: {  	s0 =	stileid.u32;
	[bflag:$0x2] =	sbarrier.arrive $0xFFFF  }
0x193: {  	p0 =	sne.s32 s0, $0x0;
	s0 =	rddreg [dreg:$0x2]  }
0x194: {  	s0 =	sadd.s32 @!p0 $0x100000, s0  }
0x195: {  	[sflag:s0] =	ssyncadd.tile.s32 @!p0 $0x1;
	_ =	shalt  }
.Lfunc_end2:
_tile_overlayer_lowered:
.L_overlay_start_2:
0x196: {  	(tag) =	ssettag $0x2  }
0x197: {  	s0 =	rddreg [dreg:$0x0];
	s2 =	stileid.u32  }
0x198: {  	s1 =	rddreg [dreg:$0x1];
	p0 =	sne.s32 s2, $0x0  }
0x199: {  	s3 =	rddreg [dreg:$0x2];
	[bflag:$0x3] =	sbarrier.arrive $0xFFFF;
	s2 =	simm.s32 @!p0 $0x1C05  }
0x19a: {  	[timem:s3], [sflag:s2] =	dma.local @!p0 [hbm:s0], s1  }
0x19b: {  	s0 =	simm.s32 @!p0 $0x5  }
0x19c: {  	_ =	swait.ge @!p0 [sflag:s0], s1  }
0x19d: {  	s1 =	ssub.s32 @!p0 $0x0, s1;
	[sflag:s0] =	ssyncset.done @!p0 $0x0  }
0x19e: {  	[sflag:s0] =	ssyncadd.s32 @!p0 s1  }
0x19f: {  	[bflag:$0x3] =	sbarrier.arrive $0xFFFF  }
0x1a0: {  	_ =	shalt  }

</sc_bundles>
